<compile_context>
chip_gen: v7x
topology: tpu7x:2x2x1
jax: 0.10.2.dev20260603
libtpu: 0.0.44.dev20260713+nightly
codegen_flags: <defaults>
</compile_context>

<pallas_src>
import functools

import jax
import jax.numpy as jnp
from jax import lax
from jax.experimental import pallas as pl
from jax.experimental.pallas import tpu as pltpu
from jax.experimental.pallas import tpu_sc as plsc

N = 10000
E = 320000
D = 128
H = 32
OUT = 32
T = 20

_NC = 2
_NS = 16
_NW = _NC * _NS
_W = 48
_C = 400
_EPW = E // _NW
_NCH = _EPW // _C
_NB = 4
_RPS = 1000
_NZ = N // _RPS


def _proj_body(nf_ref, wself_ref, wneigh_ref, wcls_ref, ps_ref, pn_ref):
    wcls = wcls_ref[...]
    wsc = lax.dot_general(wcls, wself_ref[...], (((1,), (0,)), ((), ())),
                          preferred_element_type=jnp.float32)
    wnc = lax.dot_general(wcls, wneigh_ref[...], (((1,), (0,)), ((), ())),
                          preferred_element_type=jnp.float32)
    x = nf_ref[...]
    ps_ref[...] = lax.dot_general(x, wsc, (((1,), (1,)), ((), ())),
                                  preferred_element_type=jnp.float32)
    pn = lax.dot_general(x, wnc, (((1,), (1,)), ((), ())),
                         preferred_element_type=jnp.float32)
    bn = pn.shape[0]
    pn_ref[...] = jnp.concatenate(
        [pn, jnp.ones((bn, 1), jnp.float32), jnp.zeros((bn, _W - OUT - 1), jnp.float32)],
        axis=1)


def _lstm_body(hist_ref, wih_ref, whh_ref, bp_ref, wcls_ref, out_ref):
    bnp = hist_ref.shape[0]
    wihT = wih_ref[...].T
    whhT = whh_ref[...].T
    wclsT = wcls_ref[...].T
    zh = jnp.zeros((H, H), jnp.float32)

    def bd4(wT):
        rows = []
        for a in range(4):
            groups = []
            for g in range(4):
                parts = [zh] * 4
                parts[a] = wT[:, g * H:(g + 1) * H]
                groups.append(jnp.concatenate(parts, axis=1))
            rows.append(jnp.concatenate(groups, axis=1))
        return jnp.concatenate(rows, axis=0)

    wih_bd = bd4(wihT)
    whh_bd = bd4(whhT)
    crows = []
    for a in range(4):
        parts = [zh] * 4
        parts[a] = wclsT
        crows.append(jnp.concatenate(parts, axis=1))
    wcls_bd = jnp.concatenate(crows, axis=0)

    bp = bp_ref[...]
    h = jnp.zeros((bnp, 4 * H), jnp.float32)
    c = jnp.zeros((bnp, 4 * H), jnp.float32)
    for k in range(T // 4):
        S = [hist_ref[:, T * H * a + 4 * H * k: T * H * a + 4 * H * (k + 1)]
             for a in range(4)]
        for m in range(4):
            x_t = jnp.concatenate(
                [S[a][:, H * m:H * (m + 1)] for a in range(4)], axis=1)
            gates = (lax.dot_general(x_t, wih_bd, (((1,), (0,)), ((), ())),
                                     preferred_element_type=jnp.float32)
                     + lax.dot_general(h, whh_bd, (((1,), (0,)), ((), ())),
                                       preferred_element_type=jnp.float32)
                     + bp)
            i = jax.nn.sigmoid(gates[:, :4 * H])
            f = jax.nn.sigmoid(gates[:, 4 * H:8 * H])
            g = jnp.tanh(gates[:, 8 * H:12 * H])
            o = jax.nn.sigmoid(gates[:, 12 * H:])
            c = f * c + i * g
            h = o * jnp.tanh(c)
    out_ref[...] = lax.dot_general(h, wcls_bd, (((1,), (0,)), ((), ())),
                                   preferred_element_type=jnp.float32)


def _combine_body(ps_ref, ho_ref, acc_ref, bsage_ref, wcls_ref,
                  bcls_ref, out_ref):
    acc = acc_ref[0, :, :OUT] + acc_ref[1, :, :OUT]
    deg = acc_ref[0, :, OUT:OUT + 1] + acc_ref[1, :, OUT:OUT + 1]
    neigh = acc / jnp.maximum(deg, 1.0)
    bsc = lax.dot_general(bsage_ref[...], wcls_ref[...], (((1,), (1,)), ((), ())),
                          preferred_element_type=jnp.float32)
    out_ref[...] = ps_ref[...] + neigh + ho_ref[...] + bsc + bcls_ref[...]


def _sc_agg_body(pn_hbm, ei_hbm, z_hbm, acc_out,
                 srcb, dstb, r0, r1, r2, r3, acc_sh,
                 gs0, gs1, gs2, gs3, ss0, ss1, ss2, ss3):
    c = lax.axis_index("c")
    s = lax.axis_index("s")
    wid = s * _NC + c
    rows = (r0, r1, r2, r3)
    gsem = (gs0, gs1, gs2, gs3)
    ssem = (ss0, ss1, ss2, ss3)

    @pl.when(s < _NZ)
    def _zero():
        pltpu.sync_copy(z_hbm, acc_sh.at[pl.ds(s * _RPS, _RPS)])

    base = wid * _EPW
    pltpu.sync_copy(ei_hbm.at[0, pl.ds(base, _EPW)], srcb)
    pltpu.sync_copy(ei_hbm.at[1, pl.ds(base, _EPW)], dstb)
    plsc.subcore_barrier()

    def span(g):
        return pl.ds(g * _C, _C)

    gd = {}
    sd = {}
    gd[0] = pltpu.async_copy(pn_hbm.at[srcb.at[span(0)]], rows[0], gsem[0])
    gd[1] = pltpu.async_copy(pn_hbm.at[srcb.at[span(1)]], rows[1], gsem[1])
    for g in range(_NCH):
        b = g % _NB
        if g + 2 < _NCH:
            bb = (g + 2) % _NB
            if g >= 2:
                sd[g - 2].wait()
            gd[g + 2] = pltpu.async_copy(pn_hbm.at[srcb.at[span(g + 2)]],
                                         rows[bb], gsem[bb])
        gd[g].wait()
        sd[g] = pltpu.async_copy(rows[b], acc_sh.at[dstb.at[span(g)]],
                                 ssem[b], add=True)
    for g in range(_NCH - 4, _NCH):
        sd[g].wait()
    plsc.subcore_barrier()

    @pl.when(s < _NZ)
    def _writeback():
        pltpu.sync_copy(acc_sh.at[pl.ds(s * _RPS, _RPS)],
                        acc_out.at[c, pl.ds(s * _RPS, _RPS)])


def _sc_aggregate(pn, edge_index):
    z = jnp.zeros((_RPS, _W), jnp.float32)
    mesh = plsc.VectorSubcoreMesh(core_axis_name="c", subcore_axis_name="s")
    f = pl.kernel(
        _sc_agg_body,
        out_type=jax.ShapeDtypeStruct((_NC, N, _W), jnp.float32),
        mesh=mesh,
        scratch_types=[
            pltpu.VMEM((_EPW,), jnp.int32),
            pltpu.VMEM((_EPW,), jnp.int32),
            pltpu.VMEM((_C, _W), jnp.float32),
            pltpu.VMEM((_C, _W), jnp.float32),
            pltpu.VMEM((_C, _W), jnp.float32),
            pltpu.VMEM((_C, _W), jnp.float32),
            pltpu.VMEM_SHARED((N, _W), jnp.float32),
            pltpu.SemaphoreType.DMA,
            pltpu.SemaphoreType.DMA,
            pltpu.SemaphoreType.DMA,
            pltpu.SemaphoreType.DMA,
            pltpu.SemaphoreType.DMA,
            pltpu.SemaphoreType.DMA,
            pltpu.SemaphoreType.DMA,
            pltpu.SemaphoreType.DMA,
        ],
        compiler_params=pltpu.CompilerParams(use_tc_tiling_on_sc=False),
    )
    return f(pn, edge_index, z)


_BN = 2000


def _tc_proj(node_feats, W_self, W_neigh, W_cls):
    grid = (N // _BN,)
    return pl.pallas_call(
        _proj_body,
        grid=grid,
        in_specs=[
            pl.BlockSpec((_BN, D), lambda i: (i, 0)),
            pl.BlockSpec((H, D), lambda i: (0, 0)),
            pl.BlockSpec((H, D), lambda i: (0, 0)),
            pl.BlockSpec((OUT, H), lambda i: (0, 0)),
        ],
        out_specs=[
            pl.BlockSpec((_BN, OUT), lambda i: (i, 0)),
            pl.BlockSpec((_BN, _W), lambda i: (i, 0)),
        ],
        out_shape=[
            jax.ShapeDtypeStruct((N, OUT), jnp.float32),
            jax.ShapeDtypeStruct((N, _W), jnp.float32),
        ],
    )(node_feats, W_self, W_neigh, W_cls)


_BNP = 512


def _tc_lstm(hp, W_ih, W_hh, bp, W_cls):
    grid = ((N // 4 + _BNP - 1) // _BNP,)
    return pl.pallas_call(
        _lstm_body,
        grid=grid,
        in_specs=[
            pl.BlockSpec((_BNP, 4 * T * H), lambda i: (i, 0)),
            pl.BlockSpec((4 * H, H), lambda i: (0, 0)),
            pl.BlockSpec((4 * H, H), lambda i: (0, 0)),
            pl.BlockSpec((1, 16 * H), lambda i: (0, 0)),
            pl.BlockSpec((OUT, H), lambda i: (0, 0)),
        ],
        out_specs=pl.BlockSpec((_BNP, 4 * OUT), lambda i: (i, 0)),
        out_shape=jax.ShapeDtypeStruct((N // 4, 4 * OUT), jnp.float32),
    )(hp, W_ih, W_hh, bp, W_cls)


def _tc_combine(ps, ho, acc, b_sage, W_cls, b_cls):
    grid = (N // _BN,)
    return pl.pallas_call(
        _combine_body,
        grid=grid,
        in_specs=[
            pl.BlockSpec((_BN, OUT), lambda i: (i, 0)),
            pl.BlockSpec((_BN, OUT), lambda i: (i, 0)),
            pl.BlockSpec((_NC, _BN, _W), lambda i: (0, i, 0)),
            pl.BlockSpec((1, H), lambda i: (0, 0)),
            pl.BlockSpec((OUT, H), lambda i: (0, 0)),
            pl.BlockSpec((1, OUT), lambda i: (0, 0)),
        ],
        out_specs=pl.BlockSpec((_BN, OUT), lambda i: (i, 0)),
        out_shape=jax.ShapeDtypeStruct((N, OUT), jnp.float32),
    )(ps, ho, acc, b_sage, W_cls, b_cls)


def kernel(node_feats, edge_index, history_feats, W_self, W_neigh, b_sage,
           W_ih, W_hh, b_ih, b_hh, W_cls, b_cls):
    b = b_ih + b_hh
    bp = jnp.broadcast_to(b.reshape(4, 1, H), (4, 4, H)).reshape(1, 16 * H)
    hist2 = lax.optimization_barrier(history_feats.reshape(N, T * H))
    hp = hist2.reshape(N // 4, 4 * T * H)

    ps, pn = _tc_proj(node_feats, W_self, W_neigh, W_cls)
    ho_p = _tc_lstm(hp, W_ih, W_hh, bp, W_cls)
    ho = ho_p.reshape(N, OUT)
    acc = _sc_aggregate(pn, edge_index.astype(jnp.int32))
    return _tc_combine(ps, ho, acc, b_sage.reshape(1, H), W_cls,
                       b_cls.reshape(1, OUT))

# --- scband reference (transcript-rebuilt; emitter-appended) ---
"""Pipeline reference for scband-graph-sagelstmbaseline-45354854646279 (READ-ONLY COPY).

The authoritative reference and input builder live on the scoring server;
editing this copy changes nothing except your own understanding.
"""

import jax, jax.numpy as jnp
import numpy as np

N = 10000
E = 320000
D = 128
H = 32
OUT = 32
T = 20

def _lstm_last(history, W_ih, W_hh, b_ih, b_hh):
    B = history.shape[0]
    Hd = W_hh.shape[1]
    def step(carry, x_t):
        h, c = carry
        gates = x_t @ W_ih.T + h @ W_hh.T + b_ih + b_hh
        i, f, g, o = jnp.split(gates, 4, axis=-1)
        i = jax.nn.sigmoid(i)
        f = jax.nn.sigmoid(f)
        g = jnp.tanh(g)
        o = jax.nn.sigmoid(o)
        c = f * c + i * g
        h = o * jnp.tanh(c)
        return (h, c), None
    h0 = jnp.zeros((B, Hd), dtype=history.dtype)
    c0 = jnp.zeros((B, Hd), dtype=history.dtype)
    xs = jnp.swapaxes(history, 0, 1)
    (h, c), _ = jax.lax.scan(step, (h0, c0), xs)
    return h

def setup_inputs(seed: int = 0):
    key = jax.random.key(seed)
    ks = jax.random.split(key, 12)
    node_feats = jax.random.normal(ks[0], (N, D), dtype=jnp.float32)
    edge_index = jax.random.randint(ks[1], (2, E), 0, N)
    history_feats = jax.random.normal(ks[2], (N, T, H), dtype=jnp.float32)
    W_self = jax.random.normal(ks[3], (H, D), dtype=jnp.float32) * 0.05
    W_neigh = jax.random.normal(ks[4], (H, D), dtype=jnp.float32) * 0.05
    b_sage = jnp.zeros((H,), dtype=jnp.float32)
    W_ih = jax.random.normal(ks[5], (4 * H, H), dtype=jnp.float32) * 0.05
    W_hh = jax.random.normal(ks[6], (4 * H, H), dtype=jnp.float32) * 0.05
    b_ih = jnp.zeros((4 * H,), dtype=jnp.float32)
    b_hh = jnp.zeros((4 * H,), dtype=jnp.float32)
    W_cls = jax.random.normal(ks[7], (OUT, H), dtype=jnp.float32) * 0.05
    b_cls = jnp.zeros((OUT,), dtype=jnp.float32)
    return {"node_feats": node_feats, "edge_index": edge_index, "history_feats": history_feats, "W_self": W_self, "W_neigh": W_neigh, "b_sage": b_sage, "W_ih": W_ih, "W_hh": W_hh, "b_ih": b_ih, "b_hh": b_hh, "W_cls": W_cls, "b_cls": b_cls}

def reference(node_feats, edge_index, history_feats, W_self, W_neigh, b_sage, W_ih, W_hh, b_ih, b_hh, W_cls, b_cls):
    n = node_feats.shape[0]
    src = edge_index[0]
    dst = edge_index[1]
    # DGL SAGEConv(aggregator_type='mean'): mean over incoming neighbor messages
    msg = jnp.take(node_feats, src, axis=0)
    agg = jax.ops.segment_sum(msg, dst, num_segments=n)
    deg = jax.ops.segment_sum(jnp.ones((src.shape[0],), dtype=node_feats.dtype), dst, num_segments=n)
    neigh_mean = agg / jnp.clip(deg, 1.0, None)[:, None]
    h_struct = node_feats @ W_self.T + neigh_mean @ W_neigh.T + b_sage
    # LSTM over history, take last timestep hidden state
    h_temp = _lstm_last(history_feats, W_ih, W_hh, b_ih, b_hh)
    h_combined = h_struct + h_temp
    return h_combined @ W_cls.T + b_cls

if __name__ == "__main__":
    import jax
    _d = setup_inputs()
    print(jax.jit(kernel)(*tuple(_d.values())))

</pallas_src>

<mosaic_0001>
#map = affine_map<(d0, d1) -> (0, 0)>
#map1 = affine_map<(d0, d1) -> (0, 0, 0)>
module attributes {stable_mosaic.version = 14 : i64} {
  func.func @_sc_agg_body(%arg0: i32, %arg1: i32, %arg2: memref<10000x48xf32, #tpu.memory_space<hbm>>, %arg3: memref<2x320000xi32, #tpu.memory_space<hbm>>, %arg4: memref<1000x48xf32, #tpu.memory_space<hbm>>, %arg5: memref<2x10000x48xf32, #tpu.memory_space<hbm>>, %arg6: memref<10000xi32, #tpu.memory_space<vmem>>, %arg7: memref<10000xi32, #tpu.memory_space<vmem>>, %arg8: memref<400x48xf32, #tpu.memory_space<vmem>>, %arg9: memref<400x48xf32, #tpu.memory_space<vmem>>, %arg10: memref<400x48xf32, #tpu.memory_space<vmem>>, %arg11: memref<400x48xf32, #tpu.memory_space<vmem>>, %arg12: memref<10000x48xf32, #tpu.memory_space<vmem_shared>>, %arg13: memref<!tpu.dma_semaphore, #tpu.memory_space<semaphore_mem>>, %arg14: memref<!tpu.dma_semaphore, #tpu.memory_space<semaphore_mem>>, %arg15: memref<!tpu.dma_semaphore, #tpu.memory_space<semaphore_mem>>, %arg16: memref<!tpu.dma_semaphore, #tpu.memory_space<semaphore_mem>>, %arg17: memref<!tpu.dma_semaphore, #tpu.memory_space<semaphore_mem>>, %arg18: memref<!tpu.dma_semaphore, #tpu.memory_space<semaphore_mem>>, %arg19: memref<!tpu.dma_semaphore, #tpu.memory_space<semaphore_mem>>, %arg20: memref<!tpu.dma_semaphore, #tpu.memory_space<semaphore_mem>>) attributes {dimension_semantics = [#tpu.dimension_semantics<core_parallel>, #tpu.dimension_semantics<subcore_parallel>], iteration_bounds = array<i64: 2, 16>, scalar_prefetch = 0 : i64, scratch_operands = 15 : i64, tpu.core_type = #tpu.core_type<sc_vector_subcore>, window_params = [{transform_indices = #map}, {transform_indices = #map}, {transform_indices = #map}, {transform_indices = #map1}]} {
    %mul3A = arith.constant 2 : i32
    %mul3A_0 = arith.muli %arg1, %mul3A : i32
    %add3A = arith.addi %mul3A_0, %arg0 : i32
    %lt3A = arith.constant 10 : i32
    %lt3A_1 = arith.cmpi slt, %arg1, %lt3A : i32
    %convert_element_type3A = arith.extui %lt3A_1 : i1 to i32
    %cond3A = arith.constant 0 : i32
    %cond3A_2 = arith.cmpi ne, %convert_element_type3A, %cond3A : i32
    scf.if %cond3A_2 {
      %mul3A_510 = arith.constant 1000 : i32
      %mul3A_511 = arith.muli %arg1, %mul3A_510 : i32
      "tpu.region"() ({
        %run_scoped3A_512 = tpu.sem_alloc : memref<!tpu.dma_semaphore, #tpu.memory_space<semaphore_mem>>
        %dma_start3A_513 = arith.constant 0 : i32
        %dma_start3A_514 = tpu.memref_slice %arg12[%mul3A_511, %dma_start3A_513] : memref<10000x48xf32, #tpu.memory_space<vmem_shared>> -> memref<1000x48xf32, #tpu.memory_space<vmem_shared>>
        tpu.enqueue_dma source(%arg4 : memref<1000x48xf32, #tpu.memory_space<hbm>>) target(%dma_start3A_514 : memref<1000x48xf32, #tpu.memory_space<vmem_shared>>) target_semaphore(%run_scoped3A_512 : memref<!tpu.dma_semaphore, #tpu.memory_space<semaphore_mem>>)
        %dma_wait3A_515 = arith.constant 0 : i32
        %dma_wait3A_516 = tpu.memref_slice %arg12[%mul3A_511, %dma_wait3A_515] : memref<10000x48xf32, #tpu.memory_space<vmem_shared>> -> memref<1000x48xf32, #tpu.memory_space<vmem_shared>>
        tpu.wait_dma2 semaphore(%run_scoped3A_512 : memref<!tpu.dma_semaphore, #tpu.memory_space<semaphore_mem>>) src(%arg4 : memref<1000x48xf32, #tpu.memory_space<hbm>>) dst(%dma_wait3A_516 : memref<1000x48xf32, #tpu.memory_space<vmem_shared>>)
        tpu.yield
      }) : () -> ()
    } else {
    }
    %mul3A_3 = arith.constant 10000 : i32
    %mul3A_4 = arith.muli %add3A, %mul3A_3 : i32
    %run_scoped3A = arith.constant 0 : i32
    "tpu.region"() ({
      %run_scoped3A_510 = tpu.sem_alloc : memref<!tpu.dma_semaphore, #tpu.memory_space<semaphore_mem>>
      %dma_start3A_511 = tpu.memref_slice %arg3[%run_scoped3A, %mul3A_4] : memref<2x320000xi32, #tpu.memory_space<hbm>> -> memref<1x10000xi32, #tpu.memory_space<hbm>>
      %dma_start3A_512 = tpu.memref_squeeze %dma_start3A_511 : memref<1x10000xi32, #tpu.memory_space<hbm>> -> memref<10000xi32, #tpu.memory_space<hbm>>
      %dma_start3A_513 = tpu.memref_slice %arg3[%run_scoped3A, %mul3A_4] : memref<2x320000xi32, #tpu.memory_space<hbm>> -> memref<1x10000xi32, #tpu.memory_space<hbm>>
      %dma_start3A_514 = tpu.memref_squeeze %dma_start3A_513 : memref<1x10000xi32, #tpu.memory_space<hbm>> -> memref<10000xi32, #tpu.memory_space<hbm>>
      tpu.enqueue_dma source(%dma_start3A_514 : memref<10000xi32, #tpu.memory_space<hbm>>) target(%arg6 : memref<10000xi32, #tpu.memory_space<vmem>>) target_semaphore(%run_scoped3A_510 : memref<!tpu.dma_semaphore, #tpu.memory_space<semaphore_mem>>)
      %dma_wait3A_515 = tpu.memref_slice %arg3[%run_scoped3A, %mul3A_4] : memref<2x320000xi32, #tpu.memory_space<hbm>> -> memref<1x10000xi32, #tpu.memory_space<hbm>>
      %dma_wait3A_516 = tpu.memref_squeeze %dma_wait3A_515 : memref<1x10000xi32, #tpu.memory_space<hbm>> -> memref<10000xi32, #tpu.memory_space<hbm>>
      %dma_wait3A_517 = tpu.memref_slice %arg3[%run_scoped3A, %mul3A_4] : memref<2x320000xi32, #tpu.memory_space<hbm>> -> memref<1x10000xi32, #tpu.memory_space<hbm>>
      %dma_wait3A_518 = tpu.memref_squeeze %dma_wait3A_517 : memref<1x10000xi32, #tpu.memory_space<hbm>> -> memref<10000xi32, #tpu.memory_space<hbm>>
      tpu.wait_dma2 semaphore(%run_scoped3A_510 : memref<!tpu.dma_semaphore, #tpu.memory_space<semaphore_mem>>) src(%dma_wait3A_518 : memref<10000xi32, #tpu.memory_space<hbm>>) dst(%arg6 : memref<10000xi32, #tpu.memory_space<vmem>>)
      tpu.yield
    }) : () -> ()
    %run_scoped3A_5 = arith.constant 1 : i32
    "tpu.region"() ({
      %run_scoped3A_510 = tpu.sem_alloc : memref<!tpu.dma_semaphore, #tpu.memory_space<semaphore_mem>>
      %dma_start3A_511 = tpu.memref_slice %arg3[%run_scoped3A_5, %mul3A_4] : memref<2x320000xi32, #tpu.memory_space<hbm>> -> memref<1x10000xi32, #tpu.memory_space<hbm>>
      %dma_start3A_512 = tpu.memref_squeeze %dma_start3A_511 : memref<1x10000xi32, #tpu.memory_space<hbm>> -> memref<10000xi32, #tpu.memory_space<hbm>>
      %dma_start3A_513 = tpu.memref_slice %arg3[%run_scoped3A_5, %mul3A_4] : memref<2x320000xi32, #tpu.memory_space<hbm>> -> memref<1x10000xi32, #tpu.memory_space<hbm>>
      %dma_start3A_514 = tpu.memref_squeeze %dma_start3A_513 : memref<1x10000xi32, #tpu.memory_space<hbm>> -> memref<10000xi32, #tpu.memory_space<hbm>>
      tpu.enqueue_dma source(%dma_start3A_514 : memref<10000xi32, #tpu.memory_space<hbm>>) target(%arg7 : memref<10000xi32, #tpu.memory_space<vmem>>) target_semaphore(%run_scoped3A_510 : memref<!tpu.dma_semaphore, #tpu.memory_space<semaphore_mem>>)
      %dma_wait3A_515 = tpu.memref_slice %arg3[%run_scoped3A_5, %mul3A_4] : memref<2x320000xi32, #tpu.memory_space<hbm>> -> memref<1x10000xi32, #tpu.memory_space<hbm>>
      %dma_wait3A_516 = tpu.memref_squeeze %dma_wait3A_515 : memref<1x10000xi32, #tpu.memory_space<hbm>> -> memref<10000xi32, #tpu.memory_space<hbm>>
      %dma_wait3A_517 = tpu.memref_slice %arg3[%run_scoped3A_5, %mul3A_4] : memref<2x320000xi32, #tpu.memory_space<hbm>> -> memref<1x10000xi32, #tpu.memory_space<hbm>>
      %dma_wait3A_518 = tpu.memref_squeeze %dma_wait3A_517 : memref<1x10000xi32, #tpu.memory_space<hbm>> -> memref<10000xi32, #tpu.memory_space<hbm>>
      tpu.wait_dma2 semaphore(%run_scoped3A_510 : memref<!tpu.dma_semaphore, #tpu.memory_space<semaphore_mem>>) src(%dma_wait3A_518 : memref<10000xi32, #tpu.memory_space<hbm>>) dst(%arg7 : memref<10000xi32, #tpu.memory_space<vmem>>)
      tpu.yield
    }) : () -> ()
    %barrier3A = arith.constant 0 : index
    tpu.barrier barrier_id(%barrier3A)
    %dma_start3A = arith.constant 0 : i32
    %dma_start3A_6 = tpu.memref_slice %arg6[%dma_start3A] : memref<10000xi32, #tpu.memory_space<vmem>> -> memref<400xi32, #tpu.memory_space<vmem>>
    %dma_start3A_7 = arith.constant 0 : i32
    %dma_start3A_8 = arith.constant 0 : i32
    %dma_start3A_9 = tpu.memref_slice %arg2[%dma_start3A_7, %dma_start3A_8] : memref<10000x48xf32, #tpu.memory_space<hbm>> -> memref<10000x48xf32, #tpu.memory_space<hbm>>
    tpu.enqueue_indirect_dma source(%dma_start3A_9 : memref<10000x48xf32, #tpu.memory_space<hbm>>) target(%arg8 : memref<400x48xf32, #tpu.memory_space<vmem>>) offsets(%dma_start3A_6 : memref<400xi32, #tpu.memory_space<vmem>>) semaphore(%arg13 : memref<!tpu.dma_semaphore, #tpu.memory_space<semaphore_mem>>)
    %dma_start3A_10 = arith.constant 400 : i32
    %dma_start3A_11 = tpu.memref_slice %arg6[%dma_start3A_10] : memref<10000xi32, #tpu.memory_space<vmem>> -> memref<400xi32, #tpu.memory_space<vmem>>
    %dma_start3A_12 = arith.constant 0 : i32
    %dma_start3A_13 = arith.constant 0 : i32
    %dma_start3A_14 = tpu.memref_slice %arg2[%dma_start3A_12, %dma_start3A_13] : memref<10000x48xf32, #tpu.memory_space<hbm>> -> memref<10000x48xf32, #tpu.memory_space<hbm>>
    tpu.enqueue_indirect_dma source(%dma_start3A_14 : memref<10000x48xf32, #tpu.memory_space<hbm>>) target(%arg9 : memref<400x48xf32, #tpu.memory_space<vmem>>) offsets(%dma_start3A_11 : memref<400xi32, #tpu.memory_space<vmem>>) semaphore(%arg14 : memref<!tpu.dma_semaphore, #tpu.memory_space<semaphore_mem>>)
    %dma_start3A_15 = arith.constant 800 : i32
    %dma_start3A_16 = tpu.memref_slice %arg6[%dma_start3A_15] : memref<10000xi32, #tpu.memory_space<vmem>> -> memref<400xi32, #tpu.memory_space<vmem>>
    %dma_start3A_17 = arith.constant 0 : i32
    %dma_start3A_18 = arith.constant 0 : i32
    %dma_start3A_19 = tpu.memref_slice %arg2[%dma_start3A_17, %dma_start3A_18] : memref<10000x48xf32, #tpu.memory_space<hbm>> -> memref<10000x48xf32, #tpu.memory_space<hbm>>
    tpu.enqueue_indirect_dma source(%dma_start3A_19 : memref<10000x48xf32, #tpu.memory_space<hbm>>) target(%arg10 : memref<400x48xf32, #tpu.memory_space<vmem>>) offsets(%dma_start3A_16 : memref<400xi32, #tpu.memory_space<vmem>>) semaphore(%arg15 : memref<!tpu.dma_semaphore, #tpu.memory_space<semaphore_mem>>)
    %dma_wait3A = arith.constant 0 : i32
    %dma_wait3A_20 = tpu.memref_slice %arg6[%dma_wait3A] : memref<10000xi32, #tpu.memory_space<vmem>> -> memref<400xi32, #tpu.memory_space<vmem>>
    %dma_wait3A_21 = arith.constant 0 : i32
    %dma_wait3A_22 = arith.constant 0 : i32
    %dma_wait3A_23 = tpu.memref_slice %arg2[%dma_wait3A_21, %dma_wait3A_22] : memref<10000x48xf32, #tpu.memory_space<hbm>> -> memref<10000x48xf32, #tpu.memory_space<hbm>>
    tpu.wait_indirect_dma semaphore(%arg13 : memref<!tpu.dma_semaphore, #tpu.memory_space<semaphore_mem>>) src(%dma_wait3A_23 : memref<10000x48xf32, #tpu.memory_space<hbm>>) dst(%arg8 : memref<400x48xf32, #tpu.memory_space<vmem>>)
    %dma_start3A_24 = arith.constant 0 : i32
    %dma_start3A_25 = tpu.memref_slice %arg7[%dma_start3A_24] : memref<10000xi32, #tpu.memory_space<vmem>> -> memref<400xi32, #tpu.memory_space<vmem>>
    %dma_start3A_26 = arith.constant 0 : i32
    %dma_start3A_27 = arith.constant 0 : i32
    %dma_start3A_28 = tpu.memref_slice %arg12[%dma_start3A_26, %dma_start3A_27] : memref<10000x48xf32, #tpu.memory_space<vmem_shared>> -> memref<10000x48xf32, #tpu.memory_space<vmem_shared>>
    tpu.enqueue_indirect_dma source(%arg8 : memref<400x48xf32, #tpu.memory_space<vmem>>) target(%dma_start3A_28 : memref<10000x48xf32, #tpu.memory_space<vmem_shared>>) offsets(%dma_start3A_25 : memref<400xi32, #tpu.memory_space<vmem>>) semaphore(%arg17 : memref<!tpu.dma_semaphore, #tpu.memory_space<semaphore_mem>>) {add = true}
    %dma_start3A_29 = arith.constant 1200 : i32
    %dma_start3A_30 = tpu.memref_slice %arg6[%dma_start3A_29] : memref<10000xi32, #tpu.memory_space<vmem>> -> memref<400xi32, #tpu.memory_space<vmem>>
    %dma_start3A_31 = arith.constant 0 : i32
    %dma_start3A_32 = arith.constant 0 : i32
    %dma_start3A_33 = tpu.memref_slice %arg2[%dma_start3A_31, %dma_start3A_32] : memref<10000x48xf32, #tpu.memory_space<hbm>> -> memref<10000x48xf32, #tpu.memory_space<hbm>>
    tpu.enqueue_indirect_dma source(%dma_start3A_33 : memref<10000x48xf32, #tpu.memory_space<hbm>>) target(%arg11 : memref<400x48xf32, #tpu.memory_space<vmem>>) offsets(%dma_start3A_30 : memref<400xi32, #tpu.memory_space<vmem>>) semaphore(%arg16 : memref<!tpu.dma_semaphore, #tpu.memory_space<semaphore_mem>>)
    %dma_wait3A_34 = arith.constant 400 : i32
    %dma_wait3A_35 = tpu.memref_slice %arg6[%dma_wait3A_34] : memref<10000xi32, #tpu.memory_space<vmem>> -> memref<400xi32, #tpu.memory_space<vmem>>
    %dma_wait3A_36 = arith.constant 0 : i32
    %dma_wait3A_37 = arith.constant 0 : i32
    %dma_wait3A_38 = tpu.memref_slice %arg2[%dma_wait3A_36, %dma_wait3A_37] : memref<10000x48xf32, #tpu.memory_space<hbm>> -> memref<10000x48xf32, #tpu.memory_space<hbm>>
    tpu.wait_indirect_dma semaphore(%arg14 : memref<!tpu.dma_semaphore, #tpu.memory_space<semaphore_mem>>) src(%dma_wait3A_38 : memref<10000x48xf32, #tpu.memory_space<hbm>>) dst(%arg9 : memref<400x48xf32, #tpu.memory_space<vmem>>)
    %dma_start3A_39 = arith.constant 400 : i32
    %dma_start3A_40 = tpu.memref_slice %arg7[%dma_start3A_39] : memref<10000xi32, #tpu.memory_space<vmem>> -> memref<400xi32, #tpu.memory_space<vmem>>
    %dma_start3A_41 = arith.constant 0 : i32
    %dma_start3A_42 = arith.constant 0 : i32
    %dma_start3A_43 = tpu.memref_slice %arg12[%dma_start3A_41, %dma_start3A_42] : memref<10000x48xf32, #tpu.memory_space<vmem_shared>> -> memref<10000x48xf32, #tpu.memory_space<vmem_shared>>
    tpu.enqueue_indirect_dma source(%arg9 : memref<400x48xf32, #tpu.memory_space<vmem>>) target(%dma_start3A_43 : memref<10000x48xf32, #tpu.memory_space<vmem_shared>>) offsets(%dma_start3A_40 : memref<400xi32, #tpu.memory_space<vmem>>) semaphore(%arg18 : memref<!tpu.dma_semaphore, #tpu.memory_space<semaphore_mem>>) {add = true}
    %dma_wait3A_44 = arith.constant 0 : i32
    %dma_wait3A_45 = tpu.memref_slice %arg7[%dma_wait3A_44] : memref<10000xi32, #tpu.memory_space<vmem>> -> memref<400xi32, #tpu.memory_space<vmem>>
    %dma_wait3A_46 = arith.constant 0 : i32
    %dma_wait3A_47 = arith.constant 0 : i32
    %dma_wait3A_48 = tpu.memref_slice %arg12[%dma_wait3A_46, %dma_wait3A_47] : memref<10000x48xf32, #tpu.memory_space<vmem_shared>> -> memref<10000x48xf32, #tpu.memory_space<vmem_shared>>
    tpu.wait_indirect_dma semaphore(%arg17 : memref<!tpu.dma_semaphore, #tpu.memory_space<semaphore_mem>>) src(%arg8 : memref<400x48xf32, #tpu.memory_space<vmem>>) dst(%dma_wait3A_48 : memref<10000x48xf32, #tpu.memory_space<vmem_shared>>)
    %dma_start3A_49 = arith.constant 1600 : i32
    %dma_start3A_50 = tpu.memref_slice %arg6[%dma_start3A_49] : memref<10000xi32, #tpu.memory_space<vmem>> -> memref<400xi32, #tpu.memory_space<vmem>>
    %dma_start3A_51 = arith.constant 0 : i32
    %dma_start3A_52 = arith.constant 0 : i32
    %dma_start3A_53 = tpu.memref_slice %arg2[%dma_start3A_51, %dma_start3A_52] : memref<10000x48xf32, #tpu.memory_space<hbm>> -> memref<10000x48xf32, #tpu.memory_space<hbm>>
    tpu.enqueue_indirect_dma source(%dma_start3A_53 : memref<10000x48xf32, #tpu.memory_space<hbm>>) target(%arg8 : memref<400x48xf32, #tpu.memory_space<vmem>>) offsets(%dma_start3A_50 : memref<400xi32, #tpu.memory_space<vmem>>) semaphore(%arg13 : memref<!tpu.dma_semaphore, #tpu.memory_space<semaphore_mem>>)
    %dma_wait3A_54 = arith.constant 800 : i32
    %dma_wait3A_55 = tpu.memref_slice %arg6[%dma_wait3A_54] : memref<10000xi32, #tpu.memory_space<vmem>> -> memref<400xi32, #tpu.memory_space<vmem>>
    %dma_wait3A_56 = arith.constant 0 : i32
    %dma_wait3A_57 = arith.constant 0 : i32
    %dma_wait3A_58 = tpu.memref_slice %arg2[%dma_wait3A_56, %dma_wait3A_57] : memref<10000x48xf32, #tpu.memory_space<hbm>> -> memref<10000x48xf32, #tpu.memory_space<hbm>>
    tpu.wait_indirect_dma semaphore(%arg15 : memref<!tpu.dma_semaphore, #tpu.memory_space<semaphore_mem>>) src(%dma_wait3A_58 : memref<10000x48xf32, #tpu.memory_space<hbm>>) dst(%arg10 : memref<400x48xf32, #tpu.memory_space<vmem>>)
    %dma_start3A_59 = arith.constant 800 : i32
    %dma_start3A_60 = tpu.memref_slice %arg7[%dma_start3A_59] : memref<10000xi32, #tpu.memory_space<vmem>> -> memref<400xi32, #tpu.memory_space<vmem>>
    %dma_start3A_61 = arith.constant 0 : i32
    %dma_start3A_62 = arith.constant 0 : i32
    %dma_start3A_63 = tpu.memref_slice %arg12[%dma_start3A_61, %dma_start3A_62] : memref<10000x48xf32, #tpu.memory_space<vmem_shared>> -> memref<10000x48xf32, #tpu.memory_space<vmem_shared>>
    tpu.enqueue_indirect_dma source(%arg10 : memref<400x48xf32, #tpu.memory_space<vmem>>) target(%dma_start3A_63 : memref<10000x48xf32, #tpu.memory_space<vmem_shared>>) offsets(%dma_start3A_60 : memref<400xi32, #tpu.memory_space<vmem>>) semaphore(%arg19 : memref<!tpu.dma_semaphore, #tpu.memory_space<semaphore_mem>>) {add = true}
    %dma_wait3A_64 = arith.constant 400 : i32
    %dma_wait3A_65 = tpu.memref_slice %arg7[%dma_wait3A_64] : memref<10000xi32, #tpu.memory_space<vmem>> -> memref<400xi32, #tpu.memory_space<vmem>>
    %dma_wait3A_66 = arith.constant 0 : i32
    %dma_wait3A_67 = arith.constant 0 : i32
    %dma_wait3A_68 = tpu.memref_slice %arg12[%dma_wait3A_66, %dma_wait3A_67] : memref<10000x48xf32, #tpu.memory_space<vmem_shared>> -> memref<10000x48xf32, #tpu.memory_space<vmem_shared>>
    tpu.wait_indirect_dma semaphore(%arg18 : memref<!tpu.dma_semaphore, #tpu.memory_space<semaphore_mem>>) src(%arg9 : memref<400x48xf32, #tpu.memory_space<vmem>>) dst(%dma_wait3A_68 : memref<10000x48xf32, #tpu.memory_space<vmem_shared>>)
    %dma_start3A_69 = arith.constant 2000 : i32
    %dma_start3A_70 = tpu.memref_slice %arg6[%dma_start3A_69] : memref<10000xi32, #tpu.memory_space<vmem>> -> memref<400xi32, #tpu.memory_space<vmem>>
    %dma_start3A_71 = arith.constant 0 : i32
    %dma_start3A_72 = arith.constant 0 : i32
    %dma_start3A_73 = tpu.memref_slice %arg2[%dma_start3A_71, %dma_start3A_72] : memref<10000x48xf32, #tpu.memory_space<hbm>> -> memref<10000x48xf32, #tpu.memory_space<hbm>>
    tpu.enqueue_indirect_dma source(%dma_start3A_73 : memref<10000x48xf32, #tpu.memory_space<hbm>>) target(%arg9 : memref<400x48xf32, #tpu.memory_space<vmem>>) offsets(%dma_start3A_70 : memref<400xi32, #tpu.memory_space<vmem>>) semaphore(%arg14 : memref<!tpu.dma_semaphore, #tpu.memory_space<semaphore_mem>>)
    %dma_wait3A_74 = arith.constant 1200 : i32
    %dma_wait3A_75 = tpu.memref_slice %arg6[%dma_wait3A_74] : memref<10000xi32, #tpu.memory_space<vmem>> -> memref<400xi32, #tpu.memory_space<vmem>>
    %dma_wait3A_76 = arith.constant 0 : i32
    %dma_wait3A_77 = arith.constant 0 : i32
    %dma_wait3A_78 = tpu.memref_slice %arg2[%dma_wait3A_76, %dma_wait3A_77] : memref<10000x48xf32, #tpu.memory_space<hbm>> -> memref<10000x48xf32, #tpu.memory_space<hbm>>
    tpu.wait_indirect_dma semaphore(%arg16 : memref<!tpu.dma_semaphore, #tpu.memory_space<semaphore_mem>>) src(%dma_wait3A_78 : memref<10000x48xf32, #tpu.memory_space<hbm>>) dst(%arg11 : memref<400x48xf32, #tpu.memory_space<vmem>>)
    %dma_start3A_79 = arith.constant 1200 : i32
    %dma_start3A_80 = tpu.memref_slice %arg7[%dma_start3A_79] : memref<10000xi32, #tpu.memory_space<vmem>> -> memref<400xi32, #tpu.memory_space<vmem>>
    %dma_start3A_81 = arith.constant 0 : i32
    %dma_start3A_82 = arith.constant 0 : i32
    %dma_start3A_83 = tpu.memref_slice %arg12[%dma_start3A_81, %dma_start3A_82] : memref<10000x48xf32, #tpu.memory_space<vmem_shared>> -> memref<10000x48xf32, #tpu.memory_space<vmem_shared>>
    tpu.enqueue_indirect_dma source(%arg11 : memref<400x48xf32, #tpu.memory_space<vmem>>) target(%dma_start3A_83 : memref<10000x48xf32, #tpu.memory_space<vmem_shared>>) offsets(%dma_start3A_80 : memref<400xi32, #tpu.memory_space<vmem>>) semaphore(%arg20 : memref<!tpu.dma_semaphore, #tpu.memory_space<semaphore_mem>>) {add = true}
    %dma_wait3A_84 = arith.constant 800 : i32
    %dma_wait3A_85 = tpu.memref_slice %arg7[%dma_wait3A_84] : memref<10000xi32, #tpu.memory_space<vmem>> -> memref<400xi32, #tpu.memory_space<vmem>>
    %dma_wait3A_86 = arith.constant 0 : i32
    %dma_wait3A_87 = arith.constant 0 : i32
    %dma_wait3A_88 = tpu.memref_slice %arg12[%dma_wait3A_86, %dma_wait3A_87] : memref<10000x48xf32, #tpu.memory_space<vmem_shared>> -> memref<10000x48xf32, #tpu.memory_space<vmem_shared>>
    tpu.wait_indirect_dma semaphore(%arg19 : memref<!tpu.dma_semaphore, #tpu.memory_space<semaphore_mem>>) src(%arg10 : memref<400x48xf32, #tpu.memory_space<vmem>>) dst(%dma_wait3A_88 : memref<10000x48xf32, #tpu.memory_space<vmem_shared>>)
    %dma_start3A_89 = arith.constant 2400 : i32
    %dma_start3A_90 = tpu.memref_slice %arg6[%dma_start3A_89] : memref<10000xi32, #tpu.memory_space<vmem>> -> memref<400xi32, #tpu.memory_space<vmem>>
    %dma_start3A_91 = arith.constant 0 : i32
    %dma_start3A_92 = arith.constant 0 : i32
    %dma_start3A_93 = tpu.memref_slice %arg2[%dma_start3A_91, %dma_start3A_92] : memref<10000x48xf32, #tpu.memory_space<hbm>> -> memref<10000x48xf32, #tpu.memory_space<hbm>>
    tpu.enqueue_indirect_dma source(%dma_start3A_93 : memref<10000x48xf32, #tpu.memory_space<hbm>>) target(%arg10 : memref<400x48xf32, #tpu.memory_space<vmem>>) offsets(%dma_start3A_90 : memref<400xi32, #tpu.memory_space<vmem>>) semaphore(%arg15 : memref<!tpu.dma_semaphore, #tpu.memory_space<semaphore_mem>>)
    %dma_wait3A_94 = arith.constant 1600 : i32
    %dma_wait3A_95 = tpu.memref_slice %arg6[%dma_wait3A_94] : memref<10000xi32, #tpu.memory_space<vmem>> -> memref<400xi32, #tpu.memory_space<vmem>>
    %dma_wait3A_96 = arith.constant 0 : i32
    %dma_wait3A_97 = arith.constant 0 : i32
    %dma_wait3A_98 = tpu.memref_slice %arg2[%dma_wait3A_96, %dma_wait3A_97] : memref<10000x48xf32, #tpu.memory_space<hbm>> -> memref<10000x48xf32, #tpu.memory_space<hbm>>
    tpu.wait_indirect_dma semaphore(%arg13 : memref<!tpu.dma_semaphore, #tpu.memory_space<semaphore_mem>>) src(%dma_wait3A_98 : memref<10000x48xf32, #tpu.memory_space<hbm>>) dst(%arg8 : memref<400x48xf32, #tpu.memory_space<vmem>>)
    %dma_start3A_99 = arith.constant 1600 : i32
    %dma_start3A_100 = tpu.memref_slice %arg7[%dma_start3A_99] : memref<10000xi32, #tpu.memory_space<vmem>> -> memref<400xi32, #tpu.memory_space<vmem>>
    %dma_start3A_101 = arith.constant 0 : i32
    %dma_start3A_102 = arith.constant 0 : i32
    %dma_start3A_103 = tpu.memref_slice %arg12[%dma_start3A_101, %dma_start3A_102] : memref<10000x48xf32, #tpu.memory_space<vmem_shared>> -> memref<10000x48xf32, #tpu.memory_space<vmem_shared>>
    tpu.enqueue_indirect_dma source(%arg8 : memref<400x48xf32, #tpu.memory_space<vmem>>) target(%dma_start3A_103 : memref<10000x48xf32, #tpu.memory_space<vmem_shared>>) offsets(%dma_start3A_100 : memref<400xi32, #tpu.memory_space<vmem>>) semaphore(%arg17 : memref<!tpu.dma_semaphore, #tpu.memory_space<semaphore_mem>>) {add = true}
    %dma_wait3A_104 = arith.constant 1200 : i32
    %dma_wait3A_105 = tpu.memref_slice %arg7[%dma_wait3A_104] : memref<10000xi32, #tpu.memory_space<vmem>> -> memref<400xi32, #tpu.memory_space<vmem>>
    %dma_wait3A_106 = arith.constant 0 : i32
    %dma_wait3A_107 = arith.constant 0 : i32
    %dma_wait3A_108 = tpu.memref_slice %arg12[%dma_wait3A_106, %dma_wait3A_107] : memref<10000x48xf32, #tpu.memory_space<vmem_shared>> -> memref<10000x48xf32, #tpu.memory_space<vmem_shared>>
    tpu.wait_indirect_dma semaphore(%arg20 : memref<!tpu.dma_semaphore, #tpu.memory_space<semaphore_mem>>) src(%arg11 : memref<400x48xf32, #tpu.memory_space<vmem>>) dst(%dma_wait3A_108 : memref<10000x48xf32, #tpu.memory_space<vmem_shared>>)
    %dma_start3A_109 = arith.constant 2800 : i32
    %dma_start3A_110 = tpu.memref_slice %arg6[%dma_start3A_109] : memref<10000xi32, #tpu.memory_space<vmem>> -> memref<400xi32, #tpu.memory_space<vmem>>
    %dma_start3A_111 = arith.constant 0 : i32
    %dma_start3A_112 = arith.constant 0 : i32
    %dma_start3A_113 = tpu.memref_slice %arg2[%dma_start3A_111, %dma_start3A_112] : memref<10000x48xf32, #tpu.memory_space<hbm>> -> memref<10000x48xf32, #tpu.memory_space<hbm>>
    tpu.enqueue_indirect_dma source(%dma_start3A_113 : memref<10000x48xf32, #tpu.memory_space<hbm>>) target(%arg11 : memref<400x48xf32, #tpu.memory_space<vmem>>) offsets(%dma_start3A_110 : memref<400xi32, #tpu.memory_space<vmem>>) semaphore(%arg16 : memref<!tpu.dma_semaphore, #tpu.memory_space<semaphore_mem>>)
    %dma_wait3A_114 = arith.constant 2000 : i32
    %dma_wait3A_115 = tpu.memref_slice %arg6[%dma_wait3A_114] : memref<10000xi32, #tpu.memory_space<vmem>> -> memref<400xi32, #tpu.memory_space<vmem>>
    %dma_wait3A_116 = arith.constant 0 : i32
    %dma_wait3A_117 = arith.constant 0 : i32
    %dma_wait3A_118 = tpu.memref_slice %arg2[%dma_wait3A_116, %dma_wait3A_117] : memref<10000x48xf32, #tpu.memory_space<hbm>> -> memref<10000x48xf32, #tpu.memory_space<hbm>>
    tpu.wait_indirect_dma semaphore(%arg14 : memref<!tpu.dma_semaphore, #tpu.memory_space<semaphore_mem>>) src(%dma_wait3A_118 : memref<10000x48xf32, #tpu.memory_space<hbm>>) dst(%arg9 : memref<400x48xf32, #tpu.memory_space<vmem>>)
    %dma_start3A_119 = arith.constant 2000 : i32
    %dma_start3A_120 = tpu.memref_slice %arg7[%dma_start3A_119] : memref<10000xi32, #tpu.memory_space<vmem>> -> memref<400xi32, #tpu.memory_space<vmem>>
    %dma_start3A_121 = arith.constant 0 : i32
    %dma_start3A_122 = arith.constant 0 : i32
    %dma_start3A_123 = tpu.memref_slice %arg12[%dma_start3A_121, %dma_start3A_122] : memref<10000x48xf32, #tpu.memory_space<vmem_shared>> -> memref<10000x48xf32, #tpu.memory_space<vmem_shared>>
    tpu.enqueue_indirect_dma source(%arg9 : memref<400x48xf32, #tpu.memory_space<vmem>>) target(%dma_start3A_123 : memref<10000x48xf32, #tpu.memory_space<vmem_shared>>) offsets(%dma_start3A_120 : memref<400xi32, #tpu.memory_space<vmem>>) semaphore(%arg18 : memref<!tpu.dma_semaphore, #tpu.memory_space<semaphore_mem>>) {add = true}
    %dma_wait3A_124 = arith.constant 1600 : i32
    %dma_wait3A_125 = tpu.memref_slice %arg7[%dma_wait3A_124] : memref<10000xi32, #tpu.memory_space<vmem>> -> memref<400xi32, #tpu.memory_space<vmem>>
    %dma_wait3A_126 = arith.constant 0 : i32
    %dma_wait3A_127 = arith.constant 0 : i32
    %dma_wait3A_128 = tpu.memref_slice %arg12[%dma_wait3A_126, %dma_wait3A_127] : memref<10000x48xf32, #tpu.memory_space<vmem_shared>> -> memref<10000x48xf32, #tpu.memory_space<vmem_shared>>
    tpu.wait_indirect_dma semaphore(%arg17 : memref<!tpu.dma_semaphore, #tpu.memory_space<semaphore_mem>>) src(%arg8 : memref<400x48xf32, #tpu.memory_space<vmem>>) dst(%dma_wait3A_128 : memref<10000x48xf32, #tpu.memory_space<vmem_shared>>)
    %dma_start3A_129 = arith.constant 3200 : i32
    %dma_start3A_130 = tpu.memref_slice %arg6[%dma_start3A_129] : memref<10000xi32, #tpu.memory_space<vmem>> -> memref<400xi32, #tpu.memory_space<vmem>>
    %dma_start3A_131 = arith.constant 0 : i32
    %dma_start3A_132 = arith.constant 0 : i32
    %dma_start3A_133 = tpu.memref_slice %arg2[%dma_start3A_131, %dma_start3A_132] : memref<10000x48xf32, #tpu.memory_space<hbm>> -> memref<10000x48xf32, #tpu.memory_space<hbm>>
    tpu.enqueue_indirect_dma source(%dma_start3A_133 : memref<10000x48xf32, #tpu.memory_space<hbm>>) target(%arg8 : memref<400x48xf32, #tpu.memory_space<vmem>>) offsets(%dma_start3A_130 : memref<400xi32, #tpu.memory_space<vmem>>) semaphore(%arg13 : memref<!tpu.dma_semaphore, #tpu.memory_space<semaphore_mem>>)
    %dma_wait3A_134 = arith.constant 2400 : i32
    %dma_wait3A_135 = tpu.memref_slice %arg6[%dma_wait3A_134] : memref<10000xi32, #tpu.memory_space<vmem>> -> memref<400xi32, #tpu.memory_space<vmem>>
    %dma_wait3A_136 = arith.constant 0 : i32
    %dma_wait3A_137 = arith.constant 0 : i32
    %dma_wait3A_138 = tpu.memref_slice %arg2[%dma_wait3A_136, %dma_wait3A_137] : memref<10000x48xf32, #tpu.memory_space<hbm>> -> memref<10000x48xf32, #tpu.memory_space<hbm>>
    tpu.wait_indirect_dma semaphore(%arg15 : memref<!tpu.dma_semaphore, #tpu.memory_space<semaphore_mem>>) src(%dma_wait3A_138 : memref<10000x48xf32, #tpu.memory_space<hbm>>) dst(%arg10 : memref<400x48xf32, #tpu.memory_space<vmem>>)
    %dma_start3A_139 = arith.constant 2400 : i32
    %dma_start3A_140 = tpu.memref_slice %arg7[%dma_start3A_139] : memref<10000xi32, #tpu.memory_space<vmem>> -> memref<400xi32, #tpu.memory_space<vmem>>
    %dma_start3A_141 = arith.constant 0 : i32
    %dma_start3A_142 = arith.constant 0 : i32
    %dma_start3A_143 = tpu.memref_slice %arg12[%dma_start3A_141, %dma_start3A_142] : memref<10000x48xf32, #tpu.memory_space<vmem_shared>> -> memref<10000x48xf32, #tpu.memory_space<vmem_shared>>
    tpu.enqueue_indirect_dma source(%arg10 : memref<400x48xf32, #tpu.memory_space<vmem>>) target(%dma_start3A_143 : memref<10000x48xf32, #tpu.memory_space<vmem_shared>>) offsets(%dma_start3A_140 : memref<400xi32, #tpu.memory_space<vmem>>) semaphore(%arg19 : memref<!tpu.dma_semaphore, #tpu.memory_space<semaphore_mem>>) {add = true}
    %dma_wait3A_144 = arith.constant 2000 : i32
    %dma_wait3A_145 = tpu.memref_slice %arg7[%dma_wait3A_144] : memref<10000xi32, #tpu.memory_space<vmem>> -> memref<400xi32, #tpu.memory_space<vmem>>
    %dma_wait3A_146 = arith.constant 0 : i32
    %dma_wait3A_147 = arith.constant 0 : i32
    %dma_wait3A_148 = tpu.memref_slice %arg12[%dma_wait3A_146, %dma_wait3A_147] : memref<10000x48xf32, #tpu.memory_space<vmem_shared>> -> memref<10000x48xf32, #tpu.memory_space<vmem_shared>>
    tpu.wait_indirect_dma semaphore(%arg18 : memref<!tpu.dma_semaphore, #tpu.memory_space<semaphore_mem>>) src(%arg9 : memref<400x48xf32, #tpu.memory_space<vmem>>) dst(%dma_wait3A_148 : memref<10000x48xf32, #tpu.memory_space<vmem_shared>>)
    %dma_start3A_149 = arith.constant 3600 : i32
    %dma_start3A_150 = tpu.memref_slice %arg6[%dma_start3A_149] : memref<10000xi32, #tpu.memory_space<vmem>> -> memref<400xi32, #tpu.memory_space<vmem>>
    %dma_start3A_151 = arith.constant 0 : i32
    %dma_start3A_152 = arith.constant 0 : i32
    %dma_start3A_153 = tpu.memref_slice %arg2[%dma_start3A_151, %dma_start3A_152] : memref<10000x48xf32, #tpu.memory_space<hbm>> -> memref<10000x48xf32, #tpu.memory_space<hbm>>
    tpu.enqueue_indirect_dma source(%dma_start3A_153 : memref<10000x48xf32, #tpu.memory_space<hbm>>) target(%arg9 : memref<400x48xf32, #tpu.memory_space<vmem>>) offsets(%dma_start3A_150 : memref<400xi32, #tpu.memory_space<vmem>>) semaphore(%arg14 : memref<!tpu.dma_semaphore, #tpu.memory_space<semaphore_mem>>)
    %dma_wait3A_154 = arith.constant 2800 : i32
    %dma_wait3A_155 = tpu.memref_slice %arg6[%dma_wait3A_154] : memref<10000xi32, #tpu.memory_space<vmem>> -> memref<400xi32, #tpu.memory_space<vmem>>
    %dma_wait3A_156 = arith.constant 0 : i32
    %dma_wait3A_157 = arith.constant 0 : i32
    %dma_wait3A_158 = tpu.memref_slice %arg2[%dma_wait3A_156, %dma_wait3A_157] : memref<10000x48xf32, #tpu.memory_space<hbm>> -> memref<10000x48xf32, #tpu.memory_space<hbm>>
    tpu.wait_indirect_dma semaphore(%arg16 : memref<!tpu.dma_semaphore, #tpu.memory_space<semaphore_mem>>) src(%dma_wait3A_158 : memref<10000x48xf32, #tpu.memory_space<hbm>>) dst(%arg11 : memref<400x48xf32, #tpu.memory_space<vmem>>)
    %dma_start3A_159 = arith.constant 2800 : i32
    %dma_start3A_160 = tpu.memref_slice %arg7[%dma_start3A_159] : memref<10000xi32, #tpu.memory_space<vmem>> -> memref<400xi32, #tpu.memory_space<vmem>>
    %dma_start3A_161 = arith.constant 0 : i32
    %dma_start3A_162 = arith.constant 0 : i32
    %dma_start3A_163 = tpu.memref_slice %arg12[%dma_start3A_161, %dma_start3A_162] : memref<10000x48xf32, #tpu.memory_space<vmem_shared>> -> memref<10000x48xf32, #tpu.memory_space<vmem_shared>>
    tpu.enqueue_indirect_dma source(%arg11 : memref<400x48xf32, #tpu.memory_space<vmem>>) target(%dma_start3A_163 : memref<10000x48xf32, #tpu.memory_space<vmem_shared>>) offsets(%dma_start3A_160 : memref<400xi32, #tpu.memory_space<vmem>>) semaphore(%arg20 : memref<!tpu.dma_semaphore, #tpu.memory_space<semaphore_mem>>) {add = true}
    %dma_wait3A_164 = arith.constant 2400 : i32
    %dma_wait3A_165 = tpu.memref_slice %arg7[%dma_wait3A_164] : memref<10000xi32, #tpu.memory_space<vmem>> -> memref<400xi32, #tpu.memory_space<vmem>>
    %dma_wait3A_166 = arith.constant 0 : i32
    %dma_wait3A_167 = arith.constant 0 : i32
    %dma_wait3A_168 = tpu.memref_slice %arg12[%dma_wait3A_166, %dma_wait3A_167] : memref<10000x48xf32, #tpu.memory_space<vmem_shared>> -> memref<10000x48xf32, #tpu.memory_space<vmem_shared>>
    tpu.wait_indirect_dma semaphore(%arg19 : memref<!tpu.dma_semaphore, #tpu.memory_space<semaphore_mem>>) src(%arg10 : memref<400x48xf32, #tpu.memory_space<vmem>>) dst(%dma_wait3A_168 : memref<10000x48xf32, #tpu.memory_space<vmem_shared>>)
    %dma_start3A_169 = arith.constant 4000 : i32
    %dma_start3A_170 = tpu.memref_slice %arg6[%dma_start3A_169] : memref<10000xi32, #tpu.memory_space<vmem>> -> memref<400xi32, #tpu.memory_space<vmem>>
    %dma_start3A_171 = arith.constant 0 : i32
    %dma_start3A_172 = arith.constant 0 : i32
    %dma_start3A_173 = tpu.memref_slice %arg2[%dma_start3A_171, %dma_start3A_172] : memref<10000x48xf32, #tpu.memory_space<hbm>> -> memref<10000x48xf32, #tpu.memory_space<hbm>>
    tpu.enqueue_indirect_dma source(%dma_start3A_173 : memref<10000x48xf32, #tpu.memory_space<hbm>>) target(%arg10 : memref<400x48xf32, #tpu.memory_space<vmem>>) offsets(%dma_start3A_170 : memref<400xi32, #tpu.memory_space<vmem>>) semaphore(%arg15 : memref<!tpu.dma_semaphore, #tpu.memory_space<semaphore_mem>>)
    %dma_wait3A_174 = arith.constant 3200 : i32
    %dma_wait3A_175 = tpu.memref_slice %arg6[%dma_wait3A_174] : memref<10000xi32, #tpu.memory_space<vmem>> -> memref<400xi32, #tpu.memory_space<vmem>>
    %dma_wait3A_176 = arith.constant 0 : i32
    %dma_wait3A_177 = arith.constant 0 : i32
    %dma_wait3A_178 = tpu.memref_slice %arg2[%dma_wait3A_176, %dma_wait3A_177] : memref<10000x48xf32, #tpu.memory_space<hbm>> -> memref<10000x48xf32, #tpu.memory_space<hbm>>
    tpu.wait_indirect_dma semaphore(%arg13 : memref<!tpu.dma_semaphore, #tpu.memory_space<semaphore_mem>>) src(%dma_wait3A_178 : memref<10000x48xf32, #tpu.memory_space<hbm>>) dst(%arg8 : memref<400x48xf32, #tpu.memory_space<vmem>>)
    %dma_start3A_179 = arith.constant 3200 : i32
    %dma_start3A_180 = tpu.memref_slice %arg7[%dma_start3A_179] : memref<10000xi32, #tpu.memory_space<vmem>> -> memref<400xi32, #tpu.memory_space<vmem>>
    %dma_start3A_181 = arith.constant 0 : i32
    %dma_start3A_182 = arith.constant 0 : i32
    %dma_start3A_183 = tpu.memref_slice %arg12[%dma_start3A_181, %dma_start3A_182] : memref<10000x48xf32, #tpu.memory_space<vmem_shared>> -> memref<10000x48xf32, #tpu.memory_space<vmem_shared>>
    tpu.enqueue_indirect_dma source(%arg8 : memref<400x48xf32, #tpu.memory_space<vmem>>) target(%dma_start3A_183 : memref<10000x48xf32, #tpu.memory_space<vmem_shared>>) offsets(%dma_start3A_180 : memref<400xi32, #tpu.memory_space<vmem>>) semaphore(%arg17 : memref<!tpu.dma_semaphore, #tpu.memory_space<semaphore_mem>>) {add = true}
    %dma_wait3A_184 = arith.constant 2800 : i32
    %dma_wait3A_185 = tpu.memref_slice %arg7[%dma_wait3A_184] : memref<10000xi32, #tpu.memory_space<vmem>> -> memref<400xi32, #tpu.memory_space<vmem>>
    %dma_wait3A_186 = arith.constant 0 : i32
    %dma_wait3A_187 = arith.constant 0 : i32
    %dma_wait3A_188 = tpu.memref_slice %arg12[%dma_wait3A_186, %dma_wait3A_187] : memref<10000x48xf32, #tpu.memory_space<vmem_shared>> -> memref<10000x48xf32, #tpu.memory_space<vmem_shared>>
    tpu.wait_indirect_dma semaphore(%arg20 : memref<!tpu.dma_semaphore, #tpu.memory_space<semaphore_mem>>) src(%arg11 : memref<400x48xf32, #tpu.memory_space<vmem>>) dst(%dma_wait3A_188 : memref<10000x48xf32, #tpu.memory_space<vmem_shared>>)
    %dma_start3A_189 = arith.constant 4400 : i32
    %dma_start3A_190 = tpu.memref_slice %arg6[%dma_start3A_189] : memref<10000xi32, #tpu.memory_space<vmem>> -> memref<400xi32, #tpu.memory_space<vmem>>
    %dma_start3A_191 = arith.constant 0 : i32
    %dma_start3A_192 = arith.constant 0 : i32
    %dma_start3A_193 = tpu.memref_slice %arg2[%dma_start3A_191, %dma_start3A_192] : memref<10000x48xf32, #tpu.memory_space<hbm>> -> memref<10000x48xf32, #tpu.memory_space<hbm>>
    tpu.enqueue_indirect_dma source(%dma_start3A_193 : memref<10000x48xf32, #tpu.memory_space<hbm>>) target(%arg11 : memref<400x48xf32, #tpu.memory_space<vmem>>) offsets(%dma_start3A_190 : memref<400xi32, #tpu.memory_space<vmem>>) semaphore(%arg16 : memref<!tpu.dma_semaphore, #tpu.memory_space<semaphore_mem>>)
    %dma_wait3A_194 = arith.constant 3600 : i32
    %dma_wait3A_195 = tpu.memref_slice %arg6[%dma_wait3A_194] : memref<10000xi32, #tpu.memory_space<vmem>> -> memref<400xi32, #tpu.memory_space<vmem>>
    %dma_wait3A_196 = arith.constant 0 : i32
    %dma_wait3A_197 = arith.constant 0 : i32
    %dma_wait3A_198 = tpu.memref_slice %arg2[%dma_wait3A_196, %dma_wait3A_197] : memref<10000x48xf32, #tpu.memory_space<hbm>> -> memref<10000x48xf32, #tpu.memory_space<hbm>>
    tpu.wait_indirect_dma semaphore(%arg14 : memref<!tpu.dma_semaphore, #tpu.memory_space<semaphore_mem>>) src(%dma_wait3A_198 : memref<10000x48xf32, #tpu.memory_space<hbm>>) dst(%arg9 : memref<400x48xf32, #tpu.memory_space<vmem>>)
    %dma_start3A_199 = arith.constant 3600 : i32
    %dma_start3A_200 = tpu.memref_slice %arg7[%dma_start3A_199] : memref<10000xi32, #tpu.memory_space<vmem>> -> memref<400xi32, #tpu.memory_space<vmem>>
    %dma_start3A_201 = arith.constant 0 : i32
    %dma_start3A_202 = arith.constant 0 : i32
    %dma_start3A_203 = tpu.memref_slice %arg12[%dma_start3A_201, %dma_start3A_202] : memref<10000x48xf32, #tpu.memory_space<vmem_shared>> -> memref<10000x48xf32, #tpu.memory_space<vmem_shared>>
    tpu.enqueue_indirect_dma source(%arg9 : memref<400x48xf32, #tpu.memory_space<vmem>>) target(%dma_start3A_203 : memref<10000x48xf32, #tpu.memory_space<vmem_shared>>) offsets(%dma_start3A_200 : memref<400xi32, #tpu.memory_space<vmem>>) semaphore(%arg18 : memref<!tpu.dma_semaphore, #tpu.memory_space<semaphore_mem>>) {add = true}
    %dma_wait3A_204 = arith.constant 3200 : i32
    %dma_wait3A_205 = tpu.memref_slice %arg7[%dma_wait3A_204] : memref<10000xi32, #tpu.memory_space<vmem>> -> memref<400xi32, #tpu.memory_space<vmem>>
    %dma_wait3A_206 = arith.constant 0 : i32
    %dma_wait3A_207 = arith.constant 0 : i32
    %dma_wait3A_208 = tpu.memref_slice %arg12[%dma_wait3A_206, %dma_wait3A_207] : memref<10000x48xf32, #tpu.memory_space<vmem_shared>> -> memref<10000x48xf32, #tpu.memory_space<vmem_shared>>
    tpu.wait_indirect_dma semaphore(%arg17 : memref<!tpu.dma_semaphore, #tpu.memory_space<semaphore_mem>>) src(%arg8 : memref<400x48xf32, #tpu.memory_space<vmem>>) dst(%dma_wait3A_208 : memref<10000x48xf32, #tpu.memory_space<vmem_shared>>)
    %dma_start3A_209 = arith.constant 4800 : i32
    %dma_start3A_210 = tpu.memref_slice %arg6[%dma_start3A_209] : memref<10000xi32, #tpu.memory_space<vmem>> -> memref<400xi32, #tpu.memory_space<vmem>>
    %dma_start3A_211 = arith.constant 0 : i32
    %dma_start3A_212 = arith.constant 0 : i32
    %dma_start3A_213 = tpu.memref_slice %arg2[%dma_start3A_211, %dma_start3A_212] : memref<10000x48xf32, #tpu.memory_space<hbm>> -> memref<10000x48xf32, #tpu.memory_space<hbm>>
    tpu.enqueue_indirect_dma source(%dma_start3A_213 : memref<10000x48xf32, #tpu.memory_space<hbm>>) target(%arg8 : memref<400x48xf32, #tpu.memory_space<vmem>>) offsets(%dma_start3A_210 : memref<400xi32, #tpu.memory_space<vmem>>) semaphore(%arg13 : memref<!tpu.dma_semaphore, #tpu.memory_space<semaphore_mem>>)
    %dma_wait3A_214 = arith.constant 4000 : i32
    %dma_wait3A_215 = tpu.memref_slice %arg6[%dma_wait3A_214] : memref<10000xi32, #tpu.memory_space<vmem>> -> memref<400xi32, #tpu.memory_space<vmem>>
    %dma_wait3A_216 = arith.constant 0 : i32
    %dma_wait3A_217 = arith.constant 0 : i32
    %dma_wait3A_218 = tpu.memref_slice %arg2[%dma_wait3A_216, %dma_wait3A_217] : memref<10000x48xf32, #tpu.memory_space<hbm>> -> memref<10000x48xf32, #tpu.memory_space<hbm>>
    tpu.wait_indirect_dma semaphore(%arg15 : memref<!tpu.dma_semaphore, #tpu.memory_space<semaphore_mem>>) src(%dma_wait3A_218 : memref<10000x48xf32, #tpu.memory_space<hbm>>) dst(%arg10 : memref<400x48xf32, #tpu.memory_space<vmem>>)
    %dma_start3A_219 = arith.constant 4000 : i32
    %dma_start3A_220 = tpu.memref_slice %arg7[%dma_start3A_219] : memref<10000xi32, #tpu.memory_space<vmem>> -> memref<400xi32, #tpu.memory_space<vmem>>
    %dma_start3A_221 = arith.constant 0 : i32
    %dma_start3A_222 = arith.constant 0 : i32
    %dma_start3A_223 = tpu.memref_slice %arg12[%dma_start3A_221, %dma_start3A_222] : memref<10000x48xf32, #tpu.memory_space<vmem_shared>> -> memref<10000x48xf32, #tpu.memory_space<vmem_shared>>
    tpu.enqueue_indirect_dma source(%arg10 : memref<400x48xf32, #tpu.memory_space<vmem>>) target(%dma_start3A_223 : memref<10000x48xf32, #tpu.memory_space<vmem_shared>>) offsets(%dma_start3A_220 : memref<400xi32, #tpu.memory_space<vmem>>) semaphore(%arg19 : memref<!tpu.dma_semaphore, #tpu.memory_space<semaphore_mem>>) {add = true}
    %dma_wait3A_224 = arith.constant 3600 : i32
    %dma_wait3A_225 = tpu.memref_slice %arg7[%dma_wait3A_224] : memref<10000xi32, #tpu.memory_space<vmem>> -> memref<400xi32, #tpu.memory_space<vmem>>
    %dma_wait3A_226 = arith.constant 0 : i32
    %dma_wait3A_227 = arith.constant 0 : i32
    %dma_wait3A_228 = tpu.memref_slice %arg12[%dma_wait3A_226, %dma_wait3A_227] : memref<10000x48xf32, #tpu.memory_space<vmem_shared>> -> memref<10000x48xf32, #tpu.memory_space<vmem_shared>>
    tpu.wait_indirect_dma semaphore(%arg18 : memref<!tpu.dma_semaphore, #tpu.memory_space<semaphore_mem>>) src(%arg9 : memref<400x48xf32, #tpu.memory_space<vmem>>) dst(%dma_wait3A_228 : memref<10000x48xf32, #tpu.memory_space<vmem_shared>>)
    %dma_start3A_229 = arith.constant 5200 : i32
    %dma_start3A_230 = tpu.memref_slice %arg6[%dma_start3A_229] : memref<10000xi32, #tpu.memory_space<vmem>> -> memref<400xi32, #tpu.memory_space<vmem>>
    %dma_start3A_231 = arith.constant 0 : i32
    %dma_start3A_232 = arith.constant 0 : i32
    %dma_start3A_233 = tpu.memref_slice %arg2[%dma_start3A_231, %dma_start3A_232] : memref<10000x48xf32, #tpu.memory_space<hbm>> -> memref<10000x48xf32, #tpu.memory_space<hbm>>
    tpu.enqueue_indirect_dma source(%dma_start3A_233 : memref<10000x48xf32, #tpu.memory_space<hbm>>) target(%arg9 : memref<400x48xf32, #tpu.memory_space<vmem>>) offsets(%dma_start3A_230 : memref<400xi32, #tpu.memory_space<vmem>>) semaphore(%arg14 : memref<!tpu.dma_semaphore, #tpu.memory_space<semaphore_mem>>)
    %dma_wait3A_234 = arith.constant 4400 : i32
    %dma_wait3A_235 = tpu.memref_slice %arg6[%dma_wait3A_234] : memref<10000xi32, #tpu.memory_space<vmem>> -> memref<400xi32, #tpu.memory_space<vmem>>
    %dma_wait3A_236 = arith.constant 0 : i32
    %dma_wait3A_237 = arith.constant 0 : i32
    %dma_wait3A_238 = tpu.memref_slice %arg2[%dma_wait3A_236, %dma_wait3A_237] : memref<10000x48xf32, #tpu.memory_space<hbm>> -> memref<10000x48xf32, #tpu.memory_space<hbm>>
    tpu.wait_indirect_dma semaphore(%arg16 : memref<!tpu.dma_semaphore, #tpu.memory_space<semaphore_mem>>) src(%dma_wait3A_238 : memref<10000x48xf32, #tpu.memory_space<hbm>>) dst(%arg11 : memref<400x48xf32, #tpu.memory_space<vmem>>)
    %dma_start3A_239 = arith.constant 4400 : i32
    %dma_start3A_240 = tpu.memref_slice %arg7[%dma_start3A_239] : memref<10000xi32, #tpu.memory_space<vmem>> -> memref<400xi32, #tpu.memory_space<vmem>>
    %dma_start3A_241 = arith.constant 0 : i32
    %dma_start3A_242 = arith.constant 0 : i32
    %dma_start3A_243 = tpu.memref_slice %arg12[%dma_start3A_241, %dma_start3A_242] : memref<10000x48xf32, #tpu.memory_space<vmem_shared>> -> memref<10000x48xf32, #tpu.memory_space<vmem_shared>>
    tpu.enqueue_indirect_dma source(%arg11 : memref<400x48xf32, #tpu.memory_space<vmem>>) target(%dma_start3A_243 : memref<10000x48xf32, #tpu.memory_space<vmem_shared>>) offsets(%dma_start3A_240 : memref<400xi32, #tpu.memory_space<vmem>>) semaphore(%arg20 : memref<!tpu.dma_semaphore, #tpu.memory_space<semaphore_mem>>) {add = true}
    %dma_wait3A_244 = arith.constant 4000 : i32
    %dma_wait3A_245 = tpu.memref_slice %arg7[%dma_wait3A_244] : memref<10000xi32, #tpu.memory_space<vmem>> -> memref<400xi32, #tpu.memory_space<vmem>>
    %dma_wait3A_246 = arith.constant 0 : i32
    %dma_wait3A_247 = arith.constant 0 : i32
    %dma_wait3A_248 = tpu.memref_slice %arg12[%dma_wait3A_246, %dma_wait3A_247] : memref<10000x48xf32, #tpu.memory_space<vmem_shared>> -> memref<10000x48xf32, #tpu.memory_space<vmem_shared>>
    tpu.wait_indirect_dma semaphore(%arg19 : memref<!tpu.dma_semaphore, #tpu.memory_space<semaphore_mem>>) src(%arg10 : memref<400x48xf32, #tpu.memory_space<vmem>>) dst(%dma_wait3A_248 : memref<10000x48xf32, #tpu.memory_space<vmem_shared>>)
    %dma_start3A_249 = arith.constant 5600 : i32
    %dma_start3A_250 = tpu.memref_slice %arg6[%dma_start3A_249] : memref<10000xi32, #tpu.memory_space<vmem>> -> memref<400xi32, #tpu.memory_space<vmem>>
    %dma_start3A_251 = arith.constant 0 : i32
    %dma_start3A_252 = arith.constant 0 : i32
    %dma_start3A_253 = tpu.memref_slice %arg2[%dma_start3A_251, %dma_start3A_252] : memref<10000x48xf32, #tpu.memory_space<hbm>> -> memref<10000x48xf32, #tpu.memory_space<hbm>>
    tpu.enqueue_indirect_dma source(%dma_start3A_253 : memref<10000x48xf32, #tpu.memory_space<hbm>>) target(%arg10 : memref<400x48xf32, #tpu.memory_space<vmem>>) offsets(%dma_start3A_250 : memref<400xi32, #tpu.memory_space<vmem>>) semaphore(%arg15 : memref<!tpu.dma_semaphore, #tpu.memory_space<semaphore_mem>>)
    %dma_wait3A_254 = arith.constant 4800 : i32
    %dma_wait3A_255 = tpu.memref_slice %arg6[%dma_wait3A_254] : memref<10000xi32, #tpu.memory_space<vmem>> -> memref<400xi32, #tpu.memory_space<vmem>>
    %dma_wait3A_256 = arith.constant 0 : i32
    %dma_wait3A_257 = arith.constant 0 : i32
    %dma_wait3A_258 = tpu.memref_slice %arg2[%dma_wait3A_256, %dma_wait3A_257] : memref<10000x48xf32, #tpu.memory_space<hbm>> -> memref<10000x48xf32, #tpu.memory_space<hbm>>
    tpu.wait_indirect_dma semaphore(%arg13 : memref<!tpu.dma_semaphore, #tpu.memory_space<semaphore_mem>>) src(%dma_wait3A_258 : memref<10000x48xf32, #tpu.memory_space<hbm>>) dst(%arg8 : memref<400x48xf32, #tpu.memory_space<vmem>>)
    %dma_start3A_259 = arith.constant 4800 : i32
    %dma_start3A_260 = tpu.memref_slice %arg7[%dma_start3A_259] : memref<10000xi32, #tpu.memory_space<vmem>> -> memref<400xi32, #tpu.memory_space<vmem>>
    %dma_start3A_261 = arith.constant 0 : i32
    %dma_start3A_262 = arith.constant 0 : i32
    %dma_start3A_263 = tpu.memref_slice %arg12[%dma_start3A_261, %dma_start3A_262] : memref<10000x48xf32, #tpu.memory_space<vmem_shared>> -> memref<10000x48xf32, #tpu.memory_space<vmem_shared>>
    tpu.enqueue_indirect_dma source(%arg8 : memref<400x48xf32, #tpu.memory_space<vmem>>) target(%dma_start3A_263 : memref<10000x48xf32, #tpu.memory_space<vmem_shared>>) offsets(%dma_start3A_260 : memref<400xi32, #tpu.memory_space<vmem>>) semaphore(%arg17 : memref<!tpu.dma_semaphore, #tpu.memory_space<semaphore_mem>>) {add = true}
    %dma_wait3A_264 = arith.constant 4400 : i32
    %dma_wait3A_265 = tpu.memref_slice %arg7[%dma_wait3A_264] : memref<10000xi32, #tpu.memory_space<vmem>> -> memref<400xi32, #tpu.memory_space<vmem>>
    %dma_wait3A_266 = arith.constant 0 : i32
    %dma_wait3A_267 = arith.constant 0 : i32
    %dma_wait3A_268 = tpu.memref_slice %arg12[%dma_wait3A_266, %dma_wait3A_267] : memref<10000x48xf32, #tpu.memory_space<vmem_shared>> -> memref<10000x48xf32, #tpu.memory_space<vmem_shared>>
    tpu.wait_indirect_dma semaphore(%arg20 : memref<!tpu.dma_semaphore, #tpu.memory_space<semaphore_mem>>) src(%arg11 : memref<400x48xf32, #tpu.memory_space<vmem>>) dst(%dma_wait3A_268 : memref<10000x48xf32, #tpu.memory_space<vmem_shared>>)
    %dma_start3A_269 = arith.constant 6000 : i32
    %dma_start3A_270 = tpu.memref_slice %arg6[%dma_start3A_269] : memref<10000xi32, #tpu.memory_space<vmem>> -> memref<400xi32, #tpu.memory_space<vmem>>
    %dma_start3A_271 = arith.constant 0 : i32
    %dma_start3A_272 = arith.constant 0 : i32
    %dma_start3A_273 = tpu.memref_slice %arg2[%dma_start3A_271, %dma_start3A_272] : memref<10000x48xf32, #tpu.memory_space<hbm>> -> memref<10000x48xf32, #tpu.memory_space<hbm>>
    tpu.enqueue_indirect_dma source(%dma_start3A_273 : memref<10000x48xf32, #tpu.memory_space<hbm>>) target(%arg11 : memref<400x48xf32, #tpu.memory_space<vmem>>) offsets(%dma_start3A_270 : memref<400xi32, #tpu.memory_space<vmem>>) semaphore(%arg16 : memref<!tpu.dma_semaphore, #tpu.memory_space<semaphore_mem>>)
    %dma_wait3A_274 = arith.constant 5200 : i32
    %dma_wait3A_275 = tpu.memref_slice %arg6[%dma_wait3A_274] : memref<10000xi32, #tpu.memory_space<vmem>> -> memref<400xi32, #tpu.memory_space<vmem>>
    %dma_wait3A_276 = arith.constant 0 : i32
    %dma_wait3A_277 = arith.constant 0 : i32
    %dma_wait3A_278 = tpu.memref_slice %arg2[%dma_wait3A_276, %dma_wait3A_277] : memref<10000x48xf32, #tpu.memory_space<hbm>> -> memref<10000x48xf32, #tpu.memory_space<hbm>>
    tpu.wait_indirect_dma semaphore(%arg14 : memref<!tpu.dma_semaphore, #tpu.memory_space<semaphore_mem>>) src(%dma_wait3A_278 : memref<10000x48xf32, #tpu.memory_space<hbm>>) dst(%arg9 : memref<400x48xf32, #tpu.memory_space<vmem>>)
    %dma_start3A_279 = arith.constant 5200 : i32
    %dma_start3A_280 = tpu.memref_slice %arg7[%dma_start3A_279] : memref<10000xi32, #tpu.memory_space<vmem>> -> memref<400xi32, #tpu.memory_space<vmem>>
    %dma_start3A_281 = arith.constant 0 : i32
    %dma_start3A_282 = arith.constant 0 : i32
    %dma_start3A_283 = tpu.memref_slice %arg12[%dma_start3A_281, %dma_start3A_282] : memref<10000x48xf32, #tpu.memory_space<vmem_shared>> -> memref<10000x48xf32, #tpu.memory_space<vmem_shared>>
    tpu.enqueue_indirect_dma source(%arg9 : memref<400x48xf32, #tpu.memory_space<vmem>>) target(%dma_start3A_283 : memref<10000x48xf32, #tpu.memory_space<vmem_shared>>) offsets(%dma_start3A_280 : memref<400xi32, #tpu.memory_space<vmem>>) semaphore(%arg18 : memref<!tpu.dma_semaphore, #tpu.memory_space<semaphore_mem>>) {add = true}
    %dma_wait3A_284 = arith.constant 4800 : i32
    %dma_wait3A_285 = tpu.memref_slice %arg7[%dma_wait3A_284] : memref<10000xi32, #tpu.memory_space<vmem>> -> memref<400xi32, #tpu.memory_space<vmem>>
    %dma_wait3A_286 = arith.constant 0 : i32
    %dma_wait3A_287 = arith.constant 0 : i32
    %dma_wait3A_288 = tpu.memref_slice %arg12[%dma_wait3A_286, %dma_wait3A_287] : memref<10000x48xf32, #tpu.memory_space<vmem_shared>> -> memref<10000x48xf32, #tpu.memory_space<vmem_shared>>
    tpu.wait_indirect_dma semaphore(%arg17 : memref<!tpu.dma_semaphore, #tpu.memory_space<semaphore_mem>>) src(%arg8 : memref<400x48xf32, #tpu.memory_space<vmem>>) dst(%dma_wait3A_288 : memref<10000x48xf32, #tpu.memory_space<vmem_shared>>)
    %dma_start3A_289 = arith.constant 6400 : i32
    %dma_start3A_290 = tpu.memref_slice %arg6[%dma_start3A_289] : memref<10000xi32, #tpu.memory_space<vmem>> -> memref<400xi32, #tpu.memory_space<vmem>>
    %dma_start3A_291 = arith.constant 0 : i32
    %dma_start3A_292 = arith.constant 0 : i32
    %dma_start3A_293 = tpu.memref_slice %arg2[%dma_start3A_291, %dma_start3A_292] : memref<10000x48xf32, #tpu.memory_space<hbm>> -> memref<10000x48xf32, #tpu.memory_space<hbm>>
    tpu.enqueue_indirect_dma source(%dma_start3A_293 : memref<10000x48xf32, #tpu.memory_space<hbm>>) target(%arg8 : memref<400x48xf32, #tpu.memory_space<vmem>>) offsets(%dma_start3A_290 : memref<400xi32, #tpu.memory_space<vmem>>) semaphore(%arg13 : memref<!tpu.dma_semaphore, #tpu.memory_space<semaphore_mem>>)
    %dma_wait3A_294 = arith.constant 5600 : i32
    %dma_wait3A_295 = tpu.memref_slice %arg6[%dma_wait3A_294] : memref<10000xi32, #tpu.memory_space<vmem>> -> memref<400xi32, #tpu.memory_space<vmem>>
    %dma_wait3A_296 = arith.constant 0 : i32
    %dma_wait3A_297 = arith.constant 0 : i32
    %dma_wait3A_298 = tpu.memref_slice %arg2[%dma_wait3A_296, %dma_wait3A_297] : memref<10000x48xf32, #tpu.memory_space<hbm>> -> memref<10000x48xf32, #tpu.memory_space<hbm>>
    tpu.wait_indirect_dma semaphore(%arg15 : memref<!tpu.dma_semaphore, #tpu.memory_space<semaphore_mem>>) src(%dma_wait3A_298 : memref<10000x48xf32, #tpu.memory_space<hbm>>) dst(%arg10 : memref<400x48xf32, #tpu.memory_space<vmem>>)
    %dma_start3A_299 = arith.constant 5600 : i32
    %dma_start3A_300 = tpu.memref_slice %arg7[%dma_start3A_299] : memref<10000xi32, #tpu.memory_space<vmem>> -> memref<400xi32, #tpu.memory_space<vmem>>
    %dma_start3A_301 = arith.constant 0 : i32
    %dma_start3A_302 = arith.constant 0 : i32
    %dma_start3A_303 = tpu.memref_slice %arg12[%dma_start3A_301, %dma_start3A_302] : memref<10000x48xf32, #tpu.memory_space<vmem_shared>> -> memref<10000x48xf32, #tpu.memory_space<vmem_shared>>
    tpu.enqueue_indirect_dma source(%arg10 : memref<400x48xf32, #tpu.memory_space<vmem>>) target(%dma_start3A_303 : memref<10000x48xf32, #tpu.memory_space<vmem_shared>>) offsets(%dma_start3A_300 : memref<400xi32, #tpu.memory_space<vmem>>) semaphore(%arg19 : memref<!tpu.dma_semaphore, #tpu.memory_space<semaphore_mem>>) {add = true}
    %dma_wait3A_304 = arith.constant 5200 : i32
    %dma_wait3A_305 = tpu.memref_slice %arg7[%dma_wait3A_304] : memref<10000xi32, #tpu.memory_space<vmem>> -> memref<400xi32, #tpu.memory_space<vmem>>
    %dma_wait3A_306 = arith.constant 0 : i32
    %dma_wait3A_307 = arith.constant 0 : i32
    %dma_wait3A_308 = tpu.memref_slice %arg12[%dma_wait3A_306, %dma_wait3A_307] : memref<10000x48xf32, #tpu.memory_space<vmem_shared>> -> memref<10000x48xf32, #tpu.memory_space<vmem_shared>>
    tpu.wait_indirect_dma semaphore(%arg18 : memref<!tpu.dma_semaphore, #tpu.memory_space<semaphore_mem>>) src(%arg9 : memref<400x48xf32, #tpu.memory_space<vmem>>) dst(%dma_wait3A_308 : memref<10000x48xf32, #tpu.memory_space<vmem_shared>>)
    %dma_start3A_309 = arith.constant 6800 : i32
    %dma_start3A_310 = tpu.memref_slice %arg6[%dma_start3A_309] : memref<10000xi32, #tpu.memory_space<vmem>> -> memref<400xi32, #tpu.memory_space<vmem>>
    %dma_start3A_311 = arith.constant 0 : i32
    %dma_start3A_312 = arith.constant 0 : i32
    %dma_start3A_313 = tpu.memref_slice %arg2[%dma_start3A_311, %dma_start3A_312] : memref<10000x48xf32, #tpu.memory_space<hbm>> -> memref<10000x48xf32, #tpu.memory_space<hbm>>
    tpu.enqueue_indirect_dma source(%dma_start3A_313 : memref<10000x48xf32, #tpu.memory_space<hbm>>) target(%arg9 : memref<400x48xf32, #tpu.memory_space<vmem>>) offsets(%dma_start3A_310 : memref<400xi32, #tpu.memory_space<vmem>>) semaphore(%arg14 : memref<!tpu.dma_semaphore, #tpu.memory_space<semaphore_mem>>)
    %dma_wait3A_314 = arith.constant 6000 : i32
    %dma_wait3A_315 = tpu.memref_slice %arg6[%dma_wait3A_314] : memref<10000xi32, #tpu.memory_space<vmem>> -> memref<400xi32, #tpu.memory_space<vmem>>
    %dma_wait3A_316 = arith.constant 0 : i32
    %dma_wait3A_317 = arith.constant 0 : i32
    %dma_wait3A_318 = tpu.memref_slice %arg2[%dma_wait3A_316, %dma_wait3A_317] : memref<10000x48xf32, #tpu.memory_space<hbm>> -> memref<10000x48xf32, #tpu.memory_space<hbm>>
    tpu.wait_indirect_dma semaphore(%arg16 : memref<!tpu.dma_semaphore, #tpu.memory_space<semaphore_mem>>) src(%dma_wait3A_318 : memref<10000x48xf32, #tpu.memory_space<hbm>>) dst(%arg11 : memref<400x48xf32, #tpu.memory_space<vmem>>)
    %dma_start3A_319 = arith.constant 6000 : i32
    %dma_start3A_320 = tpu.memref_slice %arg7[%dma_start3A_319] : memref<10000xi32, #tpu.memory_space<vmem>> -> memref<400xi32, #tpu.memory_space<vmem>>
    %dma_start3A_321 = arith.constant 0 : i32
    %dma_start3A_322 = arith.constant 0 : i32
    %dma_start3A_323 = tpu.memref_slice %arg12[%dma_start3A_321, %dma_start3A_322] : memref<10000x48xf32, #tpu.memory_space<vmem_shared>> -> memref<10000x48xf32, #tpu.memory_space<vmem_shared>>
    tpu.enqueue_indirect_dma source(%arg11 : memref<400x48xf32, #tpu.memory_space<vmem>>) target(%dma_start3A_323 : memref<10000x48xf32, #tpu.memory_space<vmem_shared>>) offsets(%dma_start3A_320 : memref<400xi32, #tpu.memory_space<vmem>>) semaphore(%arg20 : memref<!tpu.dma_semaphore, #tpu.memory_space<semaphore_mem>>) {add = true}
    %dma_wait3A_324 = arith.constant 5600 : i32
    %dma_wait3A_325 = tpu.memref_slice %arg7[%dma_wait3A_324] : memref<10000xi32, #tpu.memory_space<vmem>> -> memref<400xi32, #tpu.memory_space<vmem>>
    %dma_wait3A_326 = arith.constant 0 : i32
    %dma_wait3A_327 = arith.constant 0 : i32
    %dma_wait3A_328 = tpu.memref_slice %arg12[%dma_wait3A_326, %dma_wait3A_327] : memref<10000x48xf32, #tpu.memory_space<vmem_shared>> -> memref<10000x48xf32, #tpu.memory_space<vmem_shared>>
    tpu.wait_indirect_dma semaphore(%arg19 : memref<!tpu.dma_semaphore, #tpu.memory_space<semaphore_mem>>) src(%arg10 : memref<400x48xf32, #tpu.memory_space<vmem>>) dst(%dma_wait3A_328 : memref<10000x48xf32, #tpu.memory_space<vmem_shared>>)
    %dma_start3A_329 = arith.constant 7200 : i32
    %dma_start3A_330 = tpu.memref_slice %arg6[%dma_start3A_329] : memref<10000xi32, #tpu.memory_space<vmem>> -> memref<400xi32, #tpu.memory_space<vmem>>
    %dma_start3A_331 = arith.constant 0 : i32
    %dma_start3A_332 = arith.constant 0 : i32
    %dma_start3A_333 = tpu.memref_slice %arg2[%dma_start3A_331, %dma_start3A_332] : memref<10000x48xf32, #tpu.memory_space<hbm>> -> memref<10000x48xf32, #tpu.memory_space<hbm>>
    tpu.enqueue_indirect_dma source(%dma_start3A_333 : memref<10000x48xf32, #tpu.memory_space<hbm>>) target(%arg10 : memref<400x48xf32, #tpu.memory_space<vmem>>) offsets(%dma_start3A_330 : memref<400xi32, #tpu.memory_space<vmem>>) semaphore(%arg15 : memref<!tpu.dma_semaphore, #tpu.memory_space<semaphore_mem>>)
    %dma_wait3A_334 = arith.constant 6400 : i32
    %dma_wait3A_335 = tpu.memref_slice %arg6[%dma_wait3A_334] : memref<10000xi32, #tpu.memory_space<vmem>> -> memref<400xi32, #tpu.memory_space<vmem>>
    %dma_wait3A_336 = arith.constant 0 : i32
    %dma_wait3A_337 = arith.constant 0 : i32
    %dma_wait3A_338 = tpu.memref_slice %arg2[%dma_wait3A_336, %dma_wait3A_337] : memref<10000x48xf32, #tpu.memory_space<hbm>> -> memref<10000x48xf32, #tpu.memory_space<hbm>>
    tpu.wait_indirect_dma semaphore(%arg13 : memref<!tpu.dma_semaphore, #tpu.memory_space<semaphore_mem>>) src(%dma_wait3A_338 : memref<10000x48xf32, #tpu.memory_space<hbm>>) dst(%arg8 : memref<400x48xf32, #tpu.memory_space<vmem>>)
    %dma_start3A_339 = arith.constant 6400 : i32
    %dma_start3A_340 = tpu.memref_slice %arg7[%dma_start3A_339] : memref<10000xi32, #tpu.memory_space<vmem>> -> memref<400xi32, #tpu.memory_space<vmem>>
    %dma_start3A_341 = arith.constant 0 : i32
    %dma_start3A_342 = arith.constant 0 : i32
    %dma_start3A_343 = tpu.memref_slice %arg12[%dma_start3A_341, %dma_start3A_342] : memref<10000x48xf32, #tpu.memory_space<vmem_shared>> -> memref<10000x48xf32, #tpu.memory_space<vmem_shared>>
    tpu.enqueue_indirect_dma source(%arg8 : memref<400x48xf32, #tpu.memory_space<vmem>>) target(%dma_start3A_343 : memref<10000x48xf32, #tpu.memory_space<vmem_shared>>) offsets(%dma_start3A_340 : memref<400xi32, #tpu.memory_space<vmem>>) semaphore(%arg17 : memref<!tpu.dma_semaphore, #tpu.memory_space<semaphore_mem>>) {add = true}
    %dma_wait3A_344 = arith.constant 6000 : i32
    %dma_wait3A_345 = tpu.memref_slice %arg7[%dma_wait3A_344] : memref<10000xi32, #tpu.memory_space<vmem>> -> memref<400xi32, #tpu.memory_space<vmem>>
    %dma_wait3A_346 = arith.constant 0 : i32
    %dma_wait3A_347 = arith.constant 0 : i32
    %dma_wait3A_348 = tpu.memref_slice %arg12[%dma_wait3A_346, %dma_wait3A_347] : memref<10000x48xf32, #tpu.memory_space<vmem_shared>> -> memref<10000x48xf32, #tpu.memory_space<vmem_shared>>
    tpu.wait_indirect_dma semaphore(%arg20 : memref<!tpu.dma_semaphore, #tpu.memory_space<semaphore_mem>>) src(%arg11 : memref<400x48xf32, #tpu.memory_space<vmem>>) dst(%dma_wait3A_348 : memref<10000x48xf32, #tpu.memory_space<vmem_shared>>)
    %dma_start3A_349 = arith.constant 7600 : i32
    %dma_start3A_350 = tpu.memref_slice %arg6[%dma_start3A_349] : memref<10000xi32, #tpu.memory_space<vmem>> -> memref<400xi32, #tpu.memory_space<vmem>>
    %dma_start3A_351 = arith.constant 0 : i32
    %dma_start3A_352 = arith.constant 0 : i32
    %dma_start3A_353 = tpu.memref_slice %arg2[%dma_start3A_351, %dma_start3A_352] : memref<10000x48xf32, #tpu.memory_space<hbm>> -> memref<10000x48xf32, #tpu.memory_space<hbm>>
    tpu.enqueue_indirect_dma source(%dma_start3A_353 : memref<10000x48xf32, #tpu.memory_space<hbm>>) target(%arg11 : memref<400x48xf32, #tpu.memory_space<vmem>>) offsets(%dma_start3A_350 : memref<400xi32, #tpu.memory_space<vmem>>) semaphore(%arg16 : memref<!tpu.dma_semaphore, #tpu.memory_space<semaphore_mem>>)
    %dma_wait3A_354 = arith.constant 6800 : i32
    %dma_wait3A_355 = tpu.memref_slice %arg6[%dma_wait3A_354] : memref<10000xi32, #tpu.memory_space<vmem>> -> memref<400xi32, #tpu.memory_space<vmem>>
    %dma_wait3A_356 = arith.constant 0 : i32
    %dma_wait3A_357 = arith.constant 0 : i32
    %dma_wait3A_358 = tpu.memref_slice %arg2[%dma_wait3A_356, %dma_wait3A_357] : memref<10000x48xf32, #tpu.memory_space<hbm>> -> memref<10000x48xf32, #tpu.memory_space<hbm>>
    tpu.wait_indirect_dma semaphore(%arg14 : memref<!tpu.dma_semaphore, #tpu.memory_space<semaphore_mem>>) src(%dma_wait3A_358 : memref<10000x48xf32, #tpu.memory_space<hbm>>) dst(%arg9 : memref<400x48xf32, #tpu.memory_space<vmem>>)
    %dma_start3A_359 = arith.constant 6800 : i32
    %dma_start3A_360 = tpu.memref_slice %arg7[%dma_start3A_359] : memref<10000xi32, #tpu.memory_space<vmem>> -> memref<400xi32, #tpu.memory_space<vmem>>
    %dma_start3A_361 = arith.constant 0 : i32
    %dma_start3A_362 = arith.constant 0 : i32
    %dma_start3A_363 = tpu.memref_slice %arg12[%dma_start3A_361, %dma_start3A_362] : memref<10000x48xf32, #tpu.memory_space<vmem_shared>> -> memref<10000x48xf32, #tpu.memory_space<vmem_shared>>
    tpu.enqueue_indirect_dma source(%arg9 : memref<400x48xf32, #tpu.memory_space<vmem>>) target(%dma_start3A_363 : memref<10000x48xf32, #tpu.memory_space<vmem_shared>>) offsets(%dma_start3A_360 : memref<400xi32, #tpu.memory_space<vmem>>) semaphore(%arg18 : memref<!tpu.dma_semaphore, #tpu.memory_space<semaphore_mem>>) {add = true}
    %dma_wait3A_364 = arith.constant 6400 : i32
    %dma_wait3A_365 = tpu.memref_slice %arg7[%dma_wait3A_364] : memref<10000xi32, #tpu.memory_space<vmem>> -> memref<400xi32, #tpu.memory_space<vmem>>
    %dma_wait3A_366 = arith.constant 0 : i32
    %dma_wait3A_367 = arith.constant 0 : i32
    %dma_wait3A_368 = tpu.memref_slice %arg12[%dma_wait3A_366, %dma_wait3A_367] : memref<10000x48xf32, #tpu.memory_space<vmem_shared>> -> memref<10000x48xf32, #tpu.memory_space<vmem_shared>>
    tpu.wait_indirect_dma semaphore(%arg17 : memref<!tpu.dma_semaphore, #tpu.memory_space<semaphore_mem>>) src(%arg8 : memref<400x48xf32, #tpu.memory_space<vmem>>) dst(%dma_wait3A_368 : memref<10000x48xf32, #tpu.memory_space<vmem_shared>>)
    %dma_start3A_369 = arith.constant 8000 : i32
    %dma_start3A_370 = tpu.memref_slice %arg6[%dma_start3A_369] : memref<10000xi32, #tpu.memory_space<vmem>> -> memref<400xi32, #tpu.memory_space<vmem>>
    %dma_start3A_371 = arith.constant 0 : i32
    %dma_start3A_372 = arith.constant 0 : i32
    %dma_start3A_373 = tpu.memref_slice %arg2[%dma_start3A_371, %dma_start3A_372] : memref<10000x48xf32, #tpu.memory_space<hbm>> -> memref<10000x48xf32, #tpu.memory_space<hbm>>
    tpu.enqueue_indirect_dma source(%dma_start3A_373 : memref<10000x48xf32, #tpu.memory_space<hbm>>) target(%arg8 : memref<400x48xf32, #tpu.memory_space<vmem>>) offsets(%dma_start3A_370 : memref<400xi32, #tpu.memory_space<vmem>>) semaphore(%arg13 : memref<!tpu.dma_semaphore, #tpu.memory_space<semaphore_mem>>)
    %dma_wait3A_374 = arith.constant 7200 : i32
    %dma_wait3A_375 = tpu.memref_slice %arg6[%dma_wait3A_374] : memref<10000xi32, #tpu.memory_space<vmem>> -> memref<400xi32, #tpu.memory_space<vmem>>
    %dma_wait3A_376 = arith.constant 0 : i32
    %dma_wait3A_377 = arith.constant 0 : i32
    %dma_wait3A_378 = tpu.memref_slice %arg2[%dma_wait3A_376, %dma_wait3A_377] : memref<10000x48xf32, #tpu.memory_space<hbm>> -> memref<10000x48xf32, #tpu.memory_space<hbm>>
    tpu.wait_indirect_dma semaphore(%arg15 : memref<!tpu.dma_semaphore, #tpu.memory_space<semaphore_mem>>) src(%dma_wait3A_378 : memref<10000x48xf32, #tpu.memory_space<hbm>>) dst(%arg10 : memref<400x48xf32, #tpu.memory_space<vmem>>)
    %dma_start3A_379 = arith.constant 7200 : i32
    %dma_start3A_380 = tpu.memref_slice %arg7[%dma_start3A_379] : memref<10000xi32, #tpu.memory_space<vmem>> -> memref<400xi32, #tpu.memory_space<vmem>>
    %dma_start3A_381 = arith.constant 0 : i32
    %dma_start3A_382 = arith.constant 0 : i32
    %dma_start3A_383 = tpu.memref_slice %arg12[%dma_start3A_381, %dma_start3A_382] : memref<10000x48xf32, #tpu.memory_space<vmem_shared>> -> memref<10000x48xf32, #tpu.memory_space<vmem_shared>>
    tpu.enqueue_indirect_dma source(%arg10 : memref<400x48xf32, #tpu.memory_space<vmem>>) target(%dma_start3A_383 : memref<10000x48xf32, #tpu.memory_space<vmem_shared>>) offsets(%dma_start3A_380 : memref<400xi32, #tpu.memory_space<vmem>>) semaphore(%arg19 : memref<!tpu.dma_semaphore, #tpu.memory_space<semaphore_mem>>) {add = true}
    %dma_wait3A_384 = arith.constant 6800 : i32
    %dma_wait3A_385 = tpu.memref_slice %arg7[%dma_wait3A_384] : memref<10000xi32, #tpu.memory_space<vmem>> -> memref<400xi32, #tpu.memory_space<vmem>>
    %dma_wait3A_386 = arith.constant 0 : i32
    %dma_wait3A_387 = arith.constant 0 : i32
    %dma_wait3A_388 = tpu.memref_slice %arg12[%dma_wait3A_386, %dma_wait3A_387] : memref<10000x48xf32, #tpu.memory_space<vmem_shared>> -> memref<10000x48xf32, #tpu.memory_space<vmem_shared>>
    tpu.wait_indirect_dma semaphore(%arg18 : memref<!tpu.dma_semaphore, #tpu.memory_space<semaphore_mem>>) src(%arg9 : memref<400x48xf32, #tpu.memory_space<vmem>>) dst(%dma_wait3A_388 : memref<10000x48xf32, #tpu.memory_space<vmem_shared>>)
    %dma_start3A_389 = arith.constant 8400 : i32
    %dma_start3A_390 = tpu.memref_slice %arg6[%dma_start3A_389] : memref<10000xi32, #tpu.memory_space<vmem>> -> memref<400xi32, #tpu.memory_space<vmem>>
    %dma_start3A_391 = arith.constant 0 : i32
    %dma_start3A_392 = arith.constant 0 : i32
    %dma_start3A_393 = tpu.memref_slice %arg2[%dma_start3A_391, %dma_start3A_392] : memref<10000x48xf32, #tpu.memory_space<hbm>> -> memref<10000x48xf32, #tpu.memory_space<hbm>>
    tpu.enqueue_indirect_dma source(%dma_start3A_393 : memref<10000x48xf32, #tpu.memory_space<hbm>>) target(%arg9 : memref<400x48xf32, #tpu.memory_space<vmem>>) offsets(%dma_start3A_390 : memref<400xi32, #tpu.memory_space<vmem>>) semaphore(%arg14 : memref<!tpu.dma_semaphore, #tpu.memory_space<semaphore_mem>>)
    %dma_wait3A_394 = arith.constant 7600 : i32
    %dma_wait3A_395 = tpu.memref_slice %arg6[%dma_wait3A_394] : memref<10000xi32, #tpu.memory_space<vmem>> -> memref<400xi32, #tpu.memory_space<vmem>>
    %dma_wait3A_396 = arith.constant 0 : i32
    %dma_wait3A_397 = arith.constant 0 : i32
    %dma_wait3A_398 = tpu.memref_slice %arg2[%dma_wait3A_396, %dma_wait3A_397] : memref<10000x48xf32, #tpu.memory_space<hbm>> -> memref<10000x48xf32, #tpu.memory_space<hbm>>
    tpu.wait_indirect_dma semaphore(%arg16 : memref<!tpu.dma_semaphore, #tpu.memory_space<semaphore_mem>>) src(%dma_wait3A_398 : memref<10000x48xf32, #tpu.memory_space<hbm>>) dst(%arg11 : memref<400x48xf32, #tpu.memory_space<vmem>>)
    %dma_start3A_399 = arith.constant 7600 : i32
    %dma_start3A_400 = tpu.memref_slice %arg7[%dma_start3A_399] : memref<10000xi32, #tpu.memory_space<vmem>> -> memref<400xi32, #tpu.memory_space<vmem>>
    %dma_start3A_401 = arith.constant 0 : i32
    %dma_start3A_402 = arith.constant 0 : i32
    %dma_start3A_403 = tpu.memref_slice %arg12[%dma_start3A_401, %dma_start3A_402] : memref<10000x48xf32, #tpu.memory_space<vmem_shared>> -> memref<10000x48xf32, #tpu.memory_space<vmem_shared>>
    tpu.enqueue_indirect_dma source(%arg11 : memref<400x48xf32, #tpu.memory_space<vmem>>) target(%dma_start3A_403 : memref<10000x48xf32, #tpu.memory_space<vmem_shared>>) offsets(%dma_start3A_400 : memref<400xi32, #tpu.memory_space<vmem>>) semaphore(%arg20 : memref<!tpu.dma_semaphore, #tpu.memory_space<semaphore_mem>>) {add = true}
    %dma_wait3A_404 = arith.constant 7200 : i32
    %dma_wait3A_405 = tpu.memref_slice %arg7[%dma_wait3A_404] : memref<10000xi32, #tpu.memory_space<vmem>> -> memref<400xi32, #tpu.memory_space<vmem>>
    %dma_wait3A_406 = arith.constant 0 : i32
    %dma_wait3A_407 = arith.constant 0 : i32
    %dma_wait3A_408 = tpu.memref_slice %arg12[%dma_wait3A_406, %dma_wait3A_407] : memref<10000x48xf32, #tpu.memory_space<vmem_shared>> -> memref<10000x48xf32, #tpu.memory_space<vmem_shared>>
    tpu.wait_indirect_dma semaphore(%arg19 : memref<!tpu.dma_semaphore, #tpu.memory_space<semaphore_mem>>) src(%arg10 : memref<400x48xf32, #tpu.memory_space<vmem>>) dst(%dma_wait3A_408 : memref<10000x48xf32, #tpu.memory_space<vmem_shared>>)
    %dma_start3A_409 = arith.constant 8800 : i32
    %dma_start3A_410 = tpu.memref_slice %arg6[%dma_start3A_409] : memref<10000xi32, #tpu.memory_space<vmem>> -> memref<400xi32, #tpu.memory_space<vmem>>
    %dma_start3A_411 = arith.constant 0 : i32
    %dma_start3A_412 = arith.constant 0 : i32
    %dma_start3A_413 = tpu.memref_slice %arg2[%dma_start3A_411, %dma_start3A_412] : memref<10000x48xf32, #tpu.memory_space<hbm>> -> memref<10000x48xf32, #tpu.memory_space<hbm>>
    tpu.enqueue_indirect_dma source(%dma_start3A_413 : memref<10000x48xf32, #tpu.memory_space<hbm>>) target(%arg10 : memref<400x48xf32, #tpu.memory_space<vmem>>) offsets(%dma_start3A_410 : memref<400xi32, #tpu.memory_space<vmem>>) semaphore(%arg15 : memref<!tpu.dma_semaphore, #tpu.memory_space<semaphore_mem>>)
    %dma_wait3A_414 = arith.constant 8000 : i32
    %dma_wait3A_415 = tpu.memref_slice %arg6[%dma_wait3A_414] : memref<10000xi32, #tpu.memory_space<vmem>> -> memref<400xi32, #tpu.memory_space<vmem>>
    %dma_wait3A_416 = arith.constant 0 : i32
    %dma_wait3A_417 = arith.constant 0 : i32
    %dma_wait3A_418 = tpu.memref_slice %arg2[%dma_wait3A_416, %dma_wait3A_417] : memref<10000x48xf32, #tpu.memory_space<hbm>> -> memref<10000x48xf32, #tpu.memory_space<hbm>>
    tpu.wait_indirect_dma semaphore(%arg13 : memref<!tpu.dma_semaphore, #tpu.memory_space<semaphore_mem>>) src(%dma_wait3A_418 : memref<10000x48xf32, #tpu.memory_space<hbm>>) dst(%arg8 : memref<400x48xf32, #tpu.memory_space<vmem>>)
    %dma_start3A_419 = arith.constant 8000 : i32
    %dma_start3A_420 = tpu.memref_slice %arg7[%dma_start3A_419] : memref<10000xi32, #tpu.memory_space<vmem>> -> memref<400xi32, #tpu.memory_space<vmem>>
    %dma_start3A_421 = arith.constant 0 : i32
    %dma_start3A_422 = arith.constant 0 : i32
    %dma_start3A_423 = tpu.memref_slice %arg12[%dma_start3A_421, %dma_start3A_422] : memref<10000x48xf32, #tpu.memory_space<vmem_shared>> -> memref<10000x48xf32, #tpu.memory_space<vmem_shared>>
    tpu.enqueue_indirect_dma source(%arg8 : memref<400x48xf32, #tpu.memory_space<vmem>>) target(%dma_start3A_423 : memref<10000x48xf32, #tpu.memory_space<vmem_shared>>) offsets(%dma_start3A_420 : memref<400xi32, #tpu.memory_space<vmem>>) semaphore(%arg17 : memref<!tpu.dma_semaphore, #tpu.memory_space<semaphore_mem>>) {add = true}
    %dma_wait3A_424 = arith.constant 7600 : i32
    %dma_wait3A_425 = tpu.memref_slice %arg7[%dma_wait3A_424] : memref<10000xi32, #tpu.memory_space<vmem>> -> memref<400xi32, #tpu.memory_space<vmem>>
    %dma_wait3A_426 = arith.constant 0 : i32
    %dma_wait3A_427 = arith.constant 0 : i32
    %dma_wait3A_428 = tpu.memref_slice %arg12[%dma_wait3A_426, %dma_wait3A_427] : memref<10000x48xf32, #tpu.memory_space<vmem_shared>> -> memref<10000x48xf32, #tpu.memory_space<vmem_shared>>
    tpu.wait_indirect_dma semaphore(%arg20 : memref<!tpu.dma_semaphore, #tpu.memory_space<semaphore_mem>>) src(%arg11 : memref<400x48xf32, #tpu.memory_space<vmem>>) dst(%dma_wait3A_428 : memref<10000x48xf32, #tpu.memory_space<vmem_shared>>)
    %dma_start3A_429 = arith.constant 9200 : i32
    %dma_start3A_430 = tpu.memref_slice %arg6[%dma_start3A_429] : memref<10000xi32, #tpu.memory_space<vmem>> -> memref<400xi32, #tpu.memory_space<vmem>>
    %dma_start3A_431 = arith.constant 0 : i32
    %dma_start3A_432 = arith.constant 0 : i32
    %dma_start3A_433 = tpu.memref_slice %arg2[%dma_start3A_431, %dma_start3A_432] : memref<10000x48xf32, #tpu.memory_space<hbm>> -> memref<10000x48xf32, #tpu.memory_space<hbm>>
    tpu.enqueue_indirect_dma source(%dma_start3A_433 : memref<10000x48xf32, #tpu.memory_space<hbm>>) target(%arg11 : memref<400x48xf32, #tpu.memory_space<vmem>>) offsets(%dma_start3A_430 : memref<400xi32, #tpu.memory_space<vmem>>) semaphore(%arg16 : memref<!tpu.dma_semaphore, #tpu.memory_space<semaphore_mem>>)
    %dma_wait3A_434 = arith.constant 8400 : i32
    %dma_wait3A_435 = tpu.memref_slice %arg6[%dma_wait3A_434] : memref<10000xi32, #tpu.memory_space<vmem>> -> memref<400xi32, #tpu.memory_space<vmem>>
    %dma_wait3A_436 = arith.constant 0 : i32
    %dma_wait3A_437 = arith.constant 0 : i32
    %dma_wait3A_438 = tpu.memref_slice %arg2[%dma_wait3A_436, %dma_wait3A_437] : memref<10000x48xf32, #tpu.memory_space<hbm>> -> memref<10000x48xf32, #tpu.memory_space<hbm>>
    tpu.wait_indirect_dma semaphore(%arg14 : memref<!tpu.dma_semaphore, #tpu.memory_space<semaphore_mem>>) src(%dma_wait3A_438 : memref<10000x48xf32, #tpu.memory_space<hbm>>) dst(%arg9 : memref<400x48xf32, #tpu.memory_space<vmem>>)
    %dma_start3A_439 = arith.constant 8400 : i32
    %dma_start3A_440 = tpu.memref_slice %arg7[%dma_start3A_439] : memref<10000xi32, #tpu.memory_space<vmem>> -> memref<400xi32, #tpu.memory_space<vmem>>
    %dma_start3A_441 = arith.constant 0 : i32
    %dma_start3A_442 = arith.constant 0 : i32
    %dma_start3A_443 = tpu.memref_slice %arg12[%dma_start3A_441, %dma_start3A_442] : memref<10000x48xf32, #tpu.memory_space<vmem_shared>> -> memref<10000x48xf32, #tpu.memory_space<vmem_shared>>
    tpu.enqueue_indirect_dma source(%arg9 : memref<400x48xf32, #tpu.memory_space<vmem>>) target(%dma_start3A_443 : memref<10000x48xf32, #tpu.memory_space<vmem_shared>>) offsets(%dma_start3A_440 : memref<400xi32, #tpu.memory_space<vmem>>) semaphore(%arg18 : memref<!tpu.dma_semaphore, #tpu.memory_space<semaphore_mem>>) {add = true}
    %dma_wait3A_444 = arith.constant 8000 : i32
    %dma_wait3A_445 = tpu.memref_slice %arg7[%dma_wait3A_444] : memref<10000xi32, #tpu.memory_space<vmem>> -> memref<400xi32, #tpu.memory_space<vmem>>
    %dma_wait3A_446 = arith.constant 0 : i32
    %dma_wait3A_447 = arith.constant 0 : i32
    %dma_wait3A_448 = tpu.memref_slice %arg12[%dma_wait3A_446, %dma_wait3A_447] : memref<10000x48xf32, #tpu.memory_space<vmem_shared>> -> memref<10000x48xf32, #tpu.memory_space<vmem_shared>>
    tpu.wait_indirect_dma semaphore(%arg17 : memref<!tpu.dma_semaphore, #tpu.memory_space<semaphore_mem>>) src(%arg8 : memref<400x48xf32, #tpu.memory_space<vmem>>) dst(%dma_wait3A_448 : memref<10000x48xf32, #tpu.memory_space<vmem_shared>>)
    %dma_start3A_449 = arith.constant 9600 : i32
    %dma_start3A_450 = tpu.memref_slice %arg6[%dma_start3A_449] : memref<10000xi32, #tpu.memory_space<vmem>> -> memref<400xi32, #tpu.memory_space<vmem>>
    %dma_start3A_451 = arith.constant 0 : i32
    %dma_start3A_452 = arith.constant 0 : i32
    %dma_start3A_453 = tpu.memref_slice %arg2[%dma_start3A_451, %dma_start3A_452] : memref<10000x48xf32, #tpu.memory_space<hbm>> -> memref<10000x48xf32, #tpu.memory_space<hbm>>
    tpu.enqueue_indirect_dma source(%dma_start3A_453 : memref<10000x48xf32, #tpu.memory_space<hbm>>) target(%arg8 : memref<400x48xf32, #tpu.memory_space<vmem>>) offsets(%dma_start3A_450 : memref<400xi32, #tpu.memory_space<vmem>>) semaphore(%arg13 : memref<!tpu.dma_semaphore, #tpu.memory_space<semaphore_mem>>)
    %dma_wait3A_454 = arith.constant 8800 : i32
    %dma_wait3A_455 = tpu.memref_slice %arg6[%dma_wait3A_454] : memref<10000xi32, #tpu.memory_space<vmem>> -> memref<400xi32, #tpu.memory_space<vmem>>
    %dma_wait3A_456 = arith.constant 0 : i32
    %dma_wait3A_457 = arith.constant 0 : i32
    %dma_wait3A_458 = tpu.memref_slice %arg2[%dma_wait3A_456, %dma_wait3A_457] : memref<10000x48xf32, #tpu.memory_space<hbm>> -> memref<10000x48xf32, #tpu.memory_space<hbm>>
    tpu.wait_indirect_dma semaphore(%arg15 : memref<!tpu.dma_semaphore, #tpu.memory_space<semaphore_mem>>) src(%dma_wait3A_458 : memref<10000x48xf32, #tpu.memory_space<hbm>>) dst(%arg10 : memref<400x48xf32, #tpu.memory_space<vmem>>)
    %dma_start3A_459 = arith.constant 8800 : i32
    %dma_start3A_460 = tpu.memref_slice %arg7[%dma_start3A_459] : memref<10000xi32, #tpu.memory_space<vmem>> -> memref<400xi32, #tpu.memory_space<vmem>>
    %dma_start3A_461 = arith.constant 0 : i32
    %dma_start3A_462 = arith.constant 0 : i32
    %dma_start3A_463 = tpu.memref_slice %arg12[%dma_start3A_461, %dma_start3A_462] : memref<10000x48xf32, #tpu.memory_space<vmem_shared>> -> memref<10000x48xf32, #tpu.memory_space<vmem_shared>>
    tpu.enqueue_indirect_dma source(%arg10 : memref<400x48xf32, #tpu.memory_space<vmem>>) target(%dma_start3A_463 : memref<10000x48xf32, #tpu.memory_space<vmem_shared>>) offsets(%dma_start3A_460 : memref<400xi32, #tpu.memory_space<vmem>>) semaphore(%arg19 : memref<!tpu.dma_semaphore, #tpu.memory_space<semaphore_mem>>) {add = true}
    %dma_wait3A_464 = arith.constant 9200 : i32
    %dma_wait3A_465 = tpu.memref_slice %arg6[%dma_wait3A_464] : memref<10000xi32, #tpu.memory_space<vmem>> -> memref<400xi32, #tpu.memory_space<vmem>>
    %dma_wait3A_466 = arith.constant 0 : i32
    %dma_wait3A_467 = arith.constant 0 : i32
    %dma_wait3A_468 = tpu.memref_slice %arg2[%dma_wait3A_466, %dma_wait3A_467] : memref<10000x48xf32, #tpu.memory_space<hbm>> -> memref<10000x48xf32, #tpu.memory_space<hbm>>
    tpu.wait_indirect_dma semaphore(%arg16 : memref<!tpu.dma_semaphore, #tpu.memory_space<semaphore_mem>>) src(%dma_wait3A_468 : memref<10000x48xf32, #tpu.memory_space<hbm>>) dst(%arg11 : memref<400x48xf32, #tpu.memory_space<vmem>>)
    %dma_start3A_469 = arith.constant 9200 : i32
    %dma_start3A_470 = tpu.memref_slice %arg7[%dma_start3A_469] : memref<10000xi32, #tpu.memory_space<vmem>> -> memref<400xi32, #tpu.memory_space<vmem>>
    %dma_start3A_471 = arith.constant 0 : i32
    %dma_start3A_472 = arith.constant 0 : i32
    %dma_start3A_473 = tpu.memref_slice %arg12[%dma_start3A_471, %dma_start3A_472] : memref<10000x48xf32, #tpu.memory_space<vmem_shared>> -> memref<10000x48xf32, #tpu.memory_space<vmem_shared>>
    tpu.enqueue_indirect_dma source(%arg11 : memref<400x48xf32, #tpu.memory_space<vmem>>) target(%dma_start3A_473 : memref<10000x48xf32, #tpu.memory_space<vmem_shared>>) offsets(%dma_start3A_470 : memref<400xi32, #tpu.memory_space<vmem>>) semaphore(%arg20 : memref<!tpu.dma_semaphore, #tpu.memory_space<semaphore_mem>>) {add = true}
    %dma_wait3A_474 = arith.constant 9600 : i32
    %dma_wait3A_475 = tpu.memref_slice %arg6[%dma_wait3A_474] : memref<10000xi32, #tpu.memory_space<vmem>> -> memref<400xi32, #tpu.memory_space<vmem>>
    %dma_wait3A_476 = arith.constant 0 : i32
    %dma_wait3A_477 = arith.constant 0 : i32
    %dma_wait3A_478 = tpu.memref_slice %arg2[%dma_wait3A_476, %dma_wait3A_477] : memref<10000x48xf32, #tpu.memory_space<hbm>> -> memref<10000x48xf32, #tpu.memory_space<hbm>>
    tpu.wait_indirect_dma semaphore(%arg13 : memref<!tpu.dma_semaphore, #tpu.memory_space<semaphore_mem>>) src(%dma_wait3A_478 : memref<10000x48xf32, #tpu.memory_space<hbm>>) dst(%arg8 : memref<400x48xf32, #tpu.memory_space<vmem>>)
    %dma_start3A_479 = arith.constant 9600 : i32
    %dma_start3A_480 = tpu.memref_slice %arg7[%dma_start3A_479] : memref<10000xi32, #tpu.memory_space<vmem>> -> memref<400xi32, #tpu.memory_space<vmem>>
    %dma_start3A_481 = arith.constant 0 : i32
    %dma_start3A_482 = arith.constant 0 : i32
    %dma_start3A_483 = tpu.memref_slice %arg12[%dma_start3A_481, %dma_start3A_482] : memref<10000x48xf32, #tpu.memory_space<vmem_shared>> -> memref<10000x48xf32, #tpu.memory_space<vmem_shared>>
    tpu.enqueue_indirect_dma source(%arg8 : memref<400x48xf32, #tpu.memory_space<vmem>>) target(%dma_start3A_483 : memref<10000x48xf32, #tpu.memory_space<vmem_shared>>) offsets(%dma_start3A_480 : memref<400xi32, #tpu.memory_space<vmem>>) semaphore(%arg17 : memref<!tpu.dma_semaphore, #tpu.memory_space<semaphore_mem>>) {add = true}
    %dma_wait3A_484 = arith.constant 8400 : i32
    %dma_wait3A_485 = tpu.memref_slice %arg7[%dma_wait3A_484] : memref<10000xi32, #tpu.memory_space<vmem>> -> memref<400xi32, #tpu.memory_space<vmem>>
    %dma_wait3A_486 = arith.constant 0 : i32
    %dma_wait3A_487 = arith.constant 0 : i32
    %dma_wait3A_488 = tpu.memref_slice %arg12[%dma_wait3A_486, %dma_wait3A_487] : memref<10000x48xf32, #tpu.memory_space<vmem_shared>> -> memref<10000x48xf32, #tpu.memory_space<vmem_shared>>
    tpu.wait_indirect_dma semaphore(%arg18 : memref<!tpu.dma_semaphore, #tpu.memory_space<semaphore_mem>>) src(%arg9 : memref<400x48xf32, #tpu.memory_space<vmem>>) dst(%dma_wait3A_488 : memref<10000x48xf32, #tpu.memory_space<vmem_shared>>)
    %dma_wait3A_489 = arith.constant 8800 : i32
    %dma_wait3A_490 = tpu.memref_slice %arg7[%dma_wait3A_489] : memref<10000xi32, #tpu.memory_space<vmem>> -> memref<400xi32, #tpu.memory_space<vmem>>
    %dma_wait3A_491 = arith.constant 0 : i32
    %dma_wait3A_492 = arith.constant 0 : i32
    %dma_wait3A_493 = tpu.memref_slice %arg12[%dma_wait3A_491, %dma_wait3A_492] : memref<10000x48xf32, #tpu.memory_space<vmem_shared>> -> memref<10000x48xf32, #tpu.memory_space<vmem_shared>>
    tpu.wait_indirect_dma semaphore(%arg19 : memref<!tpu.dma_semaphore, #tpu.memory_space<semaphore_mem>>) src(%arg10 : memref<400x48xf32, #tpu.memory_space<vmem>>) dst(%dma_wait3A_493 : memref<10000x48xf32, #tpu.memory_space<vmem_shared>>)
    %dma_wait3A_494 = arith.constant 9200 : i32
    %dma_wait3A_495 = tpu.memref_slice %arg7[%dma_wait3A_494] : memref<10000xi32, #tpu.memory_space<vmem>> -> memref<400xi32, #tpu.memory_space<vmem>>
    %dma_wait3A_496 = arith.constant 0 : i32
    %dma_wait3A_497 = arith.constant 0 : i32
    %dma_wait3A_498 = tpu.memref_slice %arg12[%dma_wait3A_496, %dma_wait3A_497] : memref<10000x48xf32, #tpu.memory_space<vmem_shared>> -> memref<10000x48xf32, #tpu.memory_space<vmem_shared>>
    tpu.wait_indirect_dma semaphore(%arg20 : memref<!tpu.dma_semaphore, #tpu.memory_space<semaphore_mem>>) src(%arg11 : memref<400x48xf32, #tpu.memory_space<vmem>>) dst(%dma_wait3A_498 : memref<10000x48xf32, #tpu.memory_space<vmem_shared>>)
    %dma_wait3A_499 = arith.constant 9600 : i32
    %dma_wait3A_500 = tpu.memref_slice %arg7[%dma_wait3A_499] : memref<10000xi32, #tpu.memory_space<vmem>> -> memref<400xi32, #tpu.memory_space<vmem>>
    %dma_wait3A_501 = arith.constant 0 : i32
    %dma_wait3A_502 = arith.constant 0 : i32
    %dma_wait3A_503 = tpu.memref_slice %arg12[%dma_wait3A_501, %dma_wait3A_502] : memref<10000x48xf32, #tpu.memory_space<vmem_shared>> -> memref<10000x48xf32, #tpu.memory_space<vmem_shared>>
    tpu.wait_indirect_dma semaphore(%arg17 : memref<!tpu.dma_semaphore, #tpu.memory_space<semaphore_mem>>) src(%arg8 : memref<400x48xf32, #tpu.memory_space<vmem>>) dst(%dma_wait3A_503 : memref<10000x48xf32, #tpu.memory_space<vmem_shared>>)
    %barrier3A_504 = arith.constant 0 : index
    tpu.barrier barrier_id(%barrier3A_504)
    %lt3A_505 = arith.constant 10 : i32
    %lt3A_506 = arith.cmpi slt, %arg1, %lt3A_505 : i32
    %convert_element_type3A_507 = arith.extui %lt3A_506 : i1 to i32
    %cond3A_508 = arith.constant 0 : i32
    %cond3A_509 = arith.cmpi ne, %convert_element_type3A_507, %cond3A_508 : i32
    scf.if %cond3A_509 {
      %mul3A_510 = arith.constant 1000 : i32
      %mul3A_511 = arith.muli %arg1, %mul3A_510 : i32
      %mul3A_512 = arith.constant 1000 : i32
      %mul3A_513 = arith.muli %arg1, %mul3A_512 : i32
      "tpu.region"() ({
        %run_scoped3A_514 = tpu.sem_alloc : memref<!tpu.dma_semaphore, #tpu.memory_space<semaphore_mem>>
        %dma_start3A_515 = arith.constant 0 : i32
        %dma_start3A_516 = tpu.memref_slice %arg5[%arg0, %mul3A_513, %dma_start3A_515] : memref<2x10000x48xf32, #tpu.memory_space<hbm>> -> memref<1x1000x48xf32, #tpu.memory_space<hbm>>
        %dma_start3A_517 = tpu.memref_squeeze %dma_start3A_516 : memref<1x1000x48xf32, #tpu.memory_space<hbm>> -> memref<1000x48xf32, #tpu.memory_space<hbm>>
        %dma_start3A_518 = arith.constant 0 : i32
        %dma_start3A_519 = tpu.memref_slice %arg12[%mul3A_511, %dma_start3A_518] : memref<10000x48xf32, #tpu.memory_space<vmem_shared>> -> memref<1000x48xf32, #tpu.memory_space<vmem_shared>>
        tpu.enqueue_dma source(%dma_start3A_519 : memref<1000x48xf32, #tpu.memory_space<vmem_shared>>) target(%dma_start3A_517 : memref<1000x48xf32, #tpu.memory_space<hbm>>) target_semaphore(%run_scoped3A_514 : memref<!tpu.dma_semaphore, #tpu.memory_space<semaphore_mem>>)
        %dma_wait3A_520 = arith.constant 0 : i32
        %dma_wait3A_521 = tpu.memref_slice %arg5[%arg0, %mul3A_513, %dma_wait3A_520] : memref<2x10000x48xf32, #tpu.memory_space<hbm>> -> memref<1x1000x48xf32, #tpu.memory_space<hbm>>
        %dma_wait3A_522 = tpu.memref_squeeze %dma_wait3A_521 : memref<1x1000x48xf32, #tpu.memory_space<hbm>> -> memref<1000x48xf32, #tpu.memory_space<hbm>>
        %dma_wait3A_523 = arith.constant 0 : i32
        %dma_wait3A_524 = tpu.memref_slice %arg12[%mul3A_511, %dma_wait3A_523] : memref<10000x48xf32, #tpu.memory_space<vmem_shared>> -> memref<1000x48xf32, #tpu.memory_space<vmem_shared>>
        tpu.wait_dma2 semaphore(%run_scoped3A_514 : memref<!tpu.dma_semaphore, #tpu.memory_space<semaphore_mem>>) src(%dma_wait3A_524 : memref<1000x48xf32, #tpu.memory_space<vmem_shared>>) dst(%dma_wait3A_522 : memref<1000x48xf32, #tpu.memory_space<hbm>>)
        tpu.yield
      }) : () -> ()
    } else {
    }
    return
  }
}

module attributes {stable_mosaic.version = 14 : i64} {
  func.func @_proj_body(%arg0: i32, %arg1: memref<2000x128xf32, #tpu.memory_space<vmem>>, %arg2: memref<32x128xf32, #tpu.memory_space<vmem>>, %arg3: memref<32x128xf32, #tpu.memory_space<vmem>>, %arg4: memref<32x32xf32, #tpu.memory_space<vmem>>, %arg5: memref<2000x32xf32, #tpu.memory_space<vmem>>, %arg6: memref<2000x48xf32, #tpu.memory_space<vmem>>) attributes {dimension_semantics = [#tpu.dimension_semantics<arbitrary>], iteration_bounds = array<i64: 5>, scalar_prefetch = 0 : i64, scratch_operands = 0 : i64, tpu.core_type = #tpu.core_type<tc>, window_params = [{transform_indices = @transform_0, window_bounds = array<i64: 2000, 128>}, {pipeline_mode = #tpu.pipeline_mode<synchronous>, transform_indices = @transform_1, window_bounds = array<i64: 32, 128>}, {pipeline_mode = #tpu.pipeline_mode<synchronous>, transform_indices = @transform_2, window_bounds = array<i64: 32, 128>}, {pipeline_mode = #tpu.pipeline_mode<synchronous>, transform_indices = @transform_3, window_bounds = array<i64: 32, 32>}, {transform_indices = @transform_4, window_bounds = array<i64: 2000, 32>}, {transform_indices = @transform_5, window_bounds = array<i64: 2000, 48>}]} {
    %get3A = arith.constant 0 : index
    %get3A_0 = arith.constant 0 : index
    %get3A_1 = vector.load %arg4[%get3A, %get3A_0] : memref<32x32xf32, #tpu.memory_space<vmem>>, vector<32x32xf32>
    %get3A_2 = arith.constant 0 : index
    %get3A_3 = arith.constant 0 : index
    %get3A_4 = vector.load %arg2[%get3A_2, %get3A_3] : memref<32x128xf32, #tpu.memory_space<vmem>>, vector<32x128xf32>
    %dot_general3A = arith.constant dense<0.000000e+00> : vector<32x128xf32>
    %dot_general3A_5 = tpu.matmul %get3A_1, %get3A_4, %dot_general3A {dimension_numbers = #tpu.dot_dimension_numbers<[1], [0], [0], [1], [0, 0, 1, 1], [], []>, transpose_lhs_hint = false} : vector<32x32xf32>, vector<32x128xf32>, vector<32x128xf32> -> vector<32x128xf32>
    %get3A_6 = arith.constant 0 : index
    %get3A_7 = arith.constant 0 : index
    %get3A_8 = vector.load %arg3[%get3A_6, %get3A_7] : memref<32x128xf32, #tpu.memory_space<vmem>>, vector<32x128xf32>
    %dot_general3A_9 = arith.constant dense<0.000000e+00> : vector<32x128xf32>
    %dot_general3A_10 = tpu.matmul %get3A_1, %get3A_8, %dot_general3A_9 {dimension_numbers = #tpu.dot_dimension_numbers<[1], [0], [0], [1], [0, 0, 1, 1], [], []>, transpose_lhs_hint = false} : vector<32x32xf32>, vector<32x128xf32>, vector<32x128xf32> -> vector<32x128xf32>
    %get3A_11 = arith.constant 0 : index
    %get3A_12 = arith.constant 0 : index
    %get3A_13 = vector.load %arg1[%get3A_11, %get3A_12] : memref<2000x128xf32, #tpu.memory_space<vmem>>, vector<2000x128xf32>
    %dot_general3A_14 = arith.constant dense<0.000000e+00> : vector<2000x32xf32>
    %dot_general3A_15 = tpu.matmul %get3A_13, %dot_general3A_5, %dot_general3A_14 {dimension_numbers = #tpu.dot_dimension_numbers<[1], [1], [0], [0], [0, 0, 1, 0], [], []>, transpose_lhs_hint = false} : vector<2000x128xf32>, vector<32x128xf32>, vector<2000x32xf32> -> vector<2000x32xf32>
    %swap3A = arith.constant 0 : index
    %swap3A_16 = arith.constant 0 : index
    %swap3A_17 = vector.load %arg5[%swap3A, %swap3A_16] : memref<2000x32xf32, #tpu.memory_space<vmem>>, vector<2000x32xf32>
    tpu.vector_store %arg5[%swap3A, %swap3A_16], %dot_general3A_15 {strides = array<i32>} : memref<2000x32xf32, #tpu.memory_space<vmem>>, vector<2000x32xf32>,
    %dot_general3A_18 = arith.constant dense<0.000000e+00> : vector<2000x32xf32>
    %dot_general3A_19 = tpu.matmul %get3A_13, %dot_general3A_10, %dot_general3A_18 {dimension_numbers = #tpu.dot_dimension_numbers<[1], [1], [0], [0], [0, 0, 1, 0], [], []>, transpose_lhs_hint = false} : vector<2000x128xf32>, vector<32x128xf32>, vector<2000x32xf32> -> vector<2000x32xf32>
    %broadcast_in_dim3A = arith.constant 1.000000e+00 : f32
    %broadcast_in_dim3A_20 = vector.broadcast %broadcast_in_dim3A : f32 to vector<2000x1xf32>
    %broadcast_in_dim3A_21 = arith.constant 0.000000e+00 : f32
    %broadcast_in_dim3A_22 = vector.broadcast %broadcast_in_dim3A_21 : f32 to vector<2000x15xf32>
    %concatenate3A = tpu.concatenate %dot_general3A_19, %broadcast_in_dim3A_20, %broadcast_in_dim3A_22 in 1 : vector<2000x32xf32>, vector<2000x1xf32>, vector<2000x15xf32> -> vector<2000x48xf32>
    %swap3A_23 = arith.constant 0 : index
    %swap3A_24 = arith.constant 0 : index
    %swap3A_25 = vector.load %arg6[%swap3A_23, %swap3A_24] : memref<2000x48xf32, #tpu.memory_space<vmem>>, vector<2000x48xf32>
    tpu.vector_store %arg6[%swap3A_23, %swap3A_24], %concatenate3A {strides = array<i32>} : memref<2000x48xf32, #tpu.memory_space<vmem>>, vector<2000x48xf32>,
    return
  }
  func.func @transform_0(%arg0: i32) -> (i32, i32) {
    %c0_i32 = arith.constant 0 : i32
    %c0_i32_0 = arith.constant 0 : i32
    return %arg0, %c0_i32 : i32, i32
  }
  func.func @transform_1(%arg0: i32) -> (i32, i32) {
    %c0_i32 = arith.constant 0 : i32
    %c0_i32_0 = arith.constant 0 : i32
    %c0_i32_1 = arith.constant 0 : i32
    return %c0_i32, %c0_i32_0 : i32, i32
  }
  func.func @transform_2(%arg0: i32) -> (i32, i32) {
    %c0_i32 = arith.constant 0 : i32
    %c0_i32_0 = arith.constant 0 : i32
    %c0_i32_1 = arith.constant 0 : i32
    return %c0_i32, %c0_i32_0 : i32, i32
  }
  func.func @transform_3(%arg0: i32) -> (i32, i32) {
    %c0_i32 = arith.constant 0 : i32
    %c0_i32_0 = arith.constant 0 : i32
    %c0_i32_1 = arith.constant 0 : i32
    return %c0_i32, %c0_i32_0 : i32, i32
  }
  func.func @transform_4(%arg0: i32) -> (i32, i32) {
    %c0_i32 = arith.constant 0 : i32
    %c0_i32_0 = arith.constant 0 : i32
    return %arg0, %c0_i32 : i32, i32
  }
  func.func @transform_5(%arg0: i32) -> (i32, i32) {
    %c0_i32 = arith.constant 0 : i32
    %c0_i32_0 = arith.constant 0 : i32
    return %arg0, %c0_i32 : i32, i32
  }
}

module attributes {stable_mosaic.version = 14 : i64} {
  func.func @_lstm_body(%arg0: i32, %arg1: memref<512x2560xf32, #tpu.memory_space<vmem>>, %arg2: memref<128x32xf32, #tpu.memory_space<vmem>>, %arg3: memref<128x32xf32, #tpu.memory_space<vmem>>, %arg4: memref<1x512xf32, #tpu.memory_space<vmem>>, %arg5: memref<32x32xf32, #tpu.memory_space<vmem>>, %arg6: memref<512x128xf32, #tpu.memory_space<vmem>>) attributes {dimension_semantics = [#tpu.dimension_semantics<arbitrary>], iteration_bounds = array<i64: 5>, scalar_prefetch = 0 : i64, scratch_operands = 0 : i64, tpu.core_type = #tpu.core_type<tc>, window_params = [{transform_indices = @transform_0, window_bounds = array<i64: 512, 2560>}, {pipeline_mode = #tpu.pipeline_mode<synchronous>, transform_indices = @transform_1, window_bounds = array<i64: 128, 32>}, {pipeline_mode = #tpu.pipeline_mode<synchronous>, transform_indices = @transform_2, window_bounds = array<i64: 128, 32>}, {pipeline_mode = #tpu.pipeline_mode<synchronous>, transform_indices = @transform_3, window_bounds = array<i64: 1, 512>}, {pipeline_mode = #tpu.pipeline_mode<synchronous>, transform_indices = @transform_4, window_bounds = array<i64: 32, 32>}, {transform_indices = @transform_5, window_bounds = array<i64: 512, 128>}]} {
    %get3A = arith.constant 0 : index
    %get3A_0 = arith.constant 0 : index
    %get3A_1 = vector.load %arg2[%get3A, %get3A_0] : memref<128x32xf32, #tpu.memory_space<vmem>>, vector<128x32xf32>
    %transpose3A = tpu.transpose %get3A_1, [1, 0] : vector<128x32xf32> -> vector<32x128xf32>
    %get3A_2 = arith.constant 0 : index
    %get3A_3 = arith.constant 0 : index
    %get3A_4 = vector.load %arg3[%get3A_2, %get3A_3] : memref<128x32xf32, #tpu.memory_space<vmem>>, vector<128x32xf32>
    %transpose3A_5 = tpu.transpose %get3A_4, [1, 0] : vector<128x32xf32> -> vector<32x128xf32>
    %get3A_6 = arith.constant 0 : index
    %get3A_7 = arith.constant 0 : index
    %get3A_8 = vector.load %arg5[%get3A_6, %get3A_7] : memref<32x32xf32, #tpu.memory_space<vmem>>, vector<32x32xf32>
    %transpose3A_9 = tpu.transpose %get3A_8, [1, 0] : vector<32x32xf32> -> vector<32x32xf32>
    %broadcast_in_dim3A = arith.constant 0.000000e+00 : f32
    %broadcast_in_dim3A_10 = vector.broadcast %broadcast_in_dim3A : f32 to vector<32x32xf32>
    %slice3A = vector.extract_strided_slice %transpose3A {offsets = [0, 0], sizes = [32, 32], strides = [1, 1]} : vector<32x128xf32> to vector<32x32xf32>
    %concatenate3A = tpu.concatenate %slice3A, %broadcast_in_dim3A_10, %broadcast_in_dim3A_10, %broadcast_in_dim3A_10 in 1 : vector<32x32xf32>, vector<32x32xf32>, vector<32x32xf32>, vector<32x32xf32> -> vector<32x128xf32>
    %slice3A_11 = vector.extract_strided_slice %transpose3A {offsets = [0, 32], sizes = [32, 32], strides = [1, 1]} : vector<32x128xf32> to vector<32x32xf32>
    %concatenate3A_12 = tpu.concatenate %slice3A_11, %broadcast_in_dim3A_10, %broadcast_in_dim3A_10, %broadcast_in_dim3A_10 in 1 : vector<32x32xf32>, vector<32x32xf32>, vector<32x32xf32>, vector<32x32xf32> -> vector<32x128xf32>
    %slice3A_13 = vector.extract_strided_slice %transpose3A {offsets = [0, 64], sizes = [32, 32], strides = [1, 1]} : vector<32x128xf32> to vector<32x32xf32>
    %concatenate3A_14 = tpu.concatenate %slice3A_13, %broadcast_in_dim3A_10, %broadcast_in_dim3A_10, %broadcast_in_dim3A_10 in 1 : vector<32x32xf32>, vector<32x32xf32>, vector<32x32xf32>, vector<32x32xf32> -> vector<32x128xf32>
    %slice3A_15 = vector.extract_strided_slice %transpose3A {offsets = [0, 96], sizes = [32, 32], strides = [1, 1]} : vector<32x128xf32> to vector<32x32xf32>
    %concatenate3A_16 = tpu.concatenate %slice3A_15, %broadcast_in_dim3A_10, %broadcast_in_dim3A_10, %broadcast_in_dim3A_10 in 1 : vector<32x32xf32>, vector<32x32xf32>, vector<32x32xf32>, vector<32x32xf32> -> vector<32x128xf32>
    %concatenate3A_17 = tpu.concatenate %concatenate3A, %concatenate3A_12, %concatenate3A_14, %concatenate3A_16 in 1 : vector<32x128xf32>, vector<32x128xf32>, vector<32x128xf32>, vector<32x128xf32> -> vector<32x512xf32>
    %slice3A_18 = vector.extract_strided_slice %transpose3A {offsets = [0, 0], sizes = [32, 32], strides = [1, 1]} : vector<32x128xf32> to vector<32x32xf32>
    %concatenate3A_19 = tpu.concatenate %broadcast_in_dim3A_10, %slice3A_18, %broadcast_in_dim3A_10, %broadcast_in_dim3A_10 in 1 : vector<32x32xf32>, vector<32x32xf32>, vector<32x32xf32>, vector<32x32xf32> -> vector<32x128xf32>
    %slice3A_20 = vector.extract_strided_slice %transpose3A {offsets = [0, 32], sizes = [32, 32], strides = [1, 1]} : vector<32x128xf32> to vector<32x32xf32>
    %concatenate3A_21 = tpu.concatenate %broadcast_in_dim3A_10, %slice3A_20, %broadcast_in_dim3A_10, %broadcast_in_dim3A_10 in 1 : vector<32x32xf32>, vector<32x32xf32>, vector<32x32xf32>, vector<32x32xf32> -> vector<32x128xf32>
    %slice3A_22 = vector.extract_strided_slice %transpose3A {offsets = [0, 64], sizes = [32, 32], strides = [1, 1]} : vector<32x128xf32> to vector<32x32xf32>
    %concatenate3A_23 = tpu.concatenate %broadcast_in_dim3A_10, %slice3A_22, %broadcast_in_dim3A_10, %broadcast_in_dim3A_10 in 1 : vector<32x32xf32>, vector<32x32xf32>, vector<32x32xf32>, vector<32x32xf32> -> vector<32x128xf32>
    %slice3A_24 = vector.extract_strided_slice %transpose3A {offsets = [0, 96], sizes = [32, 32], strides = [1, 1]} : vector<32x128xf32> to vector<32x32xf32>
    %concatenate3A_25 = tpu.concatenate %broadcast_in_dim3A_10, %slice3A_24, %broadcast_in_dim3A_10, %broadcast_in_dim3A_10 in 1 : vector<32x32xf32>, vector<32x32xf32>, vector<32x32xf32>, vector<32x32xf32> -> vector<32x128xf32>
    %concatenate3A_26 = tpu.concatenate %concatenate3A_19, %concatenate3A_21, %concatenate3A_23, %concatenate3A_25 in 1 : vector<32x128xf32>, vector<32x128xf32>, vector<32x128xf32>, vector<32x128xf32> -> vector<32x512xf32>
    %slice3A_27 = vector.extract_strided_slice %transpose3A {offsets = [0, 0], sizes = [32, 32], strides = [1, 1]} : vector<32x128xf32> to vector<32x32xf32>
    %concatenate3A_28 = tpu.concatenate %broadcast_in_dim3A_10, %broadcast_in_dim3A_10, %slice3A_27, %broadcast_in_dim3A_10 in 1 : vector<32x32xf32>, vector<32x32xf32>, vector<32x32xf32>, vector<32x32xf32> -> vector<32x128xf32>
    %slice3A_29 = vector.extract_strided_slice %transpose3A {offsets = [0, 32], sizes = [32, 32], strides = [1, 1]} : vector<32x128xf32> to vector<32x32xf32>
    %concatenate3A_30 = tpu.concatenate %broadcast_in_dim3A_10, %broadcast_in_dim3A_10, %slice3A_29, %broadcast_in_dim3A_10 in 1 : vector<32x32xf32>, vector<32x32xf32>, vector<32x32xf32>, vector<32x32xf32> -> vector<32x128xf32>
    %slice3A_31 = vector.extract_strided_slice %transpose3A {offsets = [0, 64], sizes = [32, 32], strides = [1, 1]} : vector<32x128xf32> to vector<32x32xf32>
    %concatenate3A_32 = tpu.concatenate %broadcast_in_dim3A_10, %broadcast_in_dim3A_10, %slice3A_31, %broadcast_in_dim3A_10 in 1 : vector<32x32xf32>, vector<32x32xf32>, vector<32x32xf32>, vector<32x32xf32> -> vector<32x128xf32>
    %slice3A_33 = vector.extract_strided_slice %transpose3A {offsets = [0, 96], sizes = [32, 32], strides = [1, 1]} : vector<32x128xf32> to vector<32x32xf32>
    %concatenate3A_34 = tpu.concatenate %broadcast_in_dim3A_10, %broadcast_in_dim3A_10, %slice3A_33, %broadcast_in_dim3A_10 in 1 : vector<32x32xf32>, vector<32x32xf32>, vector<32x32xf32>, vector<32x32xf32> -> vector<32x128xf32>
    %concatenate3A_35 = tpu.concatenate %concatenate3A_28, %concatenate3A_30, %concatenate3A_32, %concatenate3A_34 in 1 : vector<32x128xf32>, vector<32x128xf32>, vector<32x128xf32>, vector<32x128xf32> -> vector<32x512xf32>
    %slice3A_36 = vector.extract_strided_slice %transpose3A {offsets = [0, 0], sizes = [32, 32], strides = [1, 1]} : vector<32x128xf32> to vector<32x32xf32>
    %concatenate3A_37 = tpu.concatenate %broadcast_in_dim3A_10, %broadcast_in_dim3A_10, %broadcast_in_dim3A_10, %slice3A_36 in 1 : vector<32x32xf32>, vector<32x32xf32>, vector<32x32xf32>, vector<32x32xf32> -> vector<32x128xf32>
    %slice3A_38 = vector.extract_strided_slice %transpose3A {offsets = [0, 32], sizes = [32, 32], strides = [1, 1]} : vector<32x128xf32> to vector<32x32xf32>
    %concatenate3A_39 = tpu.concatenate %broadcast_in_dim3A_10, %broadcast_in_dim3A_10, %broadcast_in_dim3A_10, %slice3A_38 in 1 : vector<32x32xf32>, vector<32x32xf32>, vector<32x32xf32>, vector<32x32xf32> -> vector<32x128xf32>
    %slice3A_40 = vector.extract_strided_slice %transpose3A {offsets = [0, 64], sizes = [32, 32], strides = [1, 1]} : vector<32x128xf32> to vector<32x32xf32>
    %concatenate3A_41 = tpu.concatenate %broadcast_in_dim3A_10, %broadcast_in_dim3A_10, %broadcast_in_dim3A_10, %slice3A_40 in 1 : vector<32x32xf32>, vector<32x32xf32>, vector<32x32xf32>, vector<32x32xf32> -> vector<32x128xf32>
    %slice3A_42 = vector.extract_strided_slice %transpose3A {offsets = [0, 96], sizes = [32, 32], strides = [1, 1]} : vector<32x128xf32> to vector<32x32xf32>
    %concatenate3A_43 = tpu.concatenate %broadcast_in_dim3A_10, %broadcast_in_dim3A_10, %broadcast_in_dim3A_10, %slice3A_42 in 1 : vector<32x32xf32>, vector<32x32xf32>, vector<32x32xf32>, vector<32x32xf32> -> vector<32x128xf32>
    %concatenate3A_44 = tpu.concatenate %concatenate3A_37, %concatenate3A_39, %concatenate3A_41, %concatenate3A_43 in 1 : vector<32x128xf32>, vector<32x128xf32>, vector<32x128xf32>, vector<32x128xf32> -> vector<32x512xf32>
    %concatenate3A_45 = tpu.concatenate %concatenate3A_17, %concatenate3A_26, %concatenate3A_35, %concatenate3A_44 in 0 : vector<32x512xf32>, vector<32x512xf32>, vector<32x512xf32>, vector<32x512xf32> -> vector<128x512xf32>
    %slice3A_46 = vector.extract_strided_slice %transpose3A_5 {offsets = [0, 0], sizes = [32, 32], strides = [1, 1]} : vector<32x128xf32> to vector<32x32xf32>
    %concatenate3A_47 = tpu.concatenate %slice3A_46, %broadcast_in_dim3A_10, %broadcast_in_dim3A_10, %broadcast_in_dim3A_10 in 1 : vector<32x32xf32>, vector<32x32xf32>, vector<32x32xf32>, vector<32x32xf32> -> vector<32x128xf32>
    %slice3A_48 = vector.extract_strided_slice %transpose3A_5 {offsets = [0, 32], sizes = [32, 32], strides = [1, 1]} : vector<32x128xf32> to vector<32x32xf32>
    %concatenate3A_49 = tpu.concatenate %slice3A_48, %broadcast_in_dim3A_10, %broadcast_in_dim3A_10, %broadcast_in_dim3A_10 in 1 : vector<32x32xf32>, vector<32x32xf32>, vector<32x32xf32>, vector<32x32xf32> -> vector<32x128xf32>
    %slice3A_50 = vector.extract_strided_slice %transpose3A_5 {offsets = [0, 64], sizes = [32, 32], strides = [1, 1]} : vector<32x128xf32> to vector<32x32xf32>
    %concatenate3A_51 = tpu.concatenate %slice3A_50, %broadcast_in_dim3A_10, %broadcast_in_dim3A_10, %broadcast_in_dim3A_10 in 1 : vector<32x32xf32>, vector<32x32xf32>, vector<32x32xf32>, vector<32x32xf32> -> vector<32x128xf32>
    %slice3A_52 = vector.extract_strided_slice %transpose3A_5 {offsets = [0, 96], sizes = [32, 32], strides = [1, 1]} : vector<32x128xf32> to vector<32x32xf32>
    %concatenate3A_53 = tpu.concatenate %slice3A_52, %broadcast_in_dim3A_10, %broadcast_in_dim3A_10, %broadcast_in_dim3A_10 in 1 : vector<32x32xf32>, vector<32x32xf32>, vector<32x32xf32>, vector<32x32xf32> -> vector<32x128xf32>
    %concatenate3A_54 = tpu.concatenate %concatenate3A_47, %concatenate3A_49, %concatenate3A_51, %concatenate3A_53 in 1 : vector<32x128xf32>, vector<32x128xf32>, vector<32x128xf32>, vector<32x128xf32> -> vector<32x512xf32>
    %slice3A_55 = vector.extract_strided_slice %transpose3A_5 {offsets = [0, 0], sizes = [32, 32], strides = [1, 1]} : vector<32x128xf32> to vector<32x32xf32>
    %concatenate3A_56 = tpu.concatenate %broadcast_in_dim3A_10, %slice3A_55, %broadcast_in_dim3A_10, %broadcast_in_dim3A_10 in 1 : vector<32x32xf32>, vector<32x32xf32>, vector<32x32xf32>, vector<32x32xf32> -> vector<32x128xf32>
    %slice3A_57 = vector.extract_strided_slice %transpose3A_5 {offsets = [0, 32], sizes = [32, 32], strides = [1, 1]} : vector<32x128xf32> to vector<32x32xf32>
    %concatenate3A_58 = tpu.concatenate %broadcast_in_dim3A_10, %slice3A_57, %broadcast_in_dim3A_10, %broadcast_in_dim3A_10 in 1 : vector<32x32xf32>, vector<32x32xf32>, vector<32x32xf32>, vector<32x32xf32> -> vector<32x128xf32>
    %slice3A_59 = vector.extract_strided_slice %transpose3A_5 {offsets = [0, 64], sizes = [32, 32], strides = [1, 1]} : vector<32x128xf32> to vector<32x32xf32>
    %concatenate3A_60 = tpu.concatenate %broadcast_in_dim3A_10, %slice3A_59, %broadcast_in_dim3A_10, %broadcast_in_dim3A_10 in 1 : vector<32x32xf32>, vector<32x32xf32>, vector<32x32xf32>, vector<32x32xf32> -> vector<32x128xf32>
    %slice3A_61 = vector.extract_strided_slice %transpose3A_5 {offsets = [0, 96], sizes = [32, 32], strides = [1, 1]} : vector<32x128xf32> to vector<32x32xf32>
    %concatenate3A_62 = tpu.concatenate %broadcast_in_dim3A_10, %slice3A_61, %broadcast_in_dim3A_10, %broadcast_in_dim3A_10 in 1 : vector<32x32xf32>, vector<32x32xf32>, vector<32x32xf32>, vector<32x32xf32> -> vector<32x128xf32>
    %concatenate3A_63 = tpu.concatenate %concatenate3A_56, %concatenate3A_58, %concatenate3A_60, %concatenate3A_62 in 1 : vector<32x128xf32>, vector<32x128xf32>, vector<32x128xf32>, vector<32x128xf32> -> vector<32x512xf32>
    %slice3A_64 = vector.extract_strided_slice %transpose3A_5 {offsets = [0, 0], sizes = [32, 32], strides = [1, 1]} : vector<32x128xf32> to vector<32x32xf32>
    %concatenate3A_65 = tpu.concatenate %broadcast_in_dim3A_10, %broadcast_in_dim3A_10, %slice3A_64, %broadcast_in_dim3A_10 in 1 : vector<32x32xf32>, vector<32x32xf32>, vector<32x32xf32>, vector<32x32xf32> -> vector<32x128xf32>
    %slice3A_66 = vector.extract_strided_slice %transpose3A_5 {offsets = [0, 32], sizes = [32, 32], strides = [1, 1]} : vector<32x128xf32> to vector<32x32xf32>
    %concatenate3A_67 = tpu.concatenate %broadcast_in_dim3A_10, %broadcast_in_dim3A_10, %slice3A_66, %broadcast_in_dim3A_10 in 1 : vector<32x32xf32>, vector<32x32xf32>, vector<32x32xf32>, vector<32x32xf32> -> vector<32x128xf32>
    %slice3A_68 = vector.extract_strided_slice %transpose3A_5 {offsets = [0, 64], sizes = [32, 32], strides = [1, 1]} : vector<32x128xf32> to vector<32x32xf32>
    %concatenate3A_69 = tpu.concatenate %broadcast_in_dim3A_10, %broadcast_in_dim3A_10, %slice3A_68, %broadcast_in_dim3A_10 in 1 : vector<32x32xf32>, vector<32x32xf32>, vector<32x32xf32>, vector<32x32xf32> -> vector<32x128xf32>
    %slice3A_70 = vector.extract_strided_slice %transpose3A_5 {offsets = [0, 96], sizes = [32, 32], strides = [1, 1]} : vector<32x128xf32> to vector<32x32xf32>
    %concatenate3A_71 = tpu.concatenate %broadcast_in_dim3A_10, %broadcast_in_dim3A_10, %slice3A_70, %broadcast_in_dim3A_10 in 1 : vector<32x32xf32>, vector<32x32xf32>, vector<32x32xf32>, vector<32x32xf32> -> vector<32x128xf32>
    %concatenate3A_72 = tpu.concatenate %concatenate3A_65, %concatenate3A_67, %concatenate3A_69, %concatenate3A_71 in 1 : vector<32x128xf32>, vector<32x128xf32>, vector<32x128xf32>, vector<32x128xf32> -> vector<32x512xf32>
    %slice3A_73 = vector.extract_strided_slice %transpose3A_5 {offsets = [0, 0], sizes = [32, 32], strides = [1, 1]} : vector<32x128xf32> to vector<32x32xf32>
    %concatenate3A_74 = tpu.concatenate %broadcast_in_dim3A_10, %broadcast_in_dim3A_10, %broadcast_in_dim3A_10, %slice3A_73 in 1 : vector<32x32xf32>, vector<32x32xf32>, vector<32x32xf32>, vector<32x32xf32> -> vector<32x128xf32>
    %slice3A_75 = vector.extract_strided_slice %transpose3A_5 {offsets = [0, 32], sizes = [32, 32], strides = [1, 1]} : vector<32x128xf32> to vector<32x32xf32>
    %concatenate3A_76 = tpu.concatenate %broadcast_in_dim3A_10, %broadcast_in_dim3A_10, %broadcast_in_dim3A_10, %slice3A_75 in 1 : vector<32x32xf32>, vector<32x32xf32>, vector<32x32xf32>, vector<32x32xf32> -> vector<32x128xf32>
    %slice3A_77 = vector.extract_strided_slice %transpose3A_5 {offsets = [0, 64], sizes = [32, 32], strides = [1, 1]} : vector<32x128xf32> to vector<32x32xf32>
    %concatenate3A_78 = tpu.concatenate %broadcast_in_dim3A_10, %broadcast_in_dim3A_10, %broadcast_in_dim3A_10, %slice3A_77 in 1 : vector<32x32xf32>, vector<32x32xf32>, vector<32x32xf32>, vector<32x32xf32> -> vector<32x128xf32>
    %slice3A_79 = vector.extract_strided_slice %transpose3A_5 {offsets = [0, 96], sizes = [32, 32], strides = [1, 1]} : vector<32x128xf32> to vector<32x32xf32>
    %concatenate3A_80 = tpu.concatenate %broadcast_in_dim3A_10, %broadcast_in_dim3A_10, %broadcast_in_dim3A_10, %slice3A_79 in 1 : vector<32x32xf32>, vector<32x32xf32>, vector<32x32xf32>, vector<32x32xf32> -> vector<32x128xf32>
    %concatenate3A_81 = tpu.concatenate %concatenate3A_74, %concatenate3A_76, %concatenate3A_78, %concatenate3A_80 in 1 : vector<32x128xf32>, vector<32x128xf32>, vector<32x128xf32>, vector<32x128xf32> -> vector<32x512xf32>
    %concatenate3A_82 = tpu.concatenate %concatenate3A_54, %concatenate3A_63, %concatenate3A_72, %concatenate3A_81 in 0 : vector<32x512xf32>, vector<32x512xf32>, vector<32x512xf32>, vector<32x512xf32> -> vector<128x512xf32>
    %concatenate3A_83 = tpu.concatenate %transpose3A_9, %broadcast_in_dim3A_10, %broadcast_in_dim3A_10, %broadcast_in_dim3A_10 in 1 : vector<32x32xf32>, vector<32x32xf32>, vector<32x32xf32>, vector<32x32xf32> -> vector<32x128xf32>
    %concatenate3A_84 = tpu.concatenate %broadcast_in_dim3A_10, %transpose3A_9, %broadcast_in_dim3A_10, %broadcast_in_dim3A_10 in 1 : vector<32x32xf32>, vector<32x32xf32>, vector<32x32xf32>, vector<32x32xf32> -> vector<32x128xf32>
    %concatenate3A_85 = tpu.concatenate %broadcast_in_dim3A_10, %broadcast_in_dim3A_10, %transpose3A_9, %broadcast_in_dim3A_10 in 1 : vector<32x32xf32>, vector<32x32xf32>, vector<32x32xf32>, vector<32x32xf32> -> vector<32x128xf32>
    %concatenate3A_86 = tpu.concatenate %broadcast_in_dim3A_10, %broadcast_in_dim3A_10, %broadcast_in_dim3A_10, %transpose3A_9 in 1 : vector<32x32xf32>, vector<32x32xf32>, vector<32x32xf32>, vector<32x32xf32> -> vector<32x128xf32>
    %concatenate3A_87 = tpu.concatenate %concatenate3A_83, %concatenate3A_84, %concatenate3A_85, %concatenate3A_86 in 0 : vector<32x128xf32>, vector<32x128xf32>, vector<32x128xf32>, vector<32x128xf32> -> vector<128x128xf32>
    %get3A_88 = arith.constant 0 : index
    %get3A_89 = arith.constant 0 : index
    %get3A_90 = vector.load %arg4[%get3A_88, %get3A_89] : memref<1x512xf32, #tpu.memory_space<vmem>>, vector<1x512xf32>
    %broadcast_in_dim3A_91 = arith.constant 0.000000e+00 : f32
    %broadcast_in_dim3A_92 = vector.broadcast %broadcast_in_dim3A_91 : f32 to vector<512x128xf32>
    %broadcast_in_dim3A_93 = arith.constant 0.000000e+00 : f32
    %broadcast_in_dim3A_94 = vector.broadcast %broadcast_in_dim3A_93 : f32 to vector<512x128xf32>
    %get3A_95 = arith.constant 0 : index
    %get3A_96 = arith.constant 0 : index
    %get3A_97 = vector.load %arg1[%get3A_95, %get3A_96] : memref<512x2560xf32, #tpu.memory_space<vmem>>, vector<512x128xf32>
    %get3A_98 = arith.constant 0 : index
    %get3A_99 = arith.constant 640 : index
    %get3A_100 = vector.load %arg1[%get3A_98, %get3A_99] : memref<512x2560xf32, #tpu.memory_space<vmem>>, vector<512x128xf32>
    %get3A_101 = arith.constant 0 : index
    %get3A_102 = arith.constant 1280 : index
    %get3A_103 = vector.load %arg1[%get3A_101, %get3A_102] : memref<512x2560xf32, #tpu.memory_space<vmem>>, vector<512x128xf32>
    %get3A_104 = arith.constant 0 : index
    %get3A_105 = arith.constant 1920 : index
    %get3A_106 = vector.load %arg1[%get3A_104, %get3A_105] : memref<512x2560xf32, #tpu.memory_space<vmem>>, vector<512x128xf32>
    %slice3A_107 = vector.extract_strided_slice %get3A_97 {offsets = [0, 0], sizes = [512, 32], strides = [1, 1]} : vector<512x128xf32> to vector<512x32xf32>
    %slice3A_108 = vector.extract_strided_slice %get3A_100 {offsets = [0, 0], sizes = [512, 32], strides = [1, 1]} : vector<512x128xf32> to vector<512x32xf32>
    %slice3A_109 = vector.extract_strided_slice %get3A_103 {offsets = [0, 0], sizes = [512, 32], strides = [1, 1]} : vector<512x128xf32> to vector<512x32xf32>
    %slice3A_110 = vector.extract_strided_slice %get3A_106 {offsets = [0, 0], sizes = [512, 32], strides = [1, 1]} : vector<512x128xf32> to vector<512x32xf32>
    %concatenate3A_111 = tpu.concatenate %slice3A_107, %slice3A_108, %slice3A_109, %slice3A_110 in 1 : vector<512x32xf32>, vector<512x32xf32>, vector<512x32xf32>, vector<512x32xf32> -> vector<512x128xf32>
    %dot_general3A = arith.constant dense<0.000000e+00> : vector<512x512xf32>
    %dot_general3A_112 = tpu.matmul %concatenate3A_111, %concatenate3A_45, %dot_general3A {dimension_numbers = #tpu.dot_dimension_numbers<[1], [0], [0], [1], [0, 0, 1, 1], [], []>, transpose_lhs_hint = false} : vector<512x128xf32>, vector<128x512xf32>, vector<512x512xf32> -> vector<512x512xf32>
    %dot_general3A_113 = arith.constant dense<0.000000e+00> : vector<512x512xf32>
    %dot_general3A_114 = tpu.matmul %broadcast_in_dim3A_92, %concatenate3A_82, %dot_general3A_113 {dimension_numbers = #tpu.dot_dimension_numbers<[1], [0], [0], [1], [0, 0, 1, 1], [], []>, transpose_lhs_hint = false} : vector<512x128xf32>, vector<128x512xf32>, vector<512x512xf32> -> vector<512x512xf32>
    %add3A = arith.addf %dot_general3A_112, %dot_general3A_114 : vector<512x512xf32>
    %add3A_115 = vector.broadcast %get3A_90 : vector<1x512xf32> to vector<512x512xf32>
    %add3A_116 = arith.addf %add3A, %add3A_115 : vector<512x512xf32>
    %slice3A_117 = vector.extract_strided_slice %add3A_116 {offsets = [0, 0], sizes = [512, 128], strides = [1, 1]} : vector<512x512xf32> to vector<512x128xf32>
    %logistic3A = arith.negf %slice3A_117 : vector<512x128xf32>
    %logistic3A_118 = math.exp %logistic3A : vector<512x128xf32>
    %logistic3A_119 = arith.constant 1.000000e+00 : f32
    %logistic3A_120 = vector.broadcast %logistic3A_119 : f32 to vector<512x128xf32>
    %logistic3A_121 = arith.addf %logistic3A_120, %logistic3A_118 : vector<512x128xf32>
    %logistic3A_122 = arith.divf %logistic3A_120, %logistic3A_121 : vector<512x128xf32>
    %slice3A_123 = vector.extract_strided_slice %add3A_116 {offsets = [0, 128], sizes = [512, 128], strides = [1, 1]} : vector<512x512xf32> to vector<512x128xf32>
    %logistic3A_124 = arith.negf %slice3A_123 : vector<512x128xf32>
    %logistic3A_125 = math.exp %logistic3A_124 : vector<512x128xf32>
    %logistic3A_126 = arith.constant 1.000000e+00 : f32
    %logistic3A_127 = vector.broadcast %logistic3A_126 : f32 to vector<512x128xf32>
    %logistic3A_128 = arith.addf %logistic3A_127, %logistic3A_125 : vector<512x128xf32>
    %logistic3A_129 = arith.divf %logistic3A_127, %logistic3A_128 : vector<512x128xf32>
    %slice3A_130 = vector.extract_strided_slice %add3A_116 {offsets = [0, 256], sizes = [512, 128], strides = [1, 1]} : vector<512x512xf32> to vector<512x128xf32>
    %tanh3A = math.tanh %slice3A_130 : vector<512x128xf32>
    %slice3A_131 = vector.extract_strided_slice %add3A_116 {offsets = [0, 384], sizes = [512, 128], strides = [1, 1]} : vector<512x512xf32> to vector<512x128xf32>
    %logistic3A_132 = arith.negf %slice3A_131 : vector<512x128xf32>
    %logistic3A_133 = math.exp %logistic3A_132 : vector<512x128xf32>
    %logistic3A_134 = arith.constant 1.000000e+00 : f32
    %logistic3A_135 = vector.broadcast %logistic3A_134 : f32 to vector<512x128xf32>
    %logistic3A_136 = arith.addf %logistic3A_135, %logistic3A_133 : vector<512x128xf32>
    %logistic3A_137 = arith.divf %logistic3A_135, %logistic3A_136 : vector<512x128xf32>
    %mul3A = arith.mulf %logistic3A_129, %broadcast_in_dim3A_94 : vector<512x128xf32>
    %mul3A_138 = arith.mulf %logistic3A_122, %tanh3A : vector<512x128xf32>
    %add3A_139 = arith.addf %mul3A, %mul3A_138 : vector<512x128xf32>
    %tanh3A_140 = math.tanh %add3A_139 : vector<512x128xf32>
    %mul3A_141 = arith.mulf %logistic3A_137, %tanh3A_140 : vector<512x128xf32>
    %slice3A_142 = vector.extract_strided_slice %get3A_97 {offsets = [0, 32], sizes = [512, 32], strides = [1, 1]} : vector<512x128xf32> to vector<512x32xf32>
    %slice3A_143 = vector.extract_strided_slice %get3A_100 {offsets = [0, 32], sizes = [512, 32], strides = [1, 1]} : vector<512x128xf32> to vector<512x32xf32>
    %slice3A_144 = vector.extract_strided_slice %get3A_103 {offsets = [0, 32], sizes = [512, 32], strides = [1, 1]} : vector<512x128xf32> to vector<512x32xf32>
    %slice3A_145 = vector.extract_strided_slice %get3A_106 {offsets = [0, 32], sizes = [512, 32], strides = [1, 1]} : vector<512x128xf32> to vector<512x32xf32>
    %concatenate3A_146 = tpu.concatenate %slice3A_142, %slice3A_143, %slice3A_144, %slice3A_145 in 1 : vector<512x32xf32>, vector<512x32xf32>, vector<512x32xf32>, vector<512x32xf32> -> vector<512x128xf32>
    %dot_general3A_147 = arith.constant dense<0.000000e+00> : vector<512x512xf32>
    %dot_general3A_148 = tpu.matmul %concatenate3A_146, %concatenate3A_45, %dot_general3A_147 {dimension_numbers = #tpu.dot_dimension_numbers<[1], [0], [0], [1], [0, 0, 1, 1], [], []>, transpose_lhs_hint = false} : vector<512x128xf32>, vector<128x512xf32>, vector<512x512xf32> -> vector<512x512xf32>
    %dot_general3A_149 = arith.constant dense<0.000000e+00> : vector<512x512xf32>
    %dot_general3A_150 = tpu.matmul %mul3A_141, %concatenate3A_82, %dot_general3A_149 {dimension_numbers = #tpu.dot_dimension_numbers<[1], [0], [0], [1], [0, 0, 1, 1], [], []>, transpose_lhs_hint = false} : vector<512x128xf32>, vector<128x512xf32>, vector<512x512xf32> -> vector<512x512xf32>
    %add3A_151 = arith.addf %dot_general3A_148, %dot_general3A_150 : vector<512x512xf32>
    %add3A_152 = vector.broadcast %get3A_90 : vector<1x512xf32> to vector<512x512xf32>
    %add3A_153 = arith.addf %add3A_151, %add3A_152 : vector<512x512xf32>
    %slice3A_154 = vector.extract_strided_slice %add3A_153 {offsets = [0, 0], sizes = [512, 128], strides = [1, 1]} : vector<512x512xf32> to vector<512x128xf32>
    %logistic3A_155 = arith.negf %slice3A_154 : vector<512x128xf32>
    %logistic3A_156 = math.exp %logistic3A_155 : vector<512x128xf32>
    %logistic3A_157 = arith.constant 1.000000e+00 : f32
    %logistic3A_158 = vector.broadcast %logistic3A_157 : f32 to vector<512x128xf32>
    %logistic3A_159 = arith.addf %logistic3A_158, %logistic3A_156 : vector<512x128xf32>
    %logistic3A_160 = arith.divf %logistic3A_158, %logistic3A_159 : vector<512x128xf32>
    %slice3A_161 = vector.extract_strided_slice %add3A_153 {offsets = [0, 128], sizes = [512, 128], strides = [1, 1]} : vector<512x512xf32> to vector<512x128xf32>
    %logistic3A_162 = arith.negf %slice3A_161 : vector<512x128xf32>
    %logistic3A_163 = math.exp %logistic3A_162 : vector<512x128xf32>
    %logistic3A_164 = arith.constant 1.000000e+00 : f32
    %logistic3A_165 = vector.broadcast %logistic3A_164 : f32 to vector<512x128xf32>
    %logistic3A_166 = arith.addf %logistic3A_165, %logistic3A_163 : vector<512x128xf32>
    %logistic3A_167 = arith.divf %logistic3A_165, %logistic3A_166 : vector<512x128xf32>
    %slice3A_168 = vector.extract_strided_slice %add3A_153 {offsets = [0, 256], sizes = [512, 128], strides = [1, 1]} : vector<512x512xf32> to vector<512x128xf32>
    %tanh3A_169 = math.tanh %slice3A_168 : vector<512x128xf32>
    %slice3A_170 = vector.extract_strided_slice %add3A_153 {offsets = [0, 384], sizes = [512, 128], strides = [1, 1]} : vector<512x512xf32> to vector<512x128xf32>
    %logistic3A_171 = arith.negf %slice3A_170 : vector<512x128xf32>
    %logistic3A_172 = math.exp %logistic3A_171 : vector<512x128xf32>
    %logistic3A_173 = arith.constant 1.000000e+00 : f32
    %logistic3A_174 = vector.broadcast %logistic3A_173 : f32 to vector<512x128xf32>
    %logistic3A_175 = arith.addf %logistic3A_174, %logistic3A_172 : vector<512x128xf32>
    %logistic3A_176 = arith.divf %logistic3A_174, %logistic3A_175 : vector<512x128xf32>
    %mul3A_177 = arith.mulf %logistic3A_167, %add3A_139 : vector<512x128xf32>
    %mul3A_178 = arith.mulf %logistic3A_160, %tanh3A_169 : vector<512x128xf32>
    %add3A_179 = arith.addf %mul3A_177, %mul3A_178 : vector<512x128xf32>
    %tanh3A_180 = math.tanh %add3A_179 : vector<512x128xf32>
    %mul3A_181 = arith.mulf %logistic3A_176, %tanh3A_180 : vector<512x128xf32>
    %slice3A_182 = vector.extract_strided_slice %get3A_97 {offsets = [0, 64], sizes = [512, 32], strides = [1, 1]} : vector<512x128xf32> to vector<512x32xf32>
    %slice3A_183 = vector.extract_strided_slice %get3A_100 {offsets = [0, 64], sizes = [512, 32], strides = [1, 1]} : vector<512x128xf32> to vector<512x32xf32>
    %slice3A_184 = vector.extract_strided_slice %get3A_103 {offsets = [0, 64], sizes = [512, 32], strides = [1, 1]} : vector<512x128xf32> to vector<512x32xf32>
    %slice3A_185 = vector.extract_strided_slice %get3A_106 {offsets = [0, 64], sizes = [512, 32], strides = [1, 1]} : vector<512x128xf32> to vector<512x32xf32>
    %concatenate3A_186 = tpu.concatenate %slice3A_182, %slice3A_183, %slice3A_184, %slice3A_185 in 1 : vector<512x32xf32>, vector<512x32xf32>, vector<512x32xf32>, vector<512x32xf32> -> vector<512x128xf32>
    %dot_general3A_187 = arith.constant dense<0.000000e+00> : vector<512x512xf32>
    %dot_general3A_188 = tpu.matmul %concatenate3A_186, %concatenate3A_45, %dot_general3A_187 {dimension_numbers = #tpu.dot_dimension_numbers<[1], [0], [0], [1], [0, 0, 1, 1], [], []>, transpose_lhs_hint = false} : vector<512x128xf32>, vector<128x512xf32>, vector<512x512xf32> -> vector<512x512xf32>
    %dot_general3A_189 = arith.constant dense<0.000000e+00> : vector<512x512xf32>
    %dot_general3A_190 = tpu.matmul %mul3A_181, %concatenate3A_82, %dot_general3A_189 {dimension_numbers = #tpu.dot_dimension_numbers<[1], [0], [0], [1], [0, 0, 1, 1], [], []>, transpose_lhs_hint = false} : vector<512x128xf32>, vector<128x512xf32>, vector<512x512xf32> -> vector<512x512xf32>
    %add3A_191 = arith.addf %dot_general3A_188, %dot_general3A_190 : vector<512x512xf32>
    %add3A_192 = vector.broadcast %get3A_90 : vector<1x512xf32> to vector<512x512xf32>
    %add3A_193 = arith.addf %add3A_191, %add3A_192 : vector<512x512xf32>
    %slice3A_194 = vector.extract_strided_slice %add3A_193 {offsets = [0, 0], sizes = [512, 128], strides = [1, 1]} : vector<512x512xf32> to vector<512x128xf32>
    %logistic3A_195 = arith.negf %slice3A_194 : vector<512x128xf32>
    %logistic3A_196 = math.exp %logistic3A_195 : vector<512x128xf32>
    %logistic3A_197 = arith.constant 1.000000e+00 : f32
    %logistic3A_198 = vector.broadcast %logistic3A_197 : f32 to vector<512x128xf32>
    %logistic3A_199 = arith.addf %logistic3A_198, %logistic3A_196 : vector<512x128xf32>
    %logistic3A_200 = arith.divf %logistic3A_198, %logistic3A_199 : vector<512x128xf32>
    %slice3A_201 = vector.extract_strided_slice %add3A_193 {offsets = [0, 128], sizes = [512, 128], strides = [1, 1]} : vector<512x512xf32> to vector<512x128xf32>
    %logistic3A_202 = arith.negf %slice3A_201 : vector<512x128xf32>
    %logistic3A_203 = math.exp %logistic3A_202 : vector<512x128xf32>
    %logistic3A_204 = arith.constant 1.000000e+00 : f32
    %logistic3A_205 = vector.broadcast %logistic3A_204 : f32 to vector<512x128xf32>
    %logistic3A_206 = arith.addf %logistic3A_205, %logistic3A_203 : vector<512x128xf32>
    %logistic3A_207 = arith.divf %logistic3A_205, %logistic3A_206 : vector<512x128xf32>
    %slice3A_208 = vector.extract_strided_slice %add3A_193 {offsets = [0, 256], sizes = [512, 128], strides = [1, 1]} : vector<512x512xf32> to vector<512x128xf32>
    %tanh3A_209 = math.tanh %slice3A_208 : vector<512x128xf32>
    %slice3A_210 = vector.extract_strided_slice %add3A_193 {offsets = [0, 384], sizes = [512, 128], strides = [1, 1]} : vector<512x512xf32> to vector<512x128xf32>
    %logistic3A_211 = arith.negf %slice3A_210 : vector<512x128xf32>
    %logistic3A_212 = math.exp %logistic3A_211 : vector<512x128xf32>
    %logistic3A_213 = arith.constant 1.000000e+00 : f32
    %logistic3A_214 = vector.broadcast %logistic3A_213 : f32 to vector<512x128xf32>
    %logistic3A_215 = arith.addf %logistic3A_214, %logistic3A_212 : vector<512x128xf32>
    %logistic3A_216 = arith.divf %logistic3A_214, %logistic3A_215 : vector<512x128xf32>
    %mul3A_217 = arith.mulf %logistic3A_207, %add3A_179 : vector<512x128xf32>
    %mul3A_218 = arith.mulf %logistic3A_200, %tanh3A_209 : vector<512x128xf32>
    %add3A_219 = arith.addf %mul3A_217, %mul3A_218 : vector<512x128xf32>
    %tanh3A_220 = math.tanh %add3A_219 : vector<512x128xf32>
    %mul3A_221 = arith.mulf %logistic3A_216, %tanh3A_220 : vector<512x128xf32>
    %slice3A_222 = vector.extract_strided_slice %get3A_97 {offsets = [0, 96], sizes = [512, 32], strides = [1, 1]} : vector<512x128xf32> to vector<512x32xf32>
    %slice3A_223 = vector.extract_strided_slice %get3A_100 {offsets = [0, 96], sizes = [512, 32], strides = [1, 1]} : vector<512x128xf32> to vector<512x32xf32>
    %slice3A_224 = vector.extract_strided_slice %get3A_103 {offsets = [0, 96], sizes = [512, 32], strides = [1, 1]} : vector<512x128xf32> to vector<512x32xf32>
    %slice3A_225 = vector.extract_strided_slice %get3A_106 {offsets = [0, 96], sizes = [512, 32], strides = [1, 1]} : vector<512x128xf32> to vector<512x32xf32>
    %concatenate3A_226 = tpu.concatenate %slice3A_222, %slice3A_223, %slice3A_224, %slice3A_225 in 1 : vector<512x32xf32>, vector<512x32xf32>, vector<512x32xf32>, vector<512x32xf32> -> vector<512x128xf32>
    %dot_general3A_227 = arith.constant dense<0.000000e+00> : vector<512x512xf32>
    %dot_general3A_228 = tpu.matmul %concatenate3A_226, %concatenate3A_45, %dot_general3A_227 {dimension_numbers = #tpu.dot_dimension_numbers<[1], [0], [0], [1], [0, 0, 1, 1], [], []>, transpose_lhs_hint = false} : vector<512x128xf32>, vector<128x512xf32>, vector<512x512xf32> -> vector<512x512xf32>
    %dot_general3A_229 = arith.constant dense<0.000000e+00> : vector<512x512xf32>
    %dot_general3A_230 = tpu.matmul %mul3A_221, %concatenate3A_82, %dot_general3A_229 {dimension_numbers = #tpu.dot_dimension_numbers<[1], [0], [0], [1], [0, 0, 1, 1], [], []>, transpose_lhs_hint = false} : vector<512x128xf32>, vector<128x512xf32>, vector<512x512xf32> -> vector<512x512xf32>
    %add3A_231 = arith.addf %dot_general3A_228, %dot_general3A_230 : vector<512x512xf32>
    %add3A_232 = vector.broadcast %get3A_90 : vector<1x512xf32> to vector<512x512xf32>
    %add3A_233 = arith.addf %add3A_231, %add3A_232 : vector<512x512xf32>
    %slice3A_234 = vector.extract_strided_slice %add3A_233 {offsets = [0, 0], sizes = [512, 128], strides = [1, 1]} : vector<512x512xf32> to vector<512x128xf32>
    %logistic3A_235 = arith.negf %slice3A_234 : vector<512x128xf32>
    %logistic3A_236 = math.exp %logistic3A_235 : vector<512x128xf32>
    %logistic3A_237 = arith.constant 1.000000e+00 : f32
    %logistic3A_238 = vector.broadcast %logistic3A_237 : f32 to vector<512x128xf32>
    %logistic3A_239 = arith.addf %logistic3A_238, %logistic3A_236 : vector<512x128xf32>
    %logistic3A_240 = arith.divf %logistic3A_238, %logistic3A_239 : vector<512x128xf32>
    %slice3A_241 = vector.extract_strided_slice %add3A_233 {offsets = [0, 128], sizes = [512, 128], strides = [1, 1]} : vector<512x512xf32> to vector<512x128xf32>
    %logistic3A_242 = arith.negf %slice3A_241 : vector<512x128xf32>
    %logistic3A_243 = math.exp %logistic3A_242 : vector<512x128xf32>
    %logistic3A_244 = arith.constant 1.000000e+00 : f32
    %logistic3A_245 = vector.broadcast %logistic3A_244 : f32 to vector<512x128xf32>
    %logistic3A_246 = arith.addf %logistic3A_245, %logistic3A_243 : vector<512x128xf32>
    %logistic3A_247 = arith.divf %logistic3A_245, %logistic3A_246 : vector<512x128xf32>
    %slice3A_248 = vector.extract_strided_slice %add3A_233 {offsets = [0, 256], sizes = [512, 128], strides = [1, 1]} : vector<512x512xf32> to vector<512x128xf32>
    %tanh3A_249 = math.tanh %slice3A_248 : vector<512x128xf32>
    %slice3A_250 = vector.extract_strided_slice %add3A_233 {offsets = [0, 384], sizes = [512, 128], strides = [1, 1]} : vector<512x512xf32> to vector<512x128xf32>
    %logistic3A_251 = arith.negf %slice3A_250 : vector<512x128xf32>
    %logistic3A_252 = math.exp %logistic3A_251 : vector<512x128xf32>
    %logistic3A_253 = arith.constant 1.000000e+00 : f32
    %logistic3A_254 = vector.broadcast %logistic3A_253 : f32 to vector<512x128xf32>
    %logistic3A_255 = arith.addf %logistic3A_254, %logistic3A_252 : vector<512x128xf32>
    %logistic3A_256 = arith.divf %logistic3A_254, %logistic3A_255 : vector<512x128xf32>
    %mul3A_257 = arith.mulf %logistic3A_247, %add3A_219 : vector<512x128xf32>
    %mul3A_258 = arith.mulf %logistic3A_240, %tanh3A_249 : vector<512x128xf32>
    %add3A_259 = arith.addf %mul3A_257, %mul3A_258 : vector<512x128xf32>
    %tanh3A_260 = math.tanh %add3A_259 : vector<512x128xf32>
    %mul3A_261 = arith.mulf %logistic3A_256, %tanh3A_260 : vector<512x128xf32>
    %get3A_262 = arith.constant 0 : index
    %get3A_263 = arith.constant 128 : index
    %get3A_264 = vector.load %arg1[%get3A_262, %get3A_263] : memref<512x2560xf32, #tpu.memory_space<vmem>>, vector<512x128xf32>
    %get3A_265 = arith.constant 0 : index
    %get3A_266 = arith.constant 768 : index
    %get3A_267 = vector.load %arg1[%get3A_265, %get3A_266] : memref<512x2560xf32, #tpu.memory_space<vmem>>, vector<512x128xf32>
    %get3A_268 = arith.constant 0 : index
    %get3A_269 = arith.constant 1408 : index
    %get3A_270 = vector.load %arg1[%get3A_268, %get3A_269] : memref<512x2560xf32, #tpu.memory_space<vmem>>, vector<512x128xf32>
    %get3A_271 = arith.constant 0 : index
    %get3A_272 = arith.constant 2048 : index
    %get3A_273 = vector.load %arg1[%get3A_271, %get3A_272] : memref<512x2560xf32, #tpu.memory_space<vmem>>, vector<512x128xf32>
    %slice3A_274 = vector.extract_strided_slice %get3A_264 {offsets = [0, 0], sizes = [512, 32], strides = [1, 1]} : vector<512x128xf32> to vector<512x32xf32>
    %slice3A_275 = vector.extract_strided_slice %get3A_267 {offsets = [0, 0], sizes = [512, 32], strides = [1, 1]} : vector<512x128xf32> to vector<512x32xf32>
    %slice3A_276 = vector.extract_strided_slice %get3A_270 {offsets = [0, 0], sizes = [512, 32], strides = [1, 1]} : vector<512x128xf32> to vector<512x32xf32>
    %slice3A_277 = vector.extract_strided_slice %get3A_273 {offsets = [0, 0], sizes = [512, 32], strides = [1, 1]} : vector<512x128xf32> to vector<512x32xf32>
    %concatenate3A_278 = tpu.concatenate %slice3A_274, %slice3A_275, %slice3A_276, %slice3A_277 in 1 : vector<512x32xf32>, vector<512x32xf32>, vector<512x32xf32>, vector<512x32xf32> -> vector<512x128xf32>
    %dot_general3A_279 = arith.constant dense<0.000000e+00> : vector<512x512xf32>
    %dot_general3A_280 = tpu.matmul %concatenate3A_278, %concatenate3A_45, %dot_general3A_279 {dimension_numbers = #tpu.dot_dimension_numbers<[1], [0], [0], [1], [0, 0, 1, 1], [], []>, transpose_lhs_hint = false} : vector<512x128xf32>, vector<128x512xf32>, vector<512x512xf32> -> vector<512x512xf32>
    %dot_general3A_281 = arith.constant dense<0.000000e+00> : vector<512x512xf32>
    %dot_general3A_282 = tpu.matmul %mul3A_261, %concatenate3A_82, %dot_general3A_281 {dimension_numbers = #tpu.dot_dimension_numbers<[1], [0], [0], [1], [0, 0, 1, 1], [], []>, transpose_lhs_hint = false} : vector<512x128xf32>, vector<128x512xf32>, vector<512x512xf32> -> vector<512x512xf32>
    %add3A_283 = arith.addf %dot_general3A_280, %dot_general3A_282 : vector<512x512xf32>
    %add3A_284 = vector.broadcast %get3A_90 : vector<1x512xf32> to vector<512x512xf32>
    %add3A_285 = arith.addf %add3A_283, %add3A_284 : vector<512x512xf32>
    %slice3A_286 = vector.extract_strided_slice %add3A_285 {offsets = [0, 0], sizes = [512, 128], strides = [1, 1]} : vector<512x512xf32> to vector<512x128xf32>
    %logistic3A_287 = arith.negf %slice3A_286 : vector<512x128xf32>
    %logistic3A_288 = math.exp %logistic3A_287 : vector<512x128xf32>
    %logistic3A_289 = arith.constant 1.000000e+00 : f32
    %logistic3A_290 = vector.broadcast %logistic3A_289 : f32 to vector<512x128xf32>
    %logistic3A_291 = arith.addf %logistic3A_290, %logistic3A_288 : vector<512x128xf32>
    %logistic3A_292 = arith.divf %logistic3A_290, %logistic3A_291 : vector<512x128xf32>
    %slice3A_293 = vector.extract_strided_slice %add3A_285 {offsets = [0, 128], sizes = [512, 128], strides = [1, 1]} : vector<512x512xf32> to vector<512x128xf32>
    %logistic3A_294 = arith.negf %slice3A_293 : vector<512x128xf32>
    %logistic3A_295 = math.exp %logistic3A_294 : vector<512x128xf32>
    %logistic3A_296 = arith.constant 1.000000e+00 : f32
    %logistic3A_297 = vector.broadcast %logistic3A_296 : f32 to vector<512x128xf32>
    %logistic3A_298 = arith.addf %logistic3A_297, %logistic3A_295 : vector<512x128xf32>
    %logistic3A_299 = arith.divf %logistic3A_297, %logistic3A_298 : vector<512x128xf32>
    %slice3A_300 = vector.extract_strided_slice %add3A_285 {offsets = [0, 256], sizes = [512, 128], strides = [1, 1]} : vector<512x512xf32> to vector<512x128xf32>
    %tanh3A_301 = math.tanh %slice3A_300 : vector<512x128xf32>
    %slice3A_302 = vector.extract_strided_slice %add3A_285 {offsets = [0, 384], sizes = [512, 128], strides = [1, 1]} : vector<512x512xf32> to vector<512x128xf32>
    %logistic3A_303 = arith.negf %slice3A_302 : vector<512x128xf32>
    %logistic3A_304 = math.exp %logistic3A_303 : vector<512x128xf32>
    %logistic3A_305 = arith.constant 1.000000e+00 : f32
    %logistic3A_306 = vector.broadcast %logistic3A_305 : f32 to vector<512x128xf32>
    %logistic3A_307 = arith.addf %logistic3A_306, %logistic3A_304 : vector<512x128xf32>
    %logistic3A_308 = arith.divf %logistic3A_306, %logistic3A_307 : vector<512x128xf32>
    %mul3A_309 = arith.mulf %logistic3A_299, %add3A_259 : vector<512x128xf32>
    %mul3A_310 = arith.mulf %logistic3A_292, %tanh3A_301 : vector<512x128xf32>
    %add3A_311 = arith.addf %mul3A_309, %mul3A_310 : vector<512x128xf32>
    %tanh3A_312 = math.tanh %add3A_311 : vector<512x128xf32>
    %mul3A_313 = arith.mulf %logistic3A_308, %tanh3A_312 : vector<512x128xf32>
    %slice3A_314 = vector.extract_strided_slice %get3A_264 {offsets = [0, 32], sizes = [512, 32], strides = [1, 1]} : vector<512x128xf32> to vector<512x32xf32>
    %slice3A_315 = vector.extract_strided_slice %get3A_267 {offsets = [0, 32], sizes = [512, 32], strides = [1, 1]} : vector<512x128xf32> to vector<512x32xf32>
    %slice3A_316 = vector.extract_strided_slice %get3A_270 {offsets = [0, 32], sizes = [512, 32], strides = [1, 1]} : vector<512x128xf32> to vector<512x32xf32>
    %slice3A_317 = vector.extract_strided_slice %get3A_273 {offsets = [0, 32], sizes = [512, 32], strides = [1, 1]} : vector<512x128xf32> to vector<512x32xf32>
    %concatenate3A_318 = tpu.concatenate %slice3A_314, %slice3A_315, %slice3A_316, %slice3A_317 in 1 : vector<512x32xf32>, vector<512x32xf32>, vector<512x32xf32>, vector<512x32xf32> -> vector<512x128xf32>
    %dot_general3A_319 = arith.constant dense<0.000000e+00> : vector<512x512xf32>
    %dot_general3A_320 = tpu.matmul %concatenate3A_318, %concatenate3A_45, %dot_general3A_319 {dimension_numbers = #tpu.dot_dimension_numbers<[1], [0], [0], [1], [0, 0, 1, 1], [], []>, transpose_lhs_hint = false} : vector<512x128xf32>, vector<128x512xf32>, vector<512x512xf32> -> vector<512x512xf32>
    %dot_general3A_321 = arith.constant dense<0.000000e+00> : vector<512x512xf32>
    %dot_general3A_322 = tpu.matmul %mul3A_313, %concatenate3A_82, %dot_general3A_321 {dimension_numbers = #tpu.dot_dimension_numbers<[1], [0], [0], [1], [0, 0, 1, 1], [], []>, transpose_lhs_hint = false} : vector<512x128xf32>, vector<128x512xf32>, vector<512x512xf32> -> vector<512x512xf32>
    %add3A_323 = arith.addf %dot_general3A_320, %dot_general3A_322 : vector<512x512xf32>
    %add3A_324 = vector.broadcast %get3A_90 : vector<1x512xf32> to vector<512x512xf32>
    %add3A_325 = arith.addf %add3A_323, %add3A_324 : vector<512x512xf32>
    %slice3A_326 = vector.extract_strided_slice %add3A_325 {offsets = [0, 0], sizes = [512, 128], strides = [1, 1]} : vector<512x512xf32> to vector<512x128xf32>
    %logistic3A_327 = arith.negf %slice3A_326 : vector<512x128xf32>
    %logistic3A_328 = math.exp %logistic3A_327 : vector<512x128xf32>
    %logistic3A_329 = arith.constant 1.000000e+00 : f32
    %logistic3A_330 = vector.broadcast %logistic3A_329 : f32 to vector<512x128xf32>
    %logistic3A_331 = arith.addf %logistic3A_330, %logistic3A_328 : vector<512x128xf32>
    %logistic3A_332 = arith.divf %logistic3A_330, %logistic3A_331 : vector<512x128xf32>
    %slice3A_333 = vector.extract_strided_slice %add3A_325 {offsets = [0, 128], sizes = [512, 128], strides = [1, 1]} : vector<512x512xf32> to vector<512x128xf32>
    %logistic3A_334 = arith.negf %slice3A_333 : vector<512x128xf32>
    %logistic3A_335 = math.exp %logistic3A_334 : vector<512x128xf32>
    %logistic3A_336 = arith.constant 1.000000e+00 : f32
    %logistic3A_337 = vector.broadcast %logistic3A_336 : f32 to vector<512x128xf32>
    %logistic3A_338 = arith.addf %logistic3A_337, %logistic3A_335 : vector<512x128xf32>
    %logistic3A_339 = arith.divf %logistic3A_337, %logistic3A_338 : vector<512x128xf32>
    %slice3A_340 = vector.extract_strided_slice %add3A_325 {offsets = [0, 256], sizes = [512, 128], strides = [1, 1]} : vector<512x512xf32> to vector<512x128xf32>
    %tanh3A_341 = math.tanh %slice3A_340 : vector<512x128xf32>
    %slice3A_342 = vector.extract_strided_slice %add3A_325 {offsets = [0, 384], sizes = [512, 128], strides = [1, 1]} : vector<512x512xf32> to vector<512x128xf32>
    %logistic3A_343 = arith.negf %slice3A_342 : vector<512x128xf32>
    %logistic3A_344 = math.exp %logistic3A_343 : vector<512x128xf32>
    %logistic3A_345 = arith.constant 1.000000e+00 : f32
    %logistic3A_346 = vector.broadcast %logistic3A_345 : f32 to vector<512x128xf32>
    %logistic3A_347 = arith.addf %logistic3A_346, %logistic3A_344 : vector<512x128xf32>
    %logistic3A_348 = arith.divf %logistic3A_346, %logistic3A_347 : vector<512x128xf32>
    %mul3A_349 = arith.mulf %logistic3A_339, %add3A_311 : vector<512x128xf32>
    %mul3A_350 = arith.mulf %logistic3A_332, %tanh3A_341 : vector<512x128xf32>
    %add3A_351 = arith.addf %mul3A_349, %mul3A_350 : vector<512x128xf32>
    %tanh3A_352 = math.tanh %add3A_351 : vector<512x128xf32>
    %mul3A_353 = arith.mulf %logistic3A_348, %tanh3A_352 : vector<512x128xf32>
    %slice3A_354 = vector.extract_strided_slice %get3A_264 {offsets = [0, 64], sizes = [512, 32], strides = [1, 1]} : vector<512x128xf32> to vector<512x32xf32>
    %slice3A_355 = vector.extract_strided_slice %get3A_267 {offsets = [0, 64], sizes = [512, 32], strides = [1, 1]} : vector<512x128xf32> to vector<512x32xf32>
    %slice3A_356 = vector.extract_strided_slice %get3A_270 {offsets = [0, 64], sizes = [512, 32], strides = [1, 1]} : vector<512x128xf32> to vector<512x32xf32>
    %slice3A_357 = vector.extract_strided_slice %get3A_273 {offsets = [0, 64], sizes = [512, 32], strides = [1, 1]} : vector<512x128xf32> to vector<512x32xf32>
    %concatenate3A_358 = tpu.concatenate %slice3A_354, %slice3A_355, %slice3A_356, %slice3A_357 in 1 : vector<512x32xf32>, vector<512x32xf32>, vector<512x32xf32>, vector<512x32xf32> -> vector<512x128xf32>
    %dot_general3A_359 = arith.constant dense<0.000000e+00> : vector<512x512xf32>
    %dot_general3A_360 = tpu.matmul %concatenate3A_358, %concatenate3A_45, %dot_general3A_359 {dimension_numbers = #tpu.dot_dimension_numbers<[1], [0], [0], [1], [0, 0, 1, 1], [], []>, transpose_lhs_hint = false} : vector<512x128xf32>, vector<128x512xf32>, vector<512x512xf32> -> vector<512x512xf32>
    %dot_general3A_361 = arith.constant dense<0.000000e+00> : vector<512x512xf32>
    %dot_general3A_362 = tpu.matmul %mul3A_353, %concatenate3A_82, %dot_general3A_361 {dimension_numbers = #tpu.dot_dimension_numbers<[1], [0], [0], [1], [0, 0, 1, 1], [], []>, transpose_lhs_hint = false} : vector<512x128xf32>, vector<128x512xf32>, vector<512x512xf32> -> vector<512x512xf32>
    %add3A_363 = arith.addf %dot_general3A_360, %dot_general3A_362 : vector<512x512xf32>
    %add3A_364 = vector.broadcast %get3A_90 : vector<1x512xf32> to vector<512x512xf32>
    %add3A_365 = arith.addf %add3A_363, %add3A_364 : vector<512x512xf32>
    %slice3A_366 = vector.extract_strided_slice %add3A_365 {offsets = [0, 0], sizes = [512, 128], strides = [1, 1]} : vector<512x512xf32> to vector<512x128xf32>
    %logistic3A_367 = arith.negf %slice3A_366 : vector<512x128xf32>
    %logistic3A_368 = math.exp %logistic3A_367 : vector<512x128xf32>
    %logistic3A_369 = arith.constant 1.000000e+00 : f32
    %logistic3A_370 = vector.broadcast %logistic3A_369 : f32 to vector<512x128xf32>
    %logistic3A_371 = arith.addf %logistic3A_370, %logistic3A_368 : vector<512x128xf32>
    %logistic3A_372 = arith.divf %logistic3A_370, %logistic3A_371 : vector<512x128xf32>
    %slice3A_373 = vector.extract_strided_slice %add3A_365 {offsets = [0, 128], sizes = [512, 128], strides = [1, 1]} : vector<512x512xf32> to vector<512x128xf32>
    %logistic3A_374 = arith.negf %slice3A_373 : vector<512x128xf32>
    %logistic3A_375 = math.exp %logistic3A_374 : vector<512x128xf32>
    %logistic3A_376 = arith.constant 1.000000e+00 : f32
    %logistic3A_377 = vector.broadcast %logistic3A_376 : f32 to vector<512x128xf32>
    %logistic3A_378 = arith.addf %logistic3A_377, %logistic3A_375 : vector<512x128xf32>
    %logistic3A_379 = arith.divf %logistic3A_377, %logistic3A_378 : vector<512x128xf32>
    %slice3A_380 = vector.extract_strided_slice %add3A_365 {offsets = [0, 256], sizes = [512, 128], strides = [1, 1]} : vector<512x512xf32> to vector<512x128xf32>
    %tanh3A_381 = math.tanh %slice3A_380 : vector<512x128xf32>
    %slice3A_382 = vector.extract_strided_slice %add3A_365 {offsets = [0, 384], sizes = [512, 128], strides = [1, 1]} : vector<512x512xf32> to vector<512x128xf32>
    %logistic3A_383 = arith.negf %slice3A_382 : vector<512x128xf32>
    %logistic3A_384 = math.exp %logistic3A_383 : vector<512x128xf32>
    %logistic3A_385 = arith.constant 1.000000e+00 : f32
    %logistic3A_386 = vector.broadcast %logistic3A_385 : f32 to vector<512x128xf32>
    %logistic3A_387 = arith.addf %logistic3A_386, %logistic3A_384 : vector<512x128xf32>
    %logistic3A_388 = arith.divf %logistic3A_386, %logistic3A_387 : vector<512x128xf32>
    %mul3A_389 = arith.mulf %logistic3A_379, %add3A_351 : vector<512x128xf32>
    %mul3A_390 = arith.mulf %logistic3A_372, %tanh3A_381 : vector<512x128xf32>
    %add3A_391 = arith.addf %mul3A_389, %mul3A_390 : vector<512x128xf32>
    %tanh3A_392 = math.tanh %add3A_391 : vector<512x128xf32>
    %mul3A_393 = arith.mulf %logistic3A_388, %tanh3A_392 : vector<512x128xf32>
    %slice3A_394 = vector.extract_strided_slice %get3A_264 {offsets = [0, 96], sizes = [512, 32], strides = [1, 1]} : vector<512x128xf32> to vector<512x32xf32>
    %slice3A_395 = vector.extract_strided_slice %get3A_267 {offsets = [0, 96], sizes = [512, 32], strides = [1, 1]} : vector<512x128xf32> to vector<512x32xf32>
    %slice3A_396 = vector.extract_strided_slice %get3A_270 {offsets = [0, 96], sizes = [512, 32], strides = [1, 1]} : vector<512x128xf32> to vector<512x32xf32>
    %slice3A_397 = vector.extract_strided_slice %get3A_273 {offsets = [0, 96], sizes = [512, 32], strides = [1, 1]} : vector<512x128xf32> to vector<512x32xf32>
    %concatenate3A_398 = tpu.concatenate %slice3A_394, %slice3A_395, %slice3A_396, %slice3A_397 in 1 : vector<512x32xf32>, vector<512x32xf32>, vector<512x32xf32>, vector<512x32xf32> -> vector<512x128xf32>
    %dot_general3A_399 = arith.constant dense<0.000000e+00> : vector<512x512xf32>
    %dot_general3A_400 = tpu.matmul %concatenate3A_398, %concatenate3A_45, %dot_general3A_399 {dimension_numbers = #tpu.dot_dimension_numbers<[1], [0], [0], [1], [0, 0, 1, 1], [], []>, transpose_lhs_hint = false} : vector<512x128xf32>, vector<128x512xf32>, vector<512x512xf32> -> vector<512x512xf32>
    %dot_general3A_401 = arith.constant dense<0.000000e+00> : vector<512x512xf32>
    %dot_general3A_402 = tpu.matmul %mul3A_393, %concatenate3A_82, %dot_general3A_401 {dimension_numbers = #tpu.dot_dimension_numbers<[1], [0], [0], [1], [0, 0, 1, 1], [], []>, transpose_lhs_hint = false} : vector<512x128xf32>, vector<128x512xf32>, vector<512x512xf32> -> vector<512x512xf32>
    %add3A_403 = arith.addf %dot_general3A_400, %dot_general3A_402 : vector<512x512xf32>
    %add3A_404 = vector.broadcast %get3A_90 : vector<1x512xf32> to vector<512x512xf32>
    %add3A_405 = arith.addf %add3A_403, %add3A_404 : vector<512x512xf32>
    %slice3A_406 = vector.extract_strided_slice %add3A_405 {offsets = [0, 0], sizes = [512, 128], strides = [1, 1]} : vector<512x512xf32> to vector<512x128xf32>
    %logistic3A_407 = arith.negf %slice3A_406 : vector<512x128xf32>
    %logistic3A_408 = math.exp %logistic3A_407 : vector<512x128xf32>
    %logistic3A_409 = arith.constant 1.000000e+00 : f32
    %logistic3A_410 = vector.broadcast %logistic3A_409 : f32 to vector<512x128xf32>
    %logistic3A_411 = arith.addf %logistic3A_410, %logistic3A_408 : vector<512x128xf32>
    %logistic3A_412 = arith.divf %logistic3A_410, %logistic3A_411 : vector<512x128xf32>
    %slice3A_413 = vector.extract_strided_slice %add3A_405 {offsets = [0, 128], sizes = [512, 128], strides = [1, 1]} : vector<512x512xf32> to vector<512x128xf32>
    %logistic3A_414 = arith.negf %slice3A_413 : vector<512x128xf32>
    %logistic3A_415 = math.exp %logistic3A_414 : vector<512x128xf32>
    %logistic3A_416 = arith.constant 1.000000e+00 : f32
    %logistic3A_417 = vector.broadcast %logistic3A_416 : f32 to vector<512x128xf32>
    %logistic3A_418 = arith.addf %logistic3A_417, %logistic3A_415 : vector<512x128xf32>
    %logistic3A_419 = arith.divf %logistic3A_417, %logistic3A_418 : vector<512x128xf32>
    %slice3A_420 = vector.extract_strided_slice %add3A_405 {offsets = [0, 256], sizes = [512, 128], strides = [1, 1]} : vector<512x512xf32> to vector<512x128xf32>
    %tanh3A_421 = math.tanh %slice3A_420 : vector<512x128xf32>
    %slice3A_422 = vector.extract_strided_slice %add3A_405 {offsets = [0, 384], sizes = [512, 128], strides = [1, 1]} : vector<512x512xf32> to vector<512x128xf32>
    %logistic3A_423 = arith.negf %slice3A_422 : vector<512x128xf32>
    %logistic3A_424 = math.exp %logistic3A_423 : vector<512x128xf32>
    %logistic3A_425 = arith.constant 1.000000e+00 : f32
    %logistic3A_426 = vector.broadcast %logistic3A_425 : f32 to vector<512x128xf32>
    %logistic3A_427 = arith.addf %logistic3A_426, %logistic3A_424 : vector<512x128xf32>
    %logistic3A_428 = arith.divf %logistic3A_426, %logistic3A_427 : vector<512x128xf32>
    %mul3A_429 = arith.mulf %logistic3A_419, %add3A_391 : vector<512x128xf32>
    %mul3A_430 = arith.mulf %logistic3A_412, %tanh3A_421 : vector<512x128xf32>
    %add3A_431 = arith.addf %mul3A_429, %mul3A_430 : vector<512x128xf32>
    %tanh3A_432 = math.tanh %add3A_431 : vector<512x128xf32>
    %mul3A_433 = arith.mulf %logistic3A_428, %tanh3A_432 : vector<512x128xf32>
    %get3A_434 = arith.constant 0 : index
    %get3A_435 = arith.constant 256 : index
    %get3A_436 = vector.load %arg1[%get3A_434, %get3A_435] : memref<512x2560xf32, #tpu.memory_space<vmem>>, vector<512x128xf32>
    %get3A_437 = arith.constant 0 : index
    %get3A_438 = arith.constant 896 : index
    %get3A_439 = vector.load %arg1[%get3A_437, %get3A_438] : memref<512x2560xf32, #tpu.memory_space<vmem>>, vector<512x128xf32>
    %get3A_440 = arith.constant 0 : index
    %get3A_441 = arith.constant 1536 : index
    %get3A_442 = vector.load %arg1[%get3A_440, %get3A_441] : memref<512x2560xf32, #tpu.memory_space<vmem>>, vector<512x128xf32>
    %get3A_443 = arith.constant 0 : index
    %get3A_444 = arith.constant 2176 : index
    %get3A_445 = vector.load %arg1[%get3A_443, %get3A_444] : memref<512x2560xf32, #tpu.memory_space<vmem>>, vector<512x128xf32>
    %slice3A_446 = vector.extract_strided_slice %get3A_436 {offsets = [0, 0], sizes = [512, 32], strides = [1, 1]} : vector<512x128xf32> to vector<512x32xf32>
    %slice3A_447 = vector.extract_strided_slice %get3A_439 {offsets = [0, 0], sizes = [512, 32], strides = [1, 1]} : vector<512x128xf32> to vector<512x32xf32>
    %slice3A_448 = vector.extract_strided_slice %get3A_442 {offsets = [0, 0], sizes = [512, 32], strides = [1, 1]} : vector<512x128xf32> to vector<512x32xf32>
    %slice3A_449 = vector.extract_strided_slice %get3A_445 {offsets = [0, 0], sizes = [512, 32], strides = [1, 1]} : vector<512x128xf32> to vector<512x32xf32>
    %concatenate3A_450 = tpu.concatenate %slice3A_446, %slice3A_447, %slice3A_448, %slice3A_449 in 1 : vector<512x32xf32>, vector<512x32xf32>, vector<512x32xf32>, vector<512x32xf32> -> vector<512x128xf32>
    %dot_general3A_451 = arith.constant dense<0.000000e+00> : vector<512x512xf32>
    %dot_general3A_452 = tpu.matmul %concatenate3A_450, %concatenate3A_45, %dot_general3A_451 {dimension_numbers = #tpu.dot_dimension_numbers<[1], [0], [0], [1], [0, 0, 1, 1], [], []>, transpose_lhs_hint = false} : vector<512x128xf32>, vector<128x512xf32>, vector<512x512xf32> -> vector<512x512xf32>
    %dot_general3A_453 = arith.constant dense<0.000000e+00> : vector<512x512xf32>
    %dot_general3A_454 = tpu.matmul %mul3A_433, %concatenate3A_82, %dot_general3A_453 {dimension_numbers = #tpu.dot_dimension_numbers<[1], [0], [0], [1], [0, 0, 1, 1], [], []>, transpose_lhs_hint = false} : vector<512x128xf32>, vector<128x512xf32>, vector<512x512xf32> -> vector<512x512xf32>
    %add3A_455 = arith.addf %dot_general3A_452, %dot_general3A_454 : vector<512x512xf32>
    %add3A_456 = vector.broadcast %get3A_90 : vector<1x512xf32> to vector<512x512xf32>
    %add3A_457 = arith.addf %add3A_455, %add3A_456 : vector<512x512xf32>
    %slice3A_458 = vector.extract_strided_slice %add3A_457 {offsets = [0, 0], sizes = [512, 128], strides = [1, 1]} : vector<512x512xf32> to vector<512x128xf32>
    %logistic3A_459 = arith.negf %slice3A_458 : vector<512x128xf32>
    %logistic3A_460 = math.exp %logistic3A_459 : vector<512x128xf32>
    %logistic3A_461 = arith.constant 1.000000e+00 : f32
    %logistic3A_462 = vector.broadcast %logistic3A_461 : f32 to vector<512x128xf32>
    %logistic3A_463 = arith.addf %logistic3A_462, %logistic3A_460 : vector<512x128xf32>
    %logistic3A_464 = arith.divf %logistic3A_462, %logistic3A_463 : vector<512x128xf32>
    %slice3A_465 = vector.extract_strided_slice %add3A_457 {offsets = [0, 128], sizes = [512, 128], strides = [1, 1]} : vector<512x512xf32> to vector<512x128xf32>
    %logistic3A_466 = arith.negf %slice3A_465 : vector<512x128xf32>
    %logistic3A_467 = math.exp %logistic3A_466 : vector<512x128xf32>
    %logistic3A_468 = arith.constant 1.000000e+00 : f32
    %logistic3A_469 = vector.broadcast %logistic3A_468 : f32 to vector<512x128xf32>
    %logistic3A_470 = arith.addf %logistic3A_469, %logistic3A_467 : vector<512x128xf32>
    %logistic3A_471 = arith.divf %logistic3A_469, %logistic3A_470 : vector<512x128xf32>
    %slice3A_472 = vector.extract_strided_slice %add3A_457 {offsets = [0, 256], sizes = [512, 128], strides = [1, 1]} : vector<512x512xf32> to vector<512x128xf32>
    %tanh3A_473 = math.tanh %slice3A_472 : vector<512x128xf32>
    %slice3A_474 = vector.extract_strided_slice %add3A_457 {offsets = [0, 384], sizes = [512, 128], strides = [1, 1]} : vector<512x512xf32> to vector<512x128xf32>
    %logistic3A_475 = arith.negf %slice3A_474 : vector<512x128xf32>
    %logistic3A_476 = math.exp %logistic3A_475 : vector<512x128xf32>
    %logistic3A_477 = arith.constant 1.000000e+00 : f32
    %logistic3A_478 = vector.broadcast %logistic3A_477 : f32 to vector<512x128xf32>
    %logistic3A_479 = arith.addf %logistic3A_478, %logistic3A_476 : vector<512x128xf32>
    %logistic3A_480 = arith.divf %logistic3A_478, %logistic3A_479 : vector<512x128xf32>
    %mul3A_481 = arith.mulf %logistic3A_471, %add3A_431 : vector<512x128xf32>
    %mul3A_482 = arith.mulf %logistic3A_464, %tanh3A_473 : vector<512x128xf32>
    %add3A_483 = arith.addf %mul3A_481, %mul3A_482 : vector<512x128xf32>
    %tanh3A_484 = math.tanh %add3A_483 : vector<512x128xf32>
    %mul3A_485 = arith.mulf %logistic3A_480, %tanh3A_484 : vector<512x128xf32>
    %slice3A_486 = vector.extract_strided_slice %get3A_436 {offsets = [0, 32], sizes = [512, 32], strides = [1, 1]} : vector<512x128xf32> to vector<512x32xf32>
    %slice3A_487 = vector.extract_strided_slice %get3A_439 {offsets = [0, 32], sizes = [512, 32], strides = [1, 1]} : vector<512x128xf32> to vector<512x32xf32>
    %slice3A_488 = vector.extract_strided_slice %get3A_442 {offsets = [0, 32], sizes = [512, 32], strides = [1, 1]} : vector<512x128xf32> to vector<512x32xf32>
    %slice3A_489 = vector.extract_strided_slice %get3A_445 {offsets = [0, 32], sizes = [512, 32], strides = [1, 1]} : vector<512x128xf32> to vector<512x32xf32>
    %concatenate3A_490 = tpu.concatenate %slice3A_486, %slice3A_487, %slice3A_488, %slice3A_489 in 1 : vector<512x32xf32>, vector<512x32xf32>, vector<512x32xf32>, vector<512x32xf32> -> vector<512x128xf32>
    %dot_general3A_491 = arith.constant dense<0.000000e+00> : vector<512x512xf32>
    %dot_general3A_492 = tpu.matmul %concatenate3A_490, %concatenate3A_45, %dot_general3A_491 {dimension_numbers = #tpu.dot_dimension_numbers<[1], [0], [0], [1], [0, 0, 1, 1], [], []>, transpose_lhs_hint = false} : vector<512x128xf32>, vector<128x512xf32>, vector<512x512xf32> -> vector<512x512xf32>
    %dot_general3A_493 = arith.constant dense<0.000000e+00> : vector<512x512xf32>
    %dot_general3A_494 = tpu.matmul %mul3A_485, %concatenate3A_82, %dot_general3A_493 {dimension_numbers = #tpu.dot_dimension_numbers<[1], [0], [0], [1], [0, 0, 1, 1], [], []>, transpose_lhs_hint = false} : vector<512x128xf32>, vector<128x512xf32>, vector<512x512xf32> -> vector<512x512xf32>
    %add3A_495 = arith.addf %dot_general3A_492, %dot_general3A_494 : vector<512x512xf32>
    %add3A_496 = vector.broadcast %get3A_90 : vector<1x512xf32> to vector<512x512xf32>
    %add3A_497 = arith.addf %add3A_495, %add3A_496 : vector<512x512xf32>
    %slice3A_498 = vector.extract_strided_slice %add3A_497 {offsets = [0, 0], sizes = [512, 128], strides = [1, 1]} : vector<512x512xf32> to vector<512x128xf32>
    %logistic3A_499 = arith.negf %slice3A_498 : vector<512x128xf32>
    %logistic3A_500 = math.exp %logistic3A_499 : vector<512x128xf32>
    %logistic3A_501 = arith.constant 1.000000e+00 : f32
    %logistic3A_502 = vector.broadcast %logistic3A_501 : f32 to vector<512x128xf32>
    %logistic3A_503 = arith.addf %logistic3A_502, %logistic3A_500 : vector<512x128xf32>
    %logistic3A_504 = arith.divf %logistic3A_502, %logistic3A_503 : vector<512x128xf32>
    %slice3A_505 = vector.extract_strided_slice %add3A_497 {offsets = [0, 128], sizes = [512, 128], strides = [1, 1]} : vector<512x512xf32> to vector<512x128xf32>
    %logistic3A_506 = arith.negf %slice3A_505 : vector<512x128xf32>
    %logistic3A_507 = math.exp %logistic3A_506 : vector<512x128xf32>
    %logistic3A_508 = arith.constant 1.000000e+00 : f32
    %logistic3A_509 = vector.broadcast %logistic3A_508 : f32 to vector<512x128xf32>
    %logistic3A_510 = arith.addf %logistic3A_509, %logistic3A_507 : vector<512x128xf32>
    %logistic3A_511 = arith.divf %logistic3A_509, %logistic3A_510 : vector<512x128xf32>
    %slice3A_512 = vector.extract_strided_slice %add3A_497 {offsets = [0, 256], sizes = [512, 128], strides = [1, 1]} : vector<512x512xf32> to vector<512x128xf32>
    %tanh3A_513 = math.tanh %slice3A_512 : vector<512x128xf32>
    %slice3A_514 = vector.extract_strided_slice %add3A_497 {offsets = [0, 384], sizes = [512, 128], strides = [1, 1]} : vector<512x512xf32> to vector<512x128xf32>
    %logistic3A_515 = arith.negf %slice3A_514 : vector<512x128xf32>
    %logistic3A_516 = math.exp %logistic3A_515 : vector<512x128xf32>
    %logistic3A_517 = arith.constant 1.000000e+00 : f32
    %logistic3A_518 = vector.broadcast %logistic3A_517 : f32 to vector<512x128xf32>
    %logistic3A_519 = arith.addf %logistic3A_518, %logistic3A_516 : vector<512x128xf32>
    %logistic3A_520 = arith.divf %logistic3A_518, %logistic3A_519 : vector<512x128xf32>
    %mul3A_521 = arith.mulf %logistic3A_511, %add3A_483 : vector<512x128xf32>
    %mul3A_522 = arith.mulf %logistic3A_504, %tanh3A_513 : vector<512x128xf32>
    %add3A_523 = arith.addf %mul3A_521, %mul3A_522 : vector<512x128xf32>
    %tanh3A_524 = math.tanh %add3A_523 : vector<512x128xf32>
    %mul3A_525 = arith.mulf %logistic3A_520, %tanh3A_524 : vector<512x128xf32>
    %slice3A_526 = vector.extract_strided_slice %get3A_436 {offsets = [0, 64], sizes = [512, 32], strides = [1, 1]} : vector<512x128xf32> to vector<512x32xf32>
    %slice3A_527 = vector.extract_strided_slice %get3A_439 {offsets = [0, 64], sizes = [512, 32], strides = [1, 1]} : vector<512x128xf32> to vector<512x32xf32>
    %slice3A_528 = vector.extract_strided_slice %get3A_442 {offsets = [0, 64], sizes = [512, 32], strides = [1, 1]} : vector<512x128xf32> to vector<512x32xf32>
    %slice3A_529 = vector.extract_strided_slice %get3A_445 {offsets = [0, 64], sizes = [512, 32], strides = [1, 1]} : vector<512x128xf32> to vector<512x32xf32>
    %concatenate3A_530 = tpu.concatenate %slice3A_526, %slice3A_527, %slice3A_528, %slice3A_529 in 1 : vector<512x32xf32>, vector<512x32xf32>, vector<512x32xf32>, vector<512x32xf32> -> vector<512x128xf32>
    %dot_general3A_531 = arith.constant dense<0.000000e+00> : vector<512x512xf32>
    %dot_general3A_532 = tpu.matmul %concatenate3A_530, %concatenate3A_45, %dot_general3A_531 {dimension_numbers = #tpu.dot_dimension_numbers<[1], [0], [0], [1], [0, 0, 1, 1], [], []>, transpose_lhs_hint = false} : vector<512x128xf32>, vector<128x512xf32>, vector<512x512xf32> -> vector<512x512xf32>
    %dot_general3A_533 = arith.constant dense<0.000000e+00> : vector<512x512xf32>
    %dot_general3A_534 = tpu.matmul %mul3A_525, %concatenate3A_82, %dot_general3A_533 {dimension_numbers = #tpu.dot_dimension_numbers<[1], [0], [0], [1], [0, 0, 1, 1], [], []>, transpose_lhs_hint = false} : vector<512x128xf32>, vector<128x512xf32>, vector<512x512xf32> -> vector<512x512xf32>
    %add3A_535 = arith.addf %dot_general3A_532, %dot_general3A_534 : vector<512x512xf32>
    %add3A_536 = vector.broadcast %get3A_90 : vector<1x512xf32> to vector<512x512xf32>
    %add3A_537 = arith.addf %add3A_535, %add3A_536 : vector<512x512xf32>
    %slice3A_538 = vector.extract_strided_slice %add3A_537 {offsets = [0, 0], sizes = [512, 128], strides = [1, 1]} : vector<512x512xf32> to vector<512x128xf32>
    %logistic3A_539 = arith.negf %slice3A_538 : vector<512x128xf32>
    %logistic3A_540 = math.exp %logistic3A_539 : vector<512x128xf32>
    %logistic3A_541 = arith.constant 1.000000e+00 : f32
    %logistic3A_542 = vector.broadcast %logistic3A_541 : f32 to vector<512x128xf32>
    %logistic3A_543 = arith.addf %logistic3A_542, %logistic3A_540 : vector<512x128xf32>
    %logistic3A_544 = arith.divf %logistic3A_542, %logistic3A_543 : vector<512x128xf32>
    %slice3A_545 = vector.extract_strided_slice %add3A_537 {offsets = [0, 128], sizes = [512, 128], strides = [1, 1]} : vector<512x512xf32> to vector<512x128xf32>
    %logistic3A_546 = arith.negf %slice3A_545 : vector<512x128xf32>
    %logistic3A_547 = math.exp %logistic3A_546 : vector<512x128xf32>
    %logistic3A_548 = arith.constant 1.000000e+00 : f32
    %logistic3A_549 = vector.broadcast %logistic3A_548 : f32 to vector<512x128xf32>
    %logistic3A_550 = arith.addf %logistic3A_549, %logistic3A_547 : vector<512x128xf32>
    %logistic3A_551 = arith.divf %logistic3A_549, %logistic3A_550 : vector<512x128xf32>
    %slice3A_552 = vector.extract_strided_slice %add3A_537 {offsets = [0, 256], sizes = [512, 128], strides = [1, 1]} : vector<512x512xf32> to vector<512x128xf32>
    %tanh3A_553 = math.tanh %slice3A_552 : vector<512x128xf32>
    %slice3A_554 = vector.extract_strided_slice %add3A_537 {offsets = [0, 384], sizes = [512, 128], strides = [1, 1]} : vector<512x512xf32> to vector<512x128xf32>
    %logistic3A_555 = arith.negf %slice3A_554 : vector<512x128xf32>
    %logistic3A_556 = math.exp %logistic3A_555 : vector<512x128xf32>
    %logistic3A_557 = arith.constant 1.000000e+00 : f32
    %logistic3A_558 = vector.broadcast %logistic3A_557 : f32 to vector<512x128xf32>
    %logistic3A_559 = arith.addf %logistic3A_558, %logistic3A_556 : vector<512x128xf32>
    %logistic3A_560 = arith.divf %logistic3A_558, %logistic3A_559 : vector<512x128xf32>
    %mul3A_561 = arith.mulf %logistic3A_551, %add3A_523 : vector<512x128xf32>
    %mul3A_562 = arith.mulf %logistic3A_544, %tanh3A_553 : vector<512x128xf32>
    %add3A_563 = arith.addf %mul3A_561, %mul3A_562 : vector<512x128xf32>
    %tanh3A_564 = math.tanh %add3A_563 : vector<512x128xf32>
    %mul3A_565 = arith.mulf %logistic3A_560, %tanh3A_564 : vector<512x128xf32>
    %slice3A_566 = vector.extract_strided_slice %get3A_436 {offsets = [0, 96], sizes = [512, 32], strides = [1, 1]} : vector<512x128xf32> to vector<512x32xf32>
    %slice3A_567 = vector.extract_strided_slice %get3A_439 {offsets = [0, 96], sizes = [512, 32], strides = [1, 1]} : vector<512x128xf32> to vector<512x32xf32>
    %slice3A_568 = vector.extract_strided_slice %get3A_442 {offsets = [0, 96], sizes = [512, 32], strides = [1, 1]} : vector<512x128xf32> to vector<512x32xf32>
    %slice3A_569 = vector.extract_strided_slice %get3A_445 {offsets = [0, 96], sizes = [512, 32], strides = [1, 1]} : vector<512x128xf32> to vector<512x32xf32>
    %concatenate3A_570 = tpu.concatenate %slice3A_566, %slice3A_567, %slice3A_568, %slice3A_569 in 1 : vector<512x32xf32>, vector<512x32xf32>, vector<512x32xf32>, vector<512x32xf32> -> vector<512x128xf32>
    %dot_general3A_571 = arith.constant dense<0.000000e+00> : vector<512x512xf32>
    %dot_general3A_572 = tpu.matmul %concatenate3A_570, %concatenate3A_45, %dot_general3A_571 {dimension_numbers = #tpu.dot_dimension_numbers<[1], [0], [0], [1], [0, 0, 1, 1], [], []>, transpose_lhs_hint = false} : vector<512x128xf32>, vector<128x512xf32>, vector<512x512xf32> -> vector<512x512xf32>
    %dot_general3A_573 = arith.constant dense<0.000000e+00> : vector<512x512xf32>
    %dot_general3A_574 = tpu.matmul %mul3A_565, %concatenate3A_82, %dot_general3A_573 {dimension_numbers = #tpu.dot_dimension_numbers<[1], [0], [0], [1], [0, 0, 1, 1], [], []>, transpose_lhs_hint = false} : vector<512x128xf32>, vector<128x512xf32>, vector<512x512xf32> -> vector<512x512xf32>
    %add3A_575 = arith.addf %dot_general3A_572, %dot_general3A_574 : vector<512x512xf32>
    %add3A_576 = vector.broadcast %get3A_90 : vector<1x512xf32> to vector<512x512xf32>
    %add3A_577 = arith.addf %add3A_575, %add3A_576 : vector<512x512xf32>
    %slice3A_578 = vector.extract_strided_slice %add3A_577 {offsets = [0, 0], sizes = [512, 128], strides = [1, 1]} : vector<512x512xf32> to vector<512x128xf32>
    %logistic3A_579 = arith.negf %slice3A_578 : vector<512x128xf32>
    %logistic3A_580 = math.exp %logistic3A_579 : vector<512x128xf32>
    %logistic3A_581 = arith.constant 1.000000e+00 : f32
    %logistic3A_582 = vector.broadcast %logistic3A_581 : f32 to vector<512x128xf32>
    %logistic3A_583 = arith.addf %logistic3A_582, %logistic3A_580 : vector<512x128xf32>
    %logistic3A_584 = arith.divf %logistic3A_582, %logistic3A_583 : vector<512x128xf32>
    %slice3A_585 = vector.extract_strided_slice %add3A_577 {offsets = [0, 128], sizes = [512, 128], strides = [1, 1]} : vector<512x512xf32> to vector<512x128xf32>
    %logistic3A_586 = arith.negf %slice3A_585 : vector<512x128xf32>
    %logistic3A_587 = math.exp %logistic3A_586 : vector<512x128xf32>
    %logistic3A_588 = arith.constant 1.000000e+00 : f32
    %logistic3A_589 = vector.broadcast %logistic3A_588 : f32 to vector<512x128xf32>
    %logistic3A_590 = arith.addf %logistic3A_589, %logistic3A_587 : vector<512x128xf32>
    %logistic3A_591 = arith.divf %logistic3A_589, %logistic3A_590 : vector<512x128xf32>
    %slice3A_592 = vector.extract_strided_slice %add3A_577 {offsets = [0, 256], sizes = [512, 128], strides = [1, 1]} : vector<512x512xf32> to vector<512x128xf32>
    %tanh3A_593 = math.tanh %slice3A_592 : vector<512x128xf32>
    %slice3A_594 = vector.extract_strided_slice %add3A_577 {offsets = [0, 384], sizes = [512, 128], strides = [1, 1]} : vector<512x512xf32> to vector<512x128xf32>
    %logistic3A_595 = arith.negf %slice3A_594 : vector<512x128xf32>
    %logistic3A_596 = math.exp %logistic3A_595 : vector<512x128xf32>
    %logistic3A_597 = arith.constant 1.000000e+00 : f32
    %logistic3A_598 = vector.broadcast %logistic3A_597 : f32 to vector<512x128xf32>
    %logistic3A_599 = arith.addf %logistic3A_598, %logistic3A_596 : vector<512x128xf32>
    %logistic3A_600 = arith.divf %logistic3A_598, %logistic3A_599 : vector<512x128xf32>
    %mul3A_601 = arith.mulf %logistic3A_591, %add3A_563 : vector<512x128xf32>
    %mul3A_602 = arith.mulf %logistic3A_584, %tanh3A_593 : vector<512x128xf32>
    %add3A_603 = arith.addf %mul3A_601, %mul3A_602 : vector<512x128xf32>
    %tanh3A_604 = math.tanh %add3A_603 : vector<512x128xf32>
    %mul3A_605 = arith.mulf %logistic3A_600, %tanh3A_604 : vector<512x128xf32>
    %get3A_606 = arith.constant 0 : index
    %get3A_607 = arith.constant 384 : index
    %get3A_608 = vector.load %arg1[%get3A_606, %get3A_607] : memref<512x2560xf32, #tpu.memory_space<vmem>>, vector<512x128xf32>
    %get3A_609 = arith.constant 0 : index
    %get3A_610 = arith.constant 1024 : index
    %get3A_611 = vector.load %arg1[%get3A_609, %get3A_610] : memref<512x2560xf32, #tpu.memory_space<vmem>>, vector<512x128xf32>
    %get3A_612 = arith.constant 0 : index
    %get3A_613 = arith.constant 1664 : index
    %get3A_614 = vector.load %arg1[%get3A_612, %get3A_613] : memref<512x2560xf32, #tpu.memory_space<vmem>>, vector<512x128xf32>
    %get3A_615 = arith.constant 0 : index
    %get3A_616 = arith.constant 2304 : index
    %get3A_617 = vector.load %arg1[%get3A_615, %get3A_616] : memref<512x2560xf32, #tpu.memory_space<vmem>>, vector<512x128xf32>
    %slice3A_618 = vector.extract_strided_slice %get3A_608 {offsets = [0, 0], sizes = [512, 32], strides = [1, 1]} : vector<512x128xf32> to vector<512x32xf32>
    %slice3A_619 = vector.extract_strided_slice %get3A_611 {offsets = [0, 0], sizes = [512, 32], strides = [1, 1]} : vector<512x128xf32> to vector<512x32xf32>
    %slice3A_620 = vector.extract_strided_slice %get3A_614 {offsets = [0, 0], sizes = [512, 32], strides = [1, 1]} : vector<512x128xf32> to vector<512x32xf32>
    %slice3A_621 = vector.extract_strided_slice %get3A_617 {offsets = [0, 0], sizes = [512, 32], strides = [1, 1]} : vector<512x128xf32> to vector<512x32xf32>
    %concatenate3A_622 = tpu.concatenate %slice3A_618, %slice3A_619, %slice3A_620, %slice3A_621 in 1 : vector<512x32xf32>, vector<512x32xf32>, vector<512x32xf32>, vector<512x32xf32> -> vector<512x128xf32>
    %dot_general3A_623 = arith.constant dense<0.000000e+00> : vector<512x512xf32>
    %dot_general3A_624 = tpu.matmul %concatenate3A_622, %concatenate3A_45, %dot_general3A_623 {dimension_numbers = #tpu.dot_dimension_numbers<[1], [0], [0], [1], [0, 0, 1, 1], [], []>, transpose_lhs_hint = false} : vector<512x128xf32>, vector<128x512xf32>, vector<512x512xf32> -> vector<512x512xf32>
    %dot_general3A_625 = arith.constant dense<0.000000e+00> : vector<512x512xf32>
    %dot_general3A_626 = tpu.matmul %mul3A_605, %concatenate3A_82, %dot_general3A_625 {dimension_numbers = #tpu.dot_dimension_numbers<[1], [0], [0], [1], [0, 0, 1, 1], [], []>, transpose_lhs_hint = false} : vector<512x128xf32>, vector<128x512xf32>, vector<512x512xf32> -> vector<512x512xf32>
    %add3A_627 = arith.addf %dot_general3A_624, %dot_general3A_626 : vector<512x512xf32>
    %add3A_628 = vector.broadcast %get3A_90 : vector<1x512xf32> to vector<512x512xf32>
    %add3A_629 = arith.addf %add3A_627, %add3A_628 : vector<512x512xf32>
    %slice3A_630 = vector.extract_strided_slice %add3A_629 {offsets = [0, 0], sizes = [512, 128], strides = [1, 1]} : vector<512x512xf32> to vector<512x128xf32>
    %logistic3A_631 = arith.negf %slice3A_630 : vector<512x128xf32>
    %logistic3A_632 = math.exp %logistic3A_631 : vector<512x128xf32>
    %logistic3A_633 = arith.constant 1.000000e+00 : f32
    %logistic3A_634 = vector.broadcast %logistic3A_633 : f32 to vector<512x128xf32>
    %logistic3A_635 = arith.addf %logistic3A_634, %logistic3A_632 : vector<512x128xf32>
    %logistic3A_636 = arith.divf %logistic3A_634, %logistic3A_635 : vector<512x128xf32>
    %slice3A_637 = vector.extract_strided_slice %add3A_629 {offsets = [0, 128], sizes = [512, 128], strides = [1, 1]} : vector<512x512xf32> to vector<512x128xf32>
    %logistic3A_638 = arith.negf %slice3A_637 : vector<512x128xf32>
    %logistic3A_639 = math.exp %logistic3A_638 : vector<512x128xf32>
    %logistic3A_640 = arith.constant 1.000000e+00 : f32
    %logistic3A_641 = vector.broadcast %logistic3A_640 : f32 to vector<512x128xf32>
    %logistic3A_642 = arith.addf %logistic3A_641, %logistic3A_639 : vector<512x128xf32>
    %logistic3A_643 = arith.divf %logistic3A_641, %logistic3A_642 : vector<512x128xf32>
    %slice3A_644 = vector.extract_strided_slice %add3A_629 {offsets = [0, 256], sizes = [512, 128], strides = [1, 1]} : vector<512x512xf32> to vector<512x128xf32>
    %tanh3A_645 = math.tanh %slice3A_644 : vector<512x128xf32>
    %slice3A_646 = vector.extract_strided_slice %add3A_629 {offsets = [0, 384], sizes = [512, 128], strides = [1, 1]} : vector<512x512xf32> to vector<512x128xf32>
    %logistic3A_647 = arith.negf %slice3A_646 : vector<512x128xf32>
    %logistic3A_648 = math.exp %logistic3A_647 : vector<512x128xf32>
    %logistic3A_649 = arith.constant 1.000000e+00 : f32
    %logistic3A_650 = vector.broadcast %logistic3A_649 : f32 to vector<512x128xf32>
    %logistic3A_651 = arith.addf %logistic3A_650, %logistic3A_648 : vector<512x128xf32>
    %logistic3A_652 = arith.divf %logistic3A_650, %logistic3A_651 : vector<512x128xf32>
    %mul3A_653 = arith.mulf %logistic3A_643, %add3A_603 : vector<512x128xf32>
    %mul3A_654 = arith.mulf %logistic3A_636, %tanh3A_645 : vector<512x128xf32>
    %add3A_655 = arith.addf %mul3A_653, %mul3A_654 : vector<512x128xf32>
    %tanh3A_656 = math.tanh %add3A_655 : vector<512x128xf32>
    %mul3A_657 = arith.mulf %logistic3A_652, %tanh3A_656 : vector<512x128xf32>
    %slice3A_658 = vector.extract_strided_slice %get3A_608 {offsets = [0, 32], sizes = [512, 32], strides = [1, 1]} : vector<512x128xf32> to vector<512x32xf32>
    %slice3A_659 = vector.extract_strided_slice %get3A_611 {offsets = [0, 32], sizes = [512, 32], strides = [1, 1]} : vector<512x128xf32> to vector<512x32xf32>
    %slice3A_660 = vector.extract_strided_slice %get3A_614 {offsets = [0, 32], sizes = [512, 32], strides = [1, 1]} : vector<512x128xf32> to vector<512x32xf32>
    %slice3A_661 = vector.extract_strided_slice %get3A_617 {offsets = [0, 32], sizes = [512, 32], strides = [1, 1]} : vector<512x128xf32> to vector<512x32xf32>
    %concatenate3A_662 = tpu.concatenate %slice3A_658, %slice3A_659, %slice3A_660, %slice3A_661 in 1 : vector<512x32xf32>, vector<512x32xf32>, vector<512x32xf32>, vector<512x32xf32> -> vector<512x128xf32>
    %dot_general3A_663 = arith.constant dense<0.000000e+00> : vector<512x512xf32>
    %dot_general3A_664 = tpu.matmul %concatenate3A_662, %concatenate3A_45, %dot_general3A_663 {dimension_numbers = #tpu.dot_dimension_numbers<[1], [0], [0], [1], [0, 0, 1, 1], [], []>, transpose_lhs_hint = false} : vector<512x128xf32>, vector<128x512xf32>, vector<512x512xf32> -> vector<512x512xf32>
    %dot_general3A_665 = arith.constant dense<0.000000e+00> : vector<512x512xf32>
    %dot_general3A_666 = tpu.matmul %mul3A_657, %concatenate3A_82, %dot_general3A_665 {dimension_numbers = #tpu.dot_dimension_numbers<[1], [0], [0], [1], [0, 0, 1, 1], [], []>, transpose_lhs_hint = false} : vector<512x128xf32>, vector<128x512xf32>, vector<512x512xf32> -> vector<512x512xf32>
    %add3A_667 = arith.addf %dot_general3A_664, %dot_general3A_666 : vector<512x512xf32>
    %add3A_668 = vector.broadcast %get3A_90 : vector<1x512xf32> to vector<512x512xf32>
    %add3A_669 = arith.addf %add3A_667, %add3A_668 : vector<512x512xf32>
    %slice3A_670 = vector.extract_strided_slice %add3A_669 {offsets = [0, 0], sizes = [512, 128], strides = [1, 1]} : vector<512x512xf32> to vector<512x128xf32>
    %logistic3A_671 = arith.negf %slice3A_670 : vector<512x128xf32>
    %logistic3A_672 = math.exp %logistic3A_671 : vector<512x128xf32>
    %logistic3A_673 = arith.constant 1.000000e+00 : f32
    %logistic3A_674 = vector.broadcast %logistic3A_673 : f32 to vector<512x128xf32>
    %logistic3A_675 = arith.addf %logistic3A_674, %logistic3A_672 : vector<512x128xf32>
    %logistic3A_676 = arith.divf %logistic3A_674, %logistic3A_675 : vector<512x128xf32>
    %slice3A_677 = vector.extract_strided_slice %add3A_669 {offsets = [0, 128], sizes = [512, 128], strides = [1, 1]} : vector<512x512xf32> to vector<512x128xf32>
    %logistic3A_678 = arith.negf %slice3A_677 : vector<512x128xf32>
    %logistic3A_679 = math.exp %logistic3A_678 : vector<512x128xf32>
    %logistic3A_680 = arith.constant 1.000000e+00 : f32
    %logistic3A_681 = vector.broadcast %logistic3A_680 : f32 to vector<512x128xf32>
    %logistic3A_682 = arith.addf %logistic3A_681, %logistic3A_679 : vector<512x128xf32>
    %logistic3A_683 = arith.divf %logistic3A_681, %logistic3A_682 : vector<512x128xf32>
    %slice3A_684 = vector.extract_strided_slice %add3A_669 {offsets = [0, 256], sizes = [512, 128], strides = [1, 1]} : vector<512x512xf32> to vector<512x128xf32>
    %tanh3A_685 = math.tanh %slice3A_684 : vector<512x128xf32>
    %slice3A_686 = vector.extract_strided_slice %add3A_669 {offsets = [0, 384], sizes = [512, 128], strides = [1, 1]} : vector<512x512xf32> to vector<512x128xf32>
    %logistic3A_687 = arith.negf %slice3A_686 : vector<512x128xf32>
    %logistic3A_688 = math.exp %logistic3A_687 : vector<512x128xf32>
    %logistic3A_689 = arith.constant 1.000000e+00 : f32
    %logistic3A_690 = vector.broadcast %logistic3A_689 : f32 to vector<512x128xf32>
    %logistic3A_691 = arith.addf %logistic3A_690, %logistic3A_688 : vector<512x128xf32>
    %logistic3A_692 = arith.divf %logistic3A_690, %logistic3A_691 : vector<512x128xf32>
    %mul3A_693 = arith.mulf %logistic3A_683, %add3A_655 : vector<512x128xf32>
    %mul3A_694 = arith.mulf %logistic3A_676, %tanh3A_685 : vector<512x128xf32>
    %add3A_695 = arith.addf %mul3A_693, %mul3A_694 : vector<512x128xf32>
    %tanh3A_696 = math.tanh %add3A_695 : vector<512x128xf32>
    %mul3A_697 = arith.mulf %logistic3A_692, %tanh3A_696 : vector<512x128xf32>
    %slice3A_698 = vector.extract_strided_slice %get3A_608 {offsets = [0, 64], sizes = [512, 32], strides = [1, 1]} : vector<512x128xf32> to vector<512x32xf32>
    %slice3A_699 = vector.extract_strided_slice %get3A_611 {offsets = [0, 64], sizes = [512, 32], strides = [1, 1]} : vector<512x128xf32> to vector<512x32xf32>
    %slice3A_700 = vector.extract_strided_slice %get3A_614 {offsets = [0, 64], sizes = [512, 32], strides = [1, 1]} : vector<512x128xf32> to vector<512x32xf32>
    %slice3A_701 = vector.extract_strided_slice %get3A_617 {offsets = [0, 64], sizes = [512, 32], strides = [1, 1]} : vector<512x128xf32> to vector<512x32xf32>
    %concatenate3A_702 = tpu.concatenate %slice3A_698, %slice3A_699, %slice3A_700, %slice3A_701 in 1 : vector<512x32xf32>, vector<512x32xf32>, vector<512x32xf32>, vector<512x32xf32> -> vector<512x128xf32>
    %dot_general3A_703 = arith.constant dense<0.000000e+00> : vector<512x512xf32>
    %dot_general3A_704 = tpu.matmul %concatenate3A_702, %concatenate3A_45, %dot_general3A_703 {dimension_numbers = #tpu.dot_dimension_numbers<[1], [0], [0], [1], [0, 0, 1, 1], [], []>, transpose_lhs_hint = false} : vector<512x128xf32>, vector<128x512xf32>, vector<512x512xf32> -> vector<512x512xf32>
    %dot_general3A_705 = arith.constant dense<0.000000e+00> : vector<512x512xf32>
    %dot_general3A_706 = tpu.matmul %mul3A_697, %concatenate3A_82, %dot_general3A_705 {dimension_numbers = #tpu.dot_dimension_numbers<[1], [0], [0], [1], [0, 0, 1, 1], [], []>, transpose_lhs_hint = false} : vector<512x128xf32>, vector<128x512xf32>, vector<512x512xf32> -> vector<512x512xf32>
    %add3A_707 = arith.addf %dot_general3A_704, %dot_general3A_706 : vector<512x512xf32>
    %add3A_708 = vector.broadcast %get3A_90 : vector<1x512xf32> to vector<512x512xf32>
    %add3A_709 = arith.addf %add3A_707, %add3A_708 : vector<512x512xf32>
    %slice3A_710 = vector.extract_strided_slice %add3A_709 {offsets = [0, 0], sizes = [512, 128], strides = [1, 1]} : vector<512x512xf32> to vector<512x128xf32>
    %logistic3A_711 = arith.negf %slice3A_710 : vector<512x128xf32>
    %logistic3A_712 = math.exp %logistic3A_711 : vector<512x128xf32>
    %logistic3A_713 = arith.constant 1.000000e+00 : f32
    %logistic3A_714 = vector.broadcast %logistic3A_713 : f32 to vector<512x128xf32>
    %logistic3A_715 = arith.addf %logistic3A_714, %logistic3A_712 : vector<512x128xf32>
    %logistic3A_716 = arith.divf %logistic3A_714, %logistic3A_715 : vector<512x128xf32>
    %slice3A_717 = vector.extract_strided_slice %add3A_709 {offsets = [0, 128], sizes = [512, 128], strides = [1, 1]} : vector<512x512xf32> to vector<512x128xf32>
    %logistic3A_718 = arith.negf %slice3A_717 : vector<512x128xf32>
    %logistic3A_719 = math.exp %logistic3A_718 : vector<512x128xf32>
    %logistic3A_720 = arith.constant 1.000000e+00 : f32
    %logistic3A_721 = vector.broadcast %logistic3A_720 : f32 to vector<512x128xf32>
    %logistic3A_722 = arith.addf %logistic3A_721, %logistic3A_719 : vector<512x128xf32>
    %logistic3A_723 = arith.divf %logistic3A_721, %logistic3A_722 : vector<512x128xf32>
    %slice3A_724 = vector.extract_strided_slice %add3A_709 {offsets = [0, 256], sizes = [512, 128], strides = [1, 1]} : vector<512x512xf32> to vector<512x128xf32>
    %tanh3A_725 = math.tanh %slice3A_724 : vector<512x128xf32>
    %slice3A_726 = vector.extract_strided_slice %add3A_709 {offsets = [0, 384], sizes = [512, 128], strides = [1, 1]} : vector<512x512xf32> to vector<512x128xf32>
    %logistic3A_727 = arith.negf %slice3A_726 : vector<512x128xf32>
    %logistic3A_728 = math.exp %logistic3A_727 : vector<512x128xf32>
    %logistic3A_729 = arith.constant 1.000000e+00 : f32
    %logistic3A_730 = vector.broadcast %logistic3A_729 : f32 to vector<512x128xf32>
    %logistic3A_731 = arith.addf %logistic3A_730, %logistic3A_728 : vector<512x128xf32>
    %logistic3A_732 = arith.divf %logistic3A_730, %logistic3A_731 : vector<512x128xf32>
    %mul3A_733 = arith.mulf %logistic3A_723, %add3A_695 : vector<512x128xf32>
    %mul3A_734 = arith.mulf %logistic3A_716, %tanh3A_725 : vector<512x128xf32>
    %add3A_735 = arith.addf %mul3A_733, %mul3A_734 : vector<512x128xf32>
    %tanh3A_736 = math.tanh %add3A_735 : vector<512x128xf32>
    %mul3A_737 = arith.mulf %logistic3A_732, %tanh3A_736 : vector<512x128xf32>
    %slice3A_738 = vector.extract_strided_slice %get3A_608 {offsets = [0, 96], sizes = [512, 32], strides = [1, 1]} : vector<512x128xf32> to vector<512x32xf32>
    %slice3A_739 = vector.extract_strided_slice %get3A_611 {offsets = [0, 96], sizes = [512, 32], strides = [1, 1]} : vector<512x128xf32> to vector<512x32xf32>
    %slice3A_740 = vector.extract_strided_slice %get3A_614 {offsets = [0, 96], sizes = [512, 32], strides = [1, 1]} : vector<512x128xf32> to vector<512x32xf32>
    %slice3A_741 = vector.extract_strided_slice %get3A_617 {offsets = [0, 96], sizes = [512, 32], strides = [1, 1]} : vector<512x128xf32> to vector<512x32xf32>
    %concatenate3A_742 = tpu.concatenate %slice3A_738, %slice3A_739, %slice3A_740, %slice3A_741 in 1 : vector<512x32xf32>, vector<512x32xf32>, vector<512x32xf32>, vector<512x32xf32> -> vector<512x128xf32>
    %dot_general3A_743 = arith.constant dense<0.000000e+00> : vector<512x512xf32>
    %dot_general3A_744 = tpu.matmul %concatenate3A_742, %concatenate3A_45, %dot_general3A_743 {dimension_numbers = #tpu.dot_dimension_numbers<[1], [0], [0], [1], [0, 0, 1, 1], [], []>, transpose_lhs_hint = false} : vector<512x128xf32>, vector<128x512xf32>, vector<512x512xf32> -> vector<512x512xf32>
    %dot_general3A_745 = arith.constant dense<0.000000e+00> : vector<512x512xf32>
    %dot_general3A_746 = tpu.matmul %mul3A_737, %concatenate3A_82, %dot_general3A_745 {dimension_numbers = #tpu.dot_dimension_numbers<[1], [0], [0], [1], [0, 0, 1, 1], [], []>, transpose_lhs_hint = false} : vector<512x128xf32>, vector<128x512xf32>, vector<512x512xf32> -> vector<512x512xf32>
    %add3A_747 = arith.addf %dot_general3A_744, %dot_general3A_746 : vector<512x512xf32>
    %add3A_748 = vector.broadcast %get3A_90 : vector<1x512xf32> to vector<512x512xf32>
    %add3A_749 = arith.addf %add3A_747, %add3A_748 : vector<512x512xf32>
    %slice3A_750 = vector.extract_strided_slice %add3A_749 {offsets = [0, 0], sizes = [512, 128], strides = [1, 1]} : vector<512x512xf32> to vector<512x128xf32>
    %logistic3A_751 = arith.negf %slice3A_750 : vector<512x128xf32>
    %logistic3A_752 = math.exp %logistic3A_751 : vector<512x128xf32>
    %logistic3A_753 = arith.constant 1.000000e+00 : f32
    %logistic3A_754 = vector.broadcast %logistic3A_753 : f32 to vector<512x128xf32>
    %logistic3A_755 = arith.addf %logistic3A_754, %logistic3A_752 : vector<512x128xf32>
    %logistic3A_756 = arith.divf %logistic3A_754, %logistic3A_755 : vector<512x128xf32>
    %slice3A_757 = vector.extract_strided_slice %add3A_749 {offsets = [0, 128], sizes = [512, 128], strides = [1, 1]} : vector<512x512xf32> to vector<512x128xf32>
    %logistic3A_758 = arith.negf %slice3A_757 : vector<512x128xf32>
    %logistic3A_759 = math.exp %logistic3A_758 : vector<512x128xf32>
    %logistic3A_760 = arith.constant 1.000000e+00 : f32
    %logistic3A_761 = vector.broadcast %logistic3A_760 : f32 to vector<512x128xf32>
    %logistic3A_762 = arith.addf %logistic3A_761, %logistic3A_759 : vector<512x128xf32>
    %logistic3A_763 = arith.divf %logistic3A_761, %logistic3A_762 : vector<512x128xf32>
    %slice3A_764 = vector.extract_strided_slice %add3A_749 {offsets = [0, 256], sizes = [512, 128], strides = [1, 1]} : vector<512x512xf32> to vector<512x128xf32>
    %tanh3A_765 = math.tanh %slice3A_764 : vector<512x128xf32>
    %slice3A_766 = vector.extract_strided_slice %add3A_749 {offsets = [0, 384], sizes = [512, 128], strides = [1, 1]} : vector<512x512xf32> to vector<512x128xf32>
    %logistic3A_767 = arith.negf %slice3A_766 : vector<512x128xf32>
    %logistic3A_768 = math.exp %logistic3A_767 : vector<512x128xf32>
    %logistic3A_769 = arith.constant 1.000000e+00 : f32
    %logistic3A_770 = vector.broadcast %logistic3A_769 : f32 to vector<512x128xf32>
    %logistic3A_771 = arith.addf %logistic3A_770, %logistic3A_768 : vector<512x128xf32>
    %logistic3A_772 = arith.divf %logistic3A_770, %logistic3A_771 : vector<512x128xf32>
    %mul3A_773 = arith.mulf %logistic3A_763, %add3A_735 : vector<512x128xf32>
    %mul3A_774 = arith.mulf %logistic3A_756, %tanh3A_765 : vector<512x128xf32>
    %add3A_775 = arith.addf %mul3A_773, %mul3A_774 : vector<512x128xf32>
    %tanh3A_776 = math.tanh %add3A_775 : vector<512x128xf32>
    %mul3A_777 = arith.mulf %logistic3A_772, %tanh3A_776 : vector<512x128xf32>
    %get3A_778 = arith.constant 0 : index
    %get3A_779 = arith.constant 512 : index
    %get3A_780 = vector.load %arg1[%get3A_778, %get3A_779] : memref<512x2560xf32, #tpu.memory_space<vmem>>, vector<512x128xf32>
    %get3A_781 = arith.constant 0 : index
    %get3A_782 = arith.constant 1152 : index
    %get3A_783 = vector.load %arg1[%get3A_781, %get3A_782] : memref<512x2560xf32, #tpu.memory_space<vmem>>, vector<512x128xf32>
    %get3A_784 = arith.constant 0 : index
    %get3A_785 = arith.constant 1792 : index
    %get3A_786 = vector.load %arg1[%get3A_784, %get3A_785] : memref<512x2560xf32, #tpu.memory_space<vmem>>, vector<512x128xf32>
    %get3A_787 = arith.constant 0 : index
    %get3A_788 = arith.constant 2432 : index
    %get3A_789 = vector.load %arg1[%get3A_787, %get3A_788] : memref<512x2560xf32, #tpu.memory_space<vmem>>, vector<512x128xf32>
    %slice3A_790 = vector.extract_strided_slice %get3A_780 {offsets = [0, 0], sizes = [512, 32], strides = [1, 1]} : vector<512x128xf32> to vector<512x32xf32>
    %slice3A_791 = vector.extract_strided_slice %get3A_783 {offsets = [0, 0], sizes = [512, 32], strides = [1, 1]} : vector<512x128xf32> to vector<512x32xf32>
    %slice3A_792 = vector.extract_strided_slice %get3A_786 {offsets = [0, 0], sizes = [512, 32], strides = [1, 1]} : vector<512x128xf32> to vector<512x32xf32>
    %slice3A_793 = vector.extract_strided_slice %get3A_789 {offsets = [0, 0], sizes = [512, 32], strides = [1, 1]} : vector<512x128xf32> to vector<512x32xf32>
    %concatenate3A_794 = tpu.concatenate %slice3A_790, %slice3A_791, %slice3A_792, %slice3A_793 in 1 : vector<512x32xf32>, vector<512x32xf32>, vector<512x32xf32>, vector<512x32xf32> -> vector<512x128xf32>
    %dot_general3A_795 = arith.constant dense<0.000000e+00> : vector<512x512xf32>
    %dot_general3A_796 = tpu.matmul %concatenate3A_794, %concatenate3A_45, %dot_general3A_795 {dimension_numbers = #tpu.dot_dimension_numbers<[1], [0], [0], [1], [0, 0, 1, 1], [], []>, transpose_lhs_hint = false} : vector<512x128xf32>, vector<128x512xf32>, vector<512x512xf32> -> vector<512x512xf32>
    %dot_general3A_797 = arith.constant dense<0.000000e+00> : vector<512x512xf32>
    %dot_general3A_798 = tpu.matmul %mul3A_777, %concatenate3A_82, %dot_general3A_797 {dimension_numbers = #tpu.dot_dimension_numbers<[1], [0], [0], [1], [0, 0, 1, 1], [], []>, transpose_lhs_hint = false} : vector<512x128xf32>, vector<128x512xf32>, vector<512x512xf32> -> vector<512x512xf32>
    %add3A_799 = arith.addf %dot_general3A_796, %dot_general3A_798 : vector<512x512xf32>
    %add3A_800 = vector.broadcast %get3A_90 : vector<1x512xf32> to vector<512x512xf32>
    %add3A_801 = arith.addf %add3A_799, %add3A_800 : vector<512x512xf32>
    %slice3A_802 = vector.extract_strided_slice %add3A_801 {offsets = [0, 0], sizes = [512, 128], strides = [1, 1]} : vector<512x512xf32> to vector<512x128xf32>
    %logistic3A_803 = arith.negf %slice3A_802 : vector<512x128xf32>
    %logistic3A_804 = math.exp %logistic3A_803 : vector<512x128xf32>
    %logistic3A_805 = arith.constant 1.000000e+00 : f32
    %logistic3A_806 = vector.broadcast %logistic3A_805 : f32 to vector<512x128xf32>
    %logistic3A_807 = arith.addf %logistic3A_806, %logistic3A_804 : vector<512x128xf32>
    %logistic3A_808 = arith.divf %logistic3A_806, %logistic3A_807 : vector<512x128xf32>
    %slice3A_809 = vector.extract_strided_slice %add3A_801 {offsets = [0, 128], sizes = [512, 128], strides = [1, 1]} : vector<512x512xf32> to vector<512x128xf32>
    %logistic3A_810 = arith.negf %slice3A_809 : vector<512x128xf32>
    %logistic3A_811 = math.exp %logistic3A_810 : vector<512x128xf32>
    %logistic3A_812 = arith.constant 1.000000e+00 : f32
    %logistic3A_813 = vector.broadcast %logistic3A_812 : f32 to vector<512x128xf32>
    %logistic3A_814 = arith.addf %logistic3A_813, %logistic3A_811 : vector<512x128xf32>
    %logistic3A_815 = arith.divf %logistic3A_813, %logistic3A_814 : vector<512x128xf32>
    %slice3A_816 = vector.extract_strided_slice %add3A_801 {offsets = [0, 256], sizes = [512, 128], strides = [1, 1]} : vector<512x512xf32> to vector<512x128xf32>
    %tanh3A_817 = math.tanh %slice3A_816 : vector<512x128xf32>
    %slice3A_818 = vector.extract_strided_slice %add3A_801 {offsets = [0, 384], sizes = [512, 128], strides = [1, 1]} : vector<512x512xf32> to vector<512x128xf32>
    %logistic3A_819 = arith.negf %slice3A_818 : vector<512x128xf32>
    %logistic3A_820 = math.exp %logistic3A_819 : vector<512x128xf32>
    %logistic3A_821 = arith.constant 1.000000e+00 : f32
    %logistic3A_822 = vector.broadcast %logistic3A_821 : f32 to vector<512x128xf32>
    %logistic3A_823 = arith.addf %logistic3A_822, %logistic3A_820 : vector<512x128xf32>
    %logistic3A_824 = arith.divf %logistic3A_822, %logistic3A_823 : vector<512x128xf32>
    %mul3A_825 = arith.mulf %logistic3A_815, %add3A_775 : vector<512x128xf32>
    %mul3A_826 = arith.mulf %logistic3A_808, %tanh3A_817 : vector<512x128xf32>
    %add3A_827 = arith.addf %mul3A_825, %mul3A_826 : vector<512x128xf32>
    %tanh3A_828 = math.tanh %add3A_827 : vector<512x128xf32>
    %mul3A_829 = arith.mulf %logistic3A_824, %tanh3A_828 : vector<512x128xf32>
    %slice3A_830 = vector.extract_strided_slice %get3A_780 {offsets = [0, 32], sizes = [512, 32], strides = [1, 1]} : vector<512x128xf32> to vector<512x32xf32>
    %slice3A_831 = vector.extract_strided_slice %get3A_783 {offsets = [0, 32], sizes = [512, 32], strides = [1, 1]} : vector<512x128xf32> to vector<512x32xf32>
    %slice3A_832 = vector.extract_strided_slice %get3A_786 {offsets = [0, 32], sizes = [512, 32], strides = [1, 1]} : vector<512x128xf32> to vector<512x32xf32>
    %slice3A_833 = vector.extract_strided_slice %get3A_789 {offsets = [0, 32], sizes = [512, 32], strides = [1, 1]} : vector<512x128xf32> to vector<512x32xf32>
    %concatenate3A_834 = tpu.concatenate %slice3A_830, %slice3A_831, %slice3A_832, %slice3A_833 in 1 : vector<512x32xf32>, vector<512x32xf32>, vector<512x32xf32>, vector<512x32xf32> -> vector<512x128xf32>
    %dot_general3A_835 = arith.constant dense<0.000000e+00> : vector<512x512xf32>
    %dot_general3A_836 = tpu.matmul %concatenate3A_834, %concatenate3A_45, %dot_general3A_835 {dimension_numbers = #tpu.dot_dimension_numbers<[1], [0], [0], [1], [0, 0, 1, 1], [], []>, transpose_lhs_hint = false} : vector<512x128xf32>, vector<128x512xf32>, vector<512x512xf32> -> vector<512x512xf32>
    %dot_general3A_837 = arith.constant dense<0.000000e+00> : vector<512x512xf32>
    %dot_general3A_838 = tpu.matmul %mul3A_829, %concatenate3A_82, %dot_general3A_837 {dimension_numbers = #tpu.dot_dimension_numbers<[1], [0], [0], [1], [0, 0, 1, 1], [], []>, transpose_lhs_hint = false} : vector<512x128xf32>, vector<128x512xf32>, vector<512x512xf32> -> vector<512x512xf32>
    %add3A_839 = arith.addf %dot_general3A_836, %dot_general3A_838 : vector<512x512xf32>
    %add3A_840 = vector.broadcast %get3A_90 : vector<1x512xf32> to vector<512x512xf32>
    %add3A_841 = arith.addf %add3A_839, %add3A_840 : vector<512x512xf32>
    %slice3A_842 = vector.extract_strided_slice %add3A_841 {offsets = [0, 0], sizes = [512, 128], strides = [1, 1]} : vector<512x512xf32> to vector<512x128xf32>
    %logistic3A_843 = arith.negf %slice3A_842 : vector<512x128xf32>
    %logistic3A_844 = math.exp %logistic3A_843 : vector<512x128xf32>
    %logistic3A_845 = arith.constant 1.000000e+00 : f32
    %logistic3A_846 = vector.broadcast %logistic3A_845 : f32 to vector<512x128xf32>
    %logistic3A_847 = arith.addf %logistic3A_846, %logistic3A_844 : vector<512x128xf32>
    %logistic3A_848 = arith.divf %logistic3A_846, %logistic3A_847 : vector<512x128xf32>
    %slice3A_849 = vector.extract_strided_slice %add3A_841 {offsets = [0, 128], sizes = [512, 128], strides = [1, 1]} : vector<512x512xf32> to vector<512x128xf32>
    %logistic3A_850 = arith.negf %slice3A_849 : vector<512x128xf32>
    %logistic3A_851 = math.exp %logistic3A_850 : vector<512x128xf32>
    %logistic3A_852 = arith.constant 1.000000e+00 : f32
    %logistic3A_853 = vector.broadcast %logistic3A_852 : f32 to vector<512x128xf32>
    %logistic3A_854 = arith.addf %logistic3A_853, %logistic3A_851 : vector<512x128xf32>
    %logistic3A_855 = arith.divf %logistic3A_853, %logistic3A_854 : vector<512x128xf32>
    %slice3A_856 = vector.extract_strided_slice %add3A_841 {offsets = [0, 256], sizes = [512, 128], strides = [1, 1]} : vector<512x512xf32> to vector<512x128xf32>
    %tanh3A_857 = math.tanh %slice3A_856 : vector<512x128xf32>
    %slice3A_858 = vector.extract_strided_slice %add3A_841 {offsets = [0, 384], sizes = [512, 128], strides = [1, 1]} : vector<512x512xf32> to vector<512x128xf32>
    %logistic3A_859 = arith.negf %slice3A_858 : vector<512x128xf32>
    %logistic3A_860 = math.exp %logistic3A_859 : vector<512x128xf32>
    %logistic3A_861 = arith.constant 1.000000e+00 : f32
    %logistic3A_862 = vector.broadcast %logistic3A_861 : f32 to vector<512x128xf32>
    %logistic3A_863 = arith.addf %logistic3A_862, %logistic3A_860 : vector<512x128xf32>
    %logistic3A_864 = arith.divf %logistic3A_862, %logistic3A_863 : vector<512x128xf32>
    %mul3A_865 = arith.mulf %logistic3A_855, %add3A_827 : vector<512x128xf32>
    %mul3A_866 = arith.mulf %logistic3A_848, %tanh3A_857 : vector<512x128xf32>
    %add3A_867 = arith.addf %mul3A_865, %mul3A_866 : vector<512x128xf32>
    %tanh3A_868 = math.tanh %add3A_867 : vector<512x128xf32>
    %mul3A_869 = arith.mulf %logistic3A_864, %tanh3A_868 : vector<512x128xf32>
    %slice3A_870 = vector.extract_strided_slice %get3A_780 {offsets = [0, 64], sizes = [512, 32], strides = [1, 1]} : vector<512x128xf32> to vector<512x32xf32>
    %slice3A_871 = vector.extract_strided_slice %get3A_783 {offsets = [0, 64], sizes = [512, 32], strides = [1, 1]} : vector<512x128xf32> to vector<512x32xf32>
    %slice3A_872 = vector.extract_strided_slice %get3A_786 {offsets = [0, 64], sizes = [512, 32], strides = [1, 1]} : vector<512x128xf32> to vector<512x32xf32>
    %slice3A_873 = vector.extract_strided_slice %get3A_789 {offsets = [0, 64], sizes = [512, 32], strides = [1, 1]} : vector<512x128xf32> to vector<512x32xf32>
    %concatenate3A_874 = tpu.concatenate %slice3A_870, %slice3A_871, %slice3A_872, %slice3A_873 in 1 : vector<512x32xf32>, vector<512x32xf32>, vector<512x32xf32>, vector<512x32xf32> -> vector<512x128xf32>
    %dot_general3A_875 = arith.constant dense<0.000000e+00> : vector<512x512xf32>
    %dot_general3A_876 = tpu.matmul %concatenate3A_874, %concatenate3A_45, %dot_general3A_875 {dimension_numbers = #tpu.dot_dimension_numbers<[1], [0], [0], [1], [0, 0, 1, 1], [], []>, transpose_lhs_hint = false} : vector<512x128xf32>, vector<128x512xf32>, vector<512x512xf32> -> vector<512x512xf32>
    %dot_general3A_877 = arith.constant dense<0.000000e+00> : vector<512x512xf32>
    %dot_general3A_878 = tpu.matmul %mul3A_869, %concatenate3A_82, %dot_general3A_877 {dimension_numbers = #tpu.dot_dimension_numbers<[1], [0], [0], [1], [0, 0, 1, 1], [], []>, transpose_lhs_hint = false} : vector<512x128xf32>, vector<128x512xf32>, vector<512x512xf32> -> vector<512x512xf32>
    %add3A_879 = arith.addf %dot_general3A_876, %dot_general3A_878 : vector<512x512xf32>
    %add3A_880 = vector.broadcast %get3A_90 : vector<1x512xf32> to vector<512x512xf32>
    %add3A_881 = arith.addf %add3A_879, %add3A_880 : vector<512x512xf32>
    %slice3A_882 = vector.extract_strided_slice %add3A_881 {offsets = [0, 0], sizes = [512, 128], strides = [1, 1]} : vector<512x512xf32> to vector<512x128xf32>
    %logistic3A_883 = arith.negf %slice3A_882 : vector<512x128xf32>
    %logistic3A_884 = math.exp %logistic3A_883 : vector<512x128xf32>
    %logistic3A_885 = arith.constant 1.000000e+00 : f32
    %logistic3A_886 = vector.broadcast %logistic3A_885 : f32 to vector<512x128xf32>
    %logistic3A_887 = arith.addf %logistic3A_886, %logistic3A_884 : vector<512x128xf32>
    %logistic3A_888 = arith.divf %logistic3A_886, %logistic3A_887 : vector<512x128xf32>
    %slice3A_889 = vector.extract_strided_slice %add3A_881 {offsets = [0, 128], sizes = [512, 128], strides = [1, 1]} : vector<512x512xf32> to vector<512x128xf32>
    %logistic3A_890 = arith.negf %slice3A_889 : vector<512x128xf32>
    %logistic3A_891 = math.exp %logistic3A_890 : vector<512x128xf32>
    %logistic3A_892 = arith.constant 1.000000e+00 : f32
    %logistic3A_893 = vector.broadcast %logistic3A_892 : f32 to vector<512x128xf32>
    %logistic3A_894 = arith.addf %logistic3A_893, %logistic3A_891 : vector<512x128xf32>
    %logistic3A_895 = arith.divf %logistic3A_893, %logistic3A_894 : vector<512x128xf32>
    %slice3A_896 = vector.extract_strided_slice %add3A_881 {offsets = [0, 256], sizes = [512, 128], strides = [1, 1]} : vector<512x512xf32> to vector<512x128xf32>
    %tanh3A_897 = math.tanh %slice3A_896 : vector<512x128xf32>
    %slice3A_898 = vector.extract_strided_slice %add3A_881 {offsets = [0, 384], sizes = [512, 128], strides = [1, 1]} : vector<512x512xf32> to vector<512x128xf32>
    %logistic3A_899 = arith.negf %slice3A_898 : vector<512x128xf32>
    %logistic3A_900 = math.exp %logistic3A_899 : vector<512x128xf32>
    %logistic3A_901 = arith.constant 1.000000e+00 : f32
    %logistic3A_902 = vector.broadcast %logistic3A_901 : f32 to vector<512x128xf32>
    %logistic3A_903 = arith.addf %logistic3A_902, %logistic3A_900 : vector<512x128xf32>
    %logistic3A_904 = arith.divf %logistic3A_902, %logistic3A_903 : vector<512x128xf32>
    %mul3A_905 = arith.mulf %logistic3A_895, %add3A_867 : vector<512x128xf32>
    %mul3A_906 = arith.mulf %logistic3A_888, %tanh3A_897 : vector<512x128xf32>
    %add3A_907 = arith.addf %mul3A_905, %mul3A_906 : vector<512x128xf32>
    %tanh3A_908 = math.tanh %add3A_907 : vector<512x128xf32>
    %mul3A_909 = arith.mulf %logistic3A_904, %tanh3A_908 : vector<512x128xf32>
    %slice3A_910 = vector.extract_strided_slice %get3A_780 {offsets = [0, 96], sizes = [512, 32], strides = [1, 1]} : vector<512x128xf32> to vector<512x32xf32>
    %slice3A_911 = vector.extract_strided_slice %get3A_783 {offsets = [0, 96], sizes = [512, 32], strides = [1, 1]} : vector<512x128xf32> to vector<512x32xf32>
    %slice3A_912 = vector.extract_strided_slice %get3A_786 {offsets = [0, 96], sizes = [512, 32], strides = [1, 1]} : vector<512x128xf32> to vector<512x32xf32>
    %slice3A_913 = vector.extract_strided_slice %get3A_789 {offsets = [0, 96], sizes = [512, 32], strides = [1, 1]} : vector<512x128xf32> to vector<512x32xf32>
    %concatenate3A_914 = tpu.concatenate %slice3A_910, %slice3A_911, %slice3A_912, %slice3A_913 in 1 : vector<512x32xf32>, vector<512x32xf32>, vector<512x32xf32>, vector<512x32xf32> -> vector<512x128xf32>
    %dot_general3A_915 = arith.constant dense<0.000000e+00> : vector<512x512xf32>
    %dot_general3A_916 = tpu.matmul %concatenate3A_914, %concatenate3A_45, %dot_general3A_915 {dimension_numbers = #tpu.dot_dimension_numbers<[1], [0], [0], [1], [0, 0, 1, 1], [], []>, transpose_lhs_hint = false} : vector<512x128xf32>, vector<128x512xf32>, vector<512x512xf32> -> vector<512x512xf32>
    %dot_general3A_917 = arith.constant dense<0.000000e+00> : vector<512x512xf32>
    %dot_general3A_918 = tpu.matmul %mul3A_909, %concatenate3A_82, %dot_general3A_917 {dimension_numbers = #tpu.dot_dimension_numbers<[1], [0], [0], [1], [0, 0, 1, 1], [], []>, transpose_lhs_hint = false} : vector<512x128xf32>, vector<128x512xf32>, vector<512x512xf32> -> vector<512x512xf32>
    %add3A_919 = arith.addf %dot_general3A_916, %dot_general3A_918 : vector<512x512xf32>
    %add3A_920 = vector.broadcast %get3A_90 : vector<1x512xf32> to vector<512x512xf32>
    %add3A_921 = arith.addf %add3A_919, %add3A_920 : vector<512x512xf32>
    %slice3A_922 = vector.extract_strided_slice %add3A_921 {offsets = [0, 0], sizes = [512, 128], strides = [1, 1]} : vector<512x512xf32> to vector<512x128xf32>
    %logistic3A_923 = arith.negf %slice3A_922 : vector<512x128xf32>
    %logistic3A_924 = math.exp %logistic3A_923 : vector<512x128xf32>
    %logistic3A_925 = arith.constant 1.000000e+00 : f32
    %logistic3A_926 = vector.broadcast %logistic3A_925 : f32 to vector<512x128xf32>
    %logistic3A_927 = arith.addf %logistic3A_926, %logistic3A_924 : vector<512x128xf32>
    %logistic3A_928 = arith.divf %logistic3A_926, %logistic3A_927 : vector<512x128xf32>
    %slice3A_929 = vector.extract_strided_slice %add3A_921 {offsets = [0, 128], sizes = [512, 128], strides = [1, 1]} : vector<512x512xf32> to vector<512x128xf32>
    %logistic3A_930 = arith.negf %slice3A_929 : vector<512x128xf32>
    %logistic3A_931 = math.exp %logistic3A_930 : vector<512x128xf32>
    %logistic3A_932 = arith.constant 1.000000e+00 : f32
    %logistic3A_933 = vector.broadcast %logistic3A_932 : f32 to vector<512x128xf32>
    %logistic3A_934 = arith.addf %logistic3A_933, %logistic3A_931 : vector<512x128xf32>
    %logistic3A_935 = arith.divf %logistic3A_933, %logistic3A_934 : vector<512x128xf32>
    %slice3A_936 = vector.extract_strided_slice %add3A_921 {offsets = [0, 256], sizes = [512, 128], strides = [1, 1]} : vector<512x512xf32> to vector<512x128xf32>
    %tanh3A_937 = math.tanh %slice3A_936 : vector<512x128xf32>
    %slice3A_938 = vector.extract_strided_slice %add3A_921 {offsets = [0, 384], sizes = [512, 128], strides = [1, 1]} : vector<512x512xf32> to vector<512x128xf32>
    %logistic3A_939 = arith.negf %slice3A_938 : vector<512x128xf32>
    %logistic3A_940 = math.exp %logistic3A_939 : vector<512x128xf32>
    %logistic3A_941 = arith.constant 1.000000e+00 : f32
    %logistic3A_942 = vector.broadcast %logistic3A_941 : f32 to vector<512x128xf32>
    %logistic3A_943 = arith.addf %logistic3A_942, %logistic3A_940 : vector<512x128xf32>
    %logistic3A_944 = arith.divf %logistic3A_942, %logistic3A_943 : vector<512x128xf32>
    %mul3A_945 = arith.mulf %logistic3A_935, %add3A_907 : vector<512x128xf32>
    %mul3A_946 = arith.mulf %logistic3A_928, %tanh3A_937 : vector<512x128xf32>
    %add3A_947 = arith.addf %mul3A_945, %mul3A_946 : vector<512x128xf32>
    %tanh3A_948 = math.tanh %add3A_947 : vector<512x128xf32>
    %mul3A_949 = arith.mulf %logistic3A_944, %tanh3A_948 : vector<512x128xf32>
    %dot_general3A_950 = arith.constant dense<0.000000e+00> : vector<512x128xf32>
    %dot_general3A_951 = tpu.matmul %mul3A_949, %concatenate3A_87, %dot_general3A_950 {dimension_numbers = #tpu.dot_dimension_numbers<[1], [0], [0], [1], [0, 0, 1, 1], [], []>, transpose_lhs_hint = false} : vector<512x128xf32>, vector<128x128xf32>, vector<512x128xf32> -> vector<512x128xf32>
    %swap3A = arith.constant 0 : index
    %swap3A_952 = arith.constant 0 : index
    %swap3A_953 = vector.load %arg6[%swap3A, %swap3A_952] : memref<512x128xf32, #tpu.memory_space<vmem>>, vector<512x128xf32>
    tpu.vector_store %arg6[%swap3A, %swap3A_952], %dot_general3A_951 {strides = array<i32>} : memref<512x128xf32, #tpu.memory_space<vmem>>, vector<512x128xf32>,
    return
  }
  func.func @transform_0(%arg0: i32) -> (i32, i32) {
    %c0_i32 = arith.constant 0 : i32
    %c0_i32_0 = arith.constant 0 : i32
    return %arg0, %c0_i32 : i32, i32
  }
  func.func @transform_1(%arg0: i32) -> (i32, i32) {
    %c0_i32 = arith.constant 0 : i32
    %c0_i32_0 = arith.constant 0 : i32
    %c0_i32_1 = arith.constant 0 : i32
    return %c0_i32, %c0_i32_0 : i32, i32
  }
  func.func @transform_2(%arg0: i32) -> (i32, i32) {
    %c0_i32 = arith.constant 0 : i32
    %c0_i32_0 = arith.constant 0 : i32
    %c0_i32_1 = arith.constant 0 : i32
    return %c0_i32, %c0_i32_0 : i32, i32
  }
  func.func @transform_3(%arg0: i32) -> (i32, i32) {
    %c0_i32 = arith.constant 0 : i32
    %c0_i32_0 = arith.constant 0 : i32
    %c0_i32_1 = arith.constant 0 : i32
    return %c0_i32, %c0_i32_0 : i32, i32
  }
  func.func @transform_4(%arg0: i32) -> (i32, i32) {
    %c0_i32 = arith.constant 0 : i32
    %c0_i32_0 = arith.constant 0 : i32
    %c0_i32_1 = arith.constant 0 : i32
    return %c0_i32, %c0_i32_0 : i32, i32
  }
  func.func @transform_5(%arg0: i32) -> (i32, i32) {
    %c0_i32 = arith.constant 0 : i32
    %c0_i32_0 = arith.constant 0 : i32
    return %arg0, %c0_i32 : i32, i32
  }
}

module attributes {stable_mosaic.version = 14 : i64} {
  func.func @_combine_body(%arg0: i32, %arg1: memref<2000x32xf32, #tpu.memory_space<vmem>>, %arg2: memref<2000x32xf32, #tpu.memory_space<vmem>>, %arg3: memref<2x2000x48xf32, #tpu.memory_space<vmem>>, %arg4: memref<1x32xf32, #tpu.memory_space<vmem>>, %arg5: memref<32x32xf32, #tpu.memory_space<vmem>>, %arg6: memref<1x32xf32, #tpu.memory_space<vmem>>, %arg7: memref<2000x32xf32, #tpu.memory_space<vmem>>) attributes {dimension_semantics = [#tpu.dimension_semantics<arbitrary>], iteration_bounds = array<i64: 5>, scalar_prefetch = 0 : i64, scratch_operands = 0 : i64, tpu.core_type = #tpu.core_type<tc>, window_params = [{transform_indices = @transform_0, window_bounds = array<i64: 2000, 32>}, {transform_indices = @transform_1, window_bounds = array<i64: 2000, 32>}, {transform_indices = @transform_2, window_bounds = array<i64: 2, 2000, 48>}, {pipeline_mode = #tpu.pipeline_mode<synchronous>, transform_indices = @transform_3, window_bounds = array<i64: 1, 32>}, {pipeline_mode = #tpu.pipeline_mode<synchronous>, transform_indices = @transform_4, window_bounds = array<i64: 32, 32>}, {pipeline_mode = #tpu.pipeline_mode<synchronous>, transform_indices = @transform_5, window_bounds = array<i64: 1, 32>}, {transform_indices = @transform_6, window_bounds = array<i64: 2000, 32>}]} {
    %get3A = arith.constant 0 : index
    %get3A_0 = arith.constant 0 : index
    %get3A_1 = arith.constant 0 : index
    %get3A_2 = vector.load %arg3[%get3A, %get3A_0, %get3A_1] : memref<2x2000x48xf32, #tpu.memory_space<vmem>>, vector<1x2000x32xf32>
    %get3A_3 = vector.shape_cast %get3A_2 : vector<1x2000x32xf32> to vector<2000x32xf32>
    %get3A_4 = arith.constant 1 : index
    %get3A_5 = arith.constant 0 : index
    %get3A_6 = arith.constant 0 : index
    %get3A_7 = vector.load %arg3[%get3A_4, %get3A_5, %get3A_6] : memref<2x2000x48xf32, #tpu.memory_space<vmem>>, vector<1x2000x32xf32>
    %get3A_8 = vector.shape_cast %get3A_7 : vector<1x2000x32xf32> to vector<2000x32xf32>
    %add3A = arith.addf %get3A_3, %get3A_8 : vector<2000x32xf32>
    %get3A_9 = arith.constant 0 : index
    %get3A_10 = arith.constant 0 : index
    %get3A_11 = arith.constant 32 : index
    %get3A_12 = vector.load %arg3[%get3A_9, %get3A_10, %get3A_11] : memref<2x2000x48xf32, #tpu.memory_space<vmem>>, vector<1x2000x1xf32>
    %get3A_13 = vector.shape_cast %get3A_12 : vector<1x2000x1xf32> to vector<2000x1xf32>
    %get3A_14 = arith.constant 1 : index
    %get3A_15 = arith.constant 0 : index
    %get3A_16 = arith.constant 32 : index
    %get3A_17 = vector.load %arg3[%get3A_14, %get3A_15, %get3A_16] : memref<2x2000x48xf32, #tpu.memory_space<vmem>>, vector<1x2000x1xf32>
    %get3A_18 = vector.shape_cast %get3A_17 : vector<1x2000x1xf32> to vector<2000x1xf32>
    %add3A_19 = arith.addf %get3A_13, %get3A_18 : vector<2000x1xf32>
    %max3A = arith.constant 1.000000e+00 : f32
    %max3A_20 = vector.broadcast %max3A : f32 to vector<2000x1xf32>
    %max3A_21 = arith.maximumf %add3A_19, %max3A_20 : vector<2000x1xf32>
    %div3A = vector.broadcast %max3A_21 : vector<2000x1xf32> to vector<2000x32xf32>
    %div3A_22 = arith.divf %add3A, %div3A : vector<2000x32xf32>
    %get3A_23 = arith.constant 0 : index
    %get3A_24 = arith.constant 0 : index
    %get3A_25 = vector.load %arg4[%get3A_23, %get3A_24] : memref<1x32xf32, #tpu.memory_space<vmem>>, vector<1x32xf32>
    %get3A_26 = arith.constant 0 : index
    %get3A_27 = arith.constant 0 : index
    %get3A_28 = vector.load %arg5[%get3A_26, %get3A_27] : memref<32x32xf32, #tpu.memory_space<vmem>>, vector<32x32xf32>
    %dot_general3A = arith.constant dense<0.000000e+00> : vector<1x32xf32>
    %dot_general3A_29 = tpu.matmul %get3A_25, %get3A_28, %dot_general3A {dimension_numbers = #tpu.dot_dimension_numbers<[1], [1], [0], [0], [0, 0, 1, 0], [], []>, transpose_lhs_hint = false} : vector<1x32xf32>, vector<32x32xf32>, vector<1x32xf32> -> vector<1x32xf32>
    %get3A_30 = arith.constant 0 : index
    %get3A_31 = arith.constant 0 : index
    %get3A_32 = vector.load %arg1[%get3A_30, %get3A_31] : memref<2000x32xf32, #tpu.memory_space<vmem>>, vector<2000x32xf32>
    %add3A_33 = arith.addf %get3A_32, %div3A_22 : vector<2000x32xf32>
    %get3A_34 = arith.constant 0 : index
    %get3A_35 = arith.constant 0 : index
    %get3A_36 = vector.load %arg2[%get3A_34, %get3A_35] : memref<2000x32xf32, #tpu.memory_space<vmem>>, vector<2000x32xf32>
    %add3A_37 = arith.addf %add3A_33, %get3A_36 : vector<2000x32xf32>
    %add3A_38 = vector.broadcast %dot_general3A_29 : vector<1x32xf32> to vector<2000x32xf32>
    %add3A_39 = arith.addf %add3A_37, %add3A_38 : vector<2000x32xf32>
    %get3A_40 = arith.constant 0 : index
    %get3A_41 = arith.constant 0 : index
    %get3A_42 = vector.load %arg6[%get3A_40, %get3A_41] : memref<1x32xf32, #tpu.memory_space<vmem>>, vector<1x32xf32>
    %add3A_43 = vector.broadcast %get3A_42 : vector<1x32xf32> to vector<2000x32xf32>
    %add3A_44 = arith.addf %add3A_39, %add3A_43 : vector<2000x32xf32>
    %swap3A = arith.constant 0 : index
    %swap3A_45 = arith.constant 0 : index
    %swap3A_46 = vector.load %arg7[%swap3A, %swap3A_45] : memref<2000x32xf32, #tpu.memory_space<vmem>>, vector<2000x32xf32>
    tpu.vector_store %arg7[%swap3A, %swap3A_45], %add3A_44 {strides = array<i32>} : memref<2000x32xf32, #tpu.memory_space<vmem>>, vector<2000x32xf32>,
    return
  }
  func.func @transform_0(%arg0: i32) -> (i32, i32) {
    %c0_i32 = arith.constant 0 : i32
    %c0_i32_0 = arith.constant 0 : i32
    return %arg0, %c0_i32 : i32, i32
  }
  func.func @transform_1(%arg0: i32) -> (i32, i32) {
    %c0_i32 = arith.constant 0 : i32
    %c0_i32_0 = arith.constant 0 : i32
    return %arg0, %c0_i32 : i32, i32
  }
  func.func @transform_2(%arg0: i32) -> (i32, i32, i32) {
    %c0_i32 = arith.constant 0 : i32
    %c0_i32_0 = arith.constant 0 : i32
    %c0_i32_1 = arith.constant 0 : i32
    return %c0_i32, %arg0, %c0_i32_0 : i32, i32, i32
  }
  func.func @transform_3(%arg0: i32) -> (i32, i32) {
    %c0_i32 = arith.constant 0 : i32
    %c0_i32_0 = arith.constant 0 : i32
    %c0_i32_1 = arith.constant 0 : i32
    return %c0_i32, %c0_i32_0 : i32, i32
  }
  func.func @transform_4(%arg0: i32) -> (i32, i32) {
    %c0_i32 = arith.constant 0 : i32
    %c0_i32_0 = arith.constant 0 : i32
    %c0_i32_1 = arith.constant 0 : i32
    return %c0_i32, %c0_i32_0 : i32, i32
  }
  func.func @transform_5(%arg0: i32) -> (i32, i32) {
    %c0_i32 = arith.constant 0 : i32
    %c0_i32_0 = arith.constant 0 : i32
    %c0_i32_1 = arith.constant 0 : i32
    return %c0_i32, %c0_i32_0 : i32, i32
  }
  func.func @transform_6(%arg0: i32) -> (i32, i32) {
    %c0_i32 = arith.constant 0 : i32
    %c0_i32_0 = arith.constant 0 : i32
    return %arg0, %c0_i32 : i32, i32
  }
}

</mosaic_0001>

<sc_bundles>
// kernel: kernel.6.cloned.1.call-start
scs
__scs_entry_jumppad:
0x0: {  	(pc) =	sbr.rel $0x88, $3  }
0x1: {  	(tag) =	ssettag $0x0;
	lr =	simm.s32 $0x1  }
0x2: {  	[smem:$0x3F95] =	sst lr;
	_ =	strace $0xD0000000  }
0x3: {  	_ = 	snop  }
0x4: {  	_ = 	snop  }
0x5: {  	_ = 	snop  }
0x6: {  	_ = 	snop  }
0x7: {  	_ = 	snop  }
__scs_overlays_trampoline_lowered:
0x8: {  	[smem:$0x3FA4] =	sst s0  }
0x9: {  	[smem:$0x3FA5] =	sst s1  }
0xa: {  	[smem:$0x3FA6] =	sst s2  }
0xb: {  	[smem:$0x3FA7] =	sst s3  }
0xc: {  	[smem:$0x3FA8] =	sst s4  }
0xd: {  	[smem:$0x3FA9] =	sst s5  }
0xe: {  	[smem:$0x3FAA] =	sst s6  }
0xf: {  	[smem:$0x3FAB] =	sst s7  }
0x10: {  	[smem:$0x3FAC] =	sst s8  }
0x11: {  	[smem:$0x3FAD] =	sst s9;
	s0 =	simm.s32 @!p0 $0x0  }
0x12: {  	s1 =	sld [smem:$0x3F93];
	s0 =	simm.s32 @p0 $0x1  }
0x13: {  	[smem:$0x3FAE] =	sst s0;
	s0 =	simm.s32 @!p1 $0x0  }
0x14: {  	s2 =	sld [smem:$0x3F92];
	s0 =	simm.s32 @p1 $0x1  }
0x15: {  	[smem:$0x3FAF] =	sst s0;
	s0 =	simm.s32 @!p2 $0x0  }
0x16: {  	s3 =	sld [smem:$0x3FDB];
	s0 =	simm.s32 @p2 $0x1  }
0x17: {  	s4 =	simm.s32 $0x1BF5;
	[smem:$0x3FB1] =	sst s0  }
0x18: {  	s0 =	sld [smem:$0x3F94];
	_ =	swait.ge [sflag:s4], $0x0  }
0x19: {  	s7 =	sld [smem:$0x3F95]  }
0x1a: {  	s8 =	sadd.s32 $0xFFFFE003, lr  }
0x1b: {  	s9 =	sadd.s32 $0xFFFFFEF7, lr;
	s5 =	simm.s32 $0xFFFFFFFF;
	p2 =	slt.u32 s8, $0xFFFFF086  }
0x1c: {  	p1 =	slt.u32 s9, $0xF7A;
	s5 =	simm.s32 @!p2 $0x0  }
0x1d: {  	s5 =	simm.s32 @p1 $0x1;
	p0 =	seq.s32 s7, s2  }
0x1e: {  	s7 =	smul.u32 @!p0 $0xF7A, s2;
	p2 =	seq.s32 @!p0 s5, $0x0  }
0x1f: {  	s9 =	smul.u32 $0xF7A, s1;
	s8 =	simm.s32 @!p0 $0x1BF5;
	p2 =	por !p2, p0  }
0x20: {  	[sflag:s8] =	ssyncset.s32 @!p0 $0xFFFFF086;
	s6 =	sadd.s32 @!p0 s3, s7;
	s7 =	simm.s32 @!p0 $0x108  }
0x21: {  	s3 =	sadd.s32 s3, s9;
	s6 =	sadd.s32 @!p0 $0x88, s6;
	s7 =	simm.s32 @p2 $0x1082  }
0x22: {  	[simem:s7], [sflag:s8] =	dma.local @!p0 [hbm:s6], $0xF7A  }
0x23: {  	s9 =	sor.u32 $0xD0000000, s2;
	s6 =	simm.s32 $0x108;
	_ =	swait.ge @!p0 [sflag:s8], $0x0  }
0x24: {  	s3 =	sadd.s32 $0x88, s3;
	s6 =	simm.s32 @!p1 $0x1082;
	[sflag:s4] =	ssyncset.s32 $0xFFFFF086  }
0x25: {  	[simem:s6], [sflag:s4] =	dma.local [hbm:s3], $0xF7A  }
0x26: {  	[smem:$0x3F95] =	sst s1;
	(tag) =	ssettag s2;
	_ =	strace s9  }
0x27: {  	s1 =	sld [smem:$0x3FA5]  }
0x28: {  	s2 =	sld [smem:$0x3FA6]  }
0x29: {  	s4 =	sld [smem:$0x3FA8]  }
0x2a: {  	p0 =	seq.s32 s5, $0x0;
	s5 =	sld [smem:$0x3FA9]  }
0x2b: {  	s6 =	sld [smem:$0x3FAA]  }
0x2c: {  	s7 =	sld [smem:$0x3FAB]  }
0x2d: {  	s3 =	simm.s32 $0x108;
	s8 =	sld [smem:$0x3FAC]  }
0x2e: {  	s3 =	simm.s32 @!p0 $0x1082;
	s9 =	sld [smem:$0x3FAD]  }
0x2f: {  	lr =	sadd.s32 s0, s3;
	s0 =	sld [smem:$0x3FA4]  }
0x30: {  	s3 =	sld [smem:$0x3FA7]  }
0x31: {  	[smem:$0x3FB0] =	sst s10  }
0x32: {  	s10 =	sld [smem:$0x3FAE];
	_ =	sdelay $0x3  }
0x33: {  	p0 =	seq.s32 s10, $0x1;
	s10 =	sld [smem:$0x3FB0];
	_ =	sdelay $0x3  }
0x34: {  	[smem:$0x3FB0] =	sst s10  }
0x35: {  	s10 =	sld [smem:$0x3FAF];
	_ =	sdelay $0x3  }
0x36: {  	p1 =	seq.s32 s10, $0x1;
	s10 =	sld [smem:$0x3FB0];
	_ =	sdelay $0x3  }
0x37: {  	[smem:$0x3FB0] =	sst s10  }
0x38: {  	s10 =	sld [smem:$0x3FB1]  }
0x39: {  	_ = 	snop;
	(pc) =	sbr.ind lr, $3  }
0x3a: {  	_ = 	snop  }
0x3b: {  	_ = 	snop  }
0x3c: {  	p2 =	seq.s32 s10, $0x1;
	s10 =	sld [smem:$0x3FB0]  }
0x3d: {  	_ =	shalt  }
0x3e: {  	_ =	shalt  }
0x3f: {  	_ =	shalt  }
0x40: {  	_ =	shalt  }
0x41: {  	_ =	shalt  }
0x42: {  	_ =	shalt  }
0x43: {  	_ =	shalt  }
0x44: {  	_ =	shalt  }
0x45: {  	_ =	shalt  }
0x46: {  	_ =	shalt  }
0x47: {  	_ =	shalt  }
0x48: {  	_ =	shalt  }
0x49: {  	_ =	shalt  }
0x4a: {  	_ =	shalt  }
0x4b: {  	_ =	shalt  }
0x4c: {  	_ =	shalt  }
0x4d: {  	_ =	shalt  }
0x4e: {  	_ =	shalt  }
0x4f: {  	_ =	shalt  }
0x50: {  	_ =	shalt  }
0x51: {  	_ =	shalt  }
0x52: {  	_ =	shalt  }
0x53: {  	_ =	shalt  }
0x54: {  	_ =	shalt  }
0x55: {  	_ =	shalt  }
0x56: {  	_ =	shalt  }
0x57: {  	_ =	shalt  }
0x58: {  	_ =	shalt  }
0x59: {  	_ =	shalt  }
0x5a: {  	_ =	shalt  }
0x5b: {  	_ =	shalt  }
0x5c: {  	_ =	shalt  }
0x5d: {  	_ =	shalt  }
0x5e: {  	_ =	shalt  }
0x5f: {  	_ =	shalt  }
0x60: {  	_ =	shalt  }
0x61: {  	_ =	shalt  }
0x62: {  	_ =	shalt  }
0x63: {  	_ =	shalt  }
0x64: {  	_ =	shalt  }
0x65: {  	_ =	shalt  }
0x66: {  	_ =	shalt  }
0x67: {  	_ =	shalt  }
0x68: {  	_ =	shalt  }
0x69: {  	_ =	shalt  }
0x6a: {  	_ =	shalt  }
0x6b: {  	_ =	shalt  }
0x6c: {  	_ =	shalt  }
0x6d: {  	_ =	shalt  }
0x6e: {  	_ =	shalt  }
0x6f: {  	_ =	shalt  }
0x70: {  	_ =	shalt  }
0x71: {  	_ =	shalt  }
0x72: {  	_ =	shalt  }
0x73: {  	_ =	shalt  }
0x74: {  	_ =	shalt  }
0x75: {  	_ =	shalt  }
0x76: {  	_ =	shalt  }
0x77: {  	_ =	shalt  }
0x78: {  	_ =	shalt  }
0x79: {  	_ =	shalt  }
0x7a: {  	_ =	shalt  }
0x7b: {  	_ =	shalt  }
0x7c: {  	_ =	shalt  }
0x7d: {  	_ =	shalt  }
0x7e: {  	_ =	shalt  }
0x7f: {  	_ =	shalt  }
0x80: {  	_ =	shalt  }
0x81: {  	_ =	shalt  }
0x82: {  	_ =	shalt  }
0x83: {  	_ =	shalt  }
0x84: {  	_ =	shalt  }
0x85: {  	_ =	shalt  }
0x86: {  	_ =	shalt  }
0x87: {  	_ =	shalt  }
.Lfunc_end0:
.L_simem_size_0:
called_computation_lowered:
.L_overlay_start_0:
0x88: {  	s2 =	sld [smem:$0x3FD9]  }
0x89: {  	s3 =	sld [smem:$0x3FFE];
	_ =	sdelay $0x1  }
0x8a: {  	s1 =	srdreg.scid  }
0x8b: {  	s0 =	sand.u32 $0x1, s1  }
0x8c: {  	s17 =	sshll.u32 s0, $0xA;
	s2 =	sadd.s32 s3, s2  }
0x8d: {  	s2 =	sadd.s32 s2, s17  }
0x8e: {  	[smem:$0x3FBC] =	sst s2  }
0x8f: {  	_ = 	snop  }
0x90: {  	s2 =	sld [smem:$0x3FD0];
	(tm) =	ssettm $0x1  }
0x91: {  	s18 =	sld [smem:$0x3FFB];
	_ =	sdelay $0x3  }
0x92: {  	_ =	strace s18  }
0x93: {  	s3 =	sld [smem:$0x3FFC];
	_ =	sdelay $0x3  }
0x94: {  	_ =	strace s3  }
0x95: {  	s3 =	sld [smem:$0x3FFD];
	_ =	sdelay $0x3  }
0x96: {  	_ =	strace s3  }
0x97: {  	_ =	strace $0x8FFFFFFF  }
0x98: {  	s19 =	sld [smem:$0x3FDB];
	_ =	sdelay $0x1  }
0x99: {  	s4 =	simm.s32 $_scs_section_size  }
0x9a: {  	s5 =	simm.s32 $_size__tile_overlayer_lowered;
	s6 =	simm.s32 $_tile_overlayer_lowered  }
0x9b: {  	s22 =	simm.s32 $0x1BFF;
	s21 =	sshll.u32 s6, $0x1;
	s3 =	sadd.s32 s4, s19  }
0x9c: {  	s7 =	simm.s32 $0x0;
	s20 =	sshll.u32 s5, $0x1;
	s5 =	sadd.s32 s21, s3  }
0x9d: {  	[timem:s7], [sflag:s22] =	dma.local [hbm:s5], s20  }
0x9e: {  	_ =	swait.ge [sflag:s22], s20  }
0x9f: {  	s4 =	ssub.s32 $0x0, s20;
	[sflag:s22] =	ssyncset.done $0x0  }
0xa0: {  	[sflag:s22] =	ssyncadd.s32 s4;
	_ =	sdelay $0x1  }
0xa1: {  	s23 =	simm.s32 $0x1B8B  }
0xa2: {  	_ =	swait.ge [sflag:s23], $0x1  }
0xa3: {  	[sflag:s23] =	ssyncset.done $0x0  }
0xa4: {  	s25 =	simm.s32 $0x1B8E;
	s24 =	sld [smem:$0x3FFE];
	[sflag:s23] =	ssyncadd.s32 $0xFFFFFFFF  }
0xa5: {  	s26 =	simm.s32 $execute0_lowered;
	[smem:$0x3FD2] =	sst s25  }
0xa6: {  	s5 =	sshll.u32 s26, $0x1;
	_ =	strace $0x80000046;
	[dreg:$0x1] =	wrdreg $0xFFFFFFFF  }
0xa7: {  	s28 =	simm.s32 $_size_execute0_lowered;
	s3 =	sadd.s32 s3, s5;
	[dreg:$0x0] =	wrdreg $0x0  }
0xa8: {  	s5 =	sshll.u32 s28, $0x1;
	[dreg:$0x2] =	wrdreg s3  }
0xa9: {  	[dreg:$0x3] =	wrdreg s5  }
0xaa: {  	[dreg:$0x4] =	wrdreg $0xC0  }
0xab: {  	_ =	task [dreg:s7], $0x5FFFF  }
0xac: {  	[dreg:$0x1] =	wrdreg $0xFFFFFFFF  }
0xad: {  	[dreg:$0x0] =	wrdreg $0x60  }
0xae: {  	[dreg:$0x2] =	wrdreg s24  }
0xaf: {  	[dreg:$0x3] =	wrdreg s2  }
0xb0: {  	[dreg:$0x4] =	wrdreg $0x17A200  }
0xb1: {  	[dreg:$0x5] =	wrdreg $0x9  }
0xb2: {  	_ =	task.clear_ibuf [dreg:s7], $0x6FFFF;
	_ =	strace $0x90000046  }
0xb3: {  	s29 =	simm.s32 $0x9;
	_ =	strace $0x80000048  }
0xb4: {  	_ =	swait.ge [sflag:s29], $0x1  }
0xb5: {  	[sflag:s29] =	ssyncadd.s32 $0xFFFFFFFF  }
0xb6: {  	_ =	strace $0x90000048  }
0xb7: {  	_ =	sfence  }
0xb8: {  	s30 =	sld [smem:$0x0];
	_ =	sdelay $0x2  }
0xb9: {  	s31 =	sshll.u32 s1, $0xD;
	s1 =	sshrl.u32 s1, $0x2  }
0xba: {  	s3 =	sand.u32 $0x4000, s31;
	s1 =	sadd.s32 s1, s30  }
0xbb: {  	s0 =	sor.u32 s3, s0;
	s1 =	sshll.u32 s1, $0x11  }
0xbc: {  	s0 =	sor.u32 s1, s0  }
0xbd: {  	s0 =	sadd.s32 $0x8F2B, s0  }
0xbe: {  	[sflag:s0] =	ssyncadd.remote.s32 $0x1  }
0xbf: {  	_ =	sfence.sel $0xFFFF  }
0xc0: {  	[dreg:$0x0] =	wrdreg $0xFFFFFFFF;
	(pc) =	sbr.abs _section_cstart, $3  }
0xc1: {  	[dreg:$0x1] =	wrdreg $0xFFFFFFFF  }
0xc2: {  	_ =	task.clear_ibuf [dreg:s7], $0x2FFFF;
	_ =	strace $0x9FFFFFFF  }
0xc3: {  	(tm) =	ssettm $0x7FFFFFFF  }
tec
execute0_lowered:
.L_overlay_start_1:
0x0: {  	(tag) =	ssettag $0x1  }
0x1: {  	s4 =	rddreg [dreg:$0x0]  }
0x2: {  	s2 =	rddreg [dreg:$0x1]  }
0x3: {  	[dreg:$0x4] =	wrdreg s2  }
0x4: {  	s28 =	simm.s32 $0x0;
	s2 =	rddreg [dreg:$0x2]  }
0x5: {  	s8 =	simm.s32 $0x4B0;
	[smem:$0x7FF] =	sst s28  }
0x6: {  	s9 =	simm.s32 $0x28A0;
	_ =	strace $0x80000047;
	[dreg:$0xa] =	wrdreg s8  }
0x7: {  	s10 =	simm.s32 $0x640;
	[dreg:$0xb] =	wrdreg s9  }
0x8: {  	s11 =	simm.s32 $0x2A30;
	[dreg:$0xc] =	wrdreg s10  }
0x9: {  	s12 =	simm.s32 $0x7D0;
	[dreg:$0xd] =	wrdreg s11  }
0xa: {  	s13 =	simm.s32 $0x2BC0;
	[dreg:$0xe] =	wrdreg s12  }
0xb: {  	s14 =	simm.s32 $0x960;
	[dreg:$0xf] =	wrdreg s13  }
0xc: {  	s15 =	simm.s32 $0x2D50;
	[dreg:$0x10] =	wrdreg s14  }
0xd: {  	s16 =	simm.s32 $0xAF0;
	[dreg:$0x11] =	wrdreg s15  }
0xe: {  	s17 =	simm.s32 $0x2EE0;
	[dreg:$0x12] =	wrdreg s16  }
0xf: {  	s0 =	srdreg.scid;
	s18 =	simm.s32 $0xC80;
	[dreg:$0x13] =	wrdreg s17  }
0x10: {  	s19 =	stileid.u32;
	s20 =	simm.s32 $0x3070;
	[dreg:$0x14] =	wrdreg s18  }
0x11: {  	s21 =	simm.s32 $0xE10;
	s22 =	simm.s32 $0x3200;
	[dreg:$0x15] =	wrdreg s20  }
0x12: {  	s23 =	simm.s32 $0xFA0;
	s24 =	simm.s32 $0x3390;
	[dreg:$0x16] =	wrdreg s21  }
0x13: {  	s25 =	simm.s32 $0x1130;
	s26 =	simm.s32 $0x3520;
	[dreg:$0x17] =	wrdreg s22  }
0x14: {  	s30 =	simm.s32 $0x9;
	s29 =	simm.s32 $0x2710;
	[dreg:$0x18] =	wrdreg s23  }
0x15: {  	p1 =	por $0x0, $0x0;
	s1 =	sand.u32 $0x1, s0;
	[dreg:$0x19] =	wrdreg s24  }
0x16: {  	s3 =	sshll.u32 s19, $0x1;
	s6 =	smul.u32 $0x2EE00, s19;
	[dreg:$0x1a] =	wrdreg s25  }
0x17: {  	p0 =	sgt.u32 s19, $0x9;
	[dreg:$0x1b] =	wrdreg s26;
	s8 =	simm.s32 $0x1450  }
0x18: {  	s0 =	sor.u32 s1, s3;
	s9 =	simm.s32 $0x3840;
	[dreg:$0x1e] =	wrdreg s8  }
0x19: {  	s5 =	smul.u32 $0x75300, s1;
	s10 =	simm.s32 $0x15E0;
	[dreg:$0x1f] =	wrdreg s9  }
0x1a: {  	s3 =	smul.u32 $0xBB80, s19;
	s11 =	simm.s32 $0x39D0;
	[smem:$0x7EE] =	sst s10  }
0x1b: {  	s1 =	ssub.s32 $0x2, s1;
	s12 =	simm.s32 $0x1770;
	[smem:$0x7EF] =	sst s11  }
0x1c: {  	s13 =	simm.s32 $0x3B60;
	s14 =	simm.s32 $0x1900;
	[smem:$0x7F0] =	sst s12  }
0x1d: {  	s16 =	simm.s32 $0x3CF0;
	s17 =	simm.s32 $0x1A90;
	[smem:$0x7F1] =	sst s13  }
0x1e: {  	s18 =	simm.s32 $0x3E80;
	s20 =	simm.s32 $0x1C20;
	[smem:$0x7F2] =	sst s14  }
0x1f: {  	s21 =	simm.s32 $0x4010;
	s22 =	simm.s32 $0x1DB0;
	[smem:$0x7F3] =	sst s16  }
0x20: {  	s23 =	simm.s32 $0x41A0;
	s24 =	simm.s32 $0x1F40;
	[smem:$0x7F4] =	sst s17  }
0x21: {  	s25 =	simm.s32 $0x4330;
	s26 =	simm.s32 $0x20D0;
	[smem:$0x7F5] =	sst s18  }
0x22: {  	s0 =	smul.u32 $0x2710, s0;
	s6 =	sshrl.u32 s6, $0x2;
	[smem:$0x7F6] =	sst s20  }
0x23: {  	s31 =	sshrl.u32 s1, $0x1;
	s11 =	simm.s32 $0x9920;
	[smem:$0x7F7] =	sst s21  }
0x24: {  	s9 =	simm.s32 $0xE420;
	s8 =	simm.s32 $0x1;
	[smem:$0x7F8] =	sst s22  }
0x25: {  	s10 =	simm.s32 $0x12F20;
	s17 =	simm.s32 $0x2;
	[smem:$0x7F9] =	sst s23  }
0x26: {  	s16 =	simm.s32 $0x3;
	s12 =	simm.s32 $0x6;
	[smem:$0x7FA] =	sst s24  }
0x27: {  	s18 =	simm.s32 $0x4;
	[smem:$0x7FB] =	sst s25;
	s13 =	simm.s32 $0x7  }
0x28: {  	[smem:$0x7FC] =	sst s26;
	s14 =	simm.s32 $0x8;
	s24 =	simm.s32 $0x2260  }
0x29: {  	s26 =	simm.s32 $0x4650;
	s25 =	simm.s32 $0x47E0;
	s23 =	simm.s32 $0x2580  }
0x2a: {  	s22 =	simm.s32 $0x4970;
	s21 =	simm.s32 $0x4B00;
	s20 =	simm.s32 $0x4C90  }
0x2b: {  	s5 =	sadd.s32 s3, s5;
	s6 =	sadd.s32 s6, s2;
	s1 =	ssub.s32 s1, s31  }
0x2c: {  	s15 =	sadd.s32 s3, s2;
	s3 =	sshll.u32 @!p0 s19, $0x6;
	s0 =	sshrl.u32 s0, $0x3  }
0x2d: {  	s31 =	simm.s32 $0x44C0;
	s5 =	sshrl.u32 s5, $0x3;
	s0 =	sadd.s32 s0, s4  }
0x2e: {  	s1 =	smax.u32 s1, $0x1;
	[smem:$0x7FD] =	sst s31;
	s7 =	sadd.s32 $0x10A00, s0  }
0x2f: {  	s5 =	sadd.s32 s5, s4;
	s0 =	sadd.s32 $0x1A640, s0;
	[dreg:$0x5] =	wrdreg s7  }
0x30: {  	s1 =	sadd.s32 $0xFFFFFFFF, s1;
	s5 =	sadd.s32 $0x24400, s5;
	[dreg:$0x6] =	wrdreg s0  }
0x31: {  	p2 =	sne.s32 s1, $0x0;
	[dreg:$0x7] =	wrdreg s5;
	s0 =	sshrl.u32 @!p0 s6, $0x3  }
.Ltmp0:
0x32: {  	s7 =	simm.s32 $0x320;
	[dreg:$0x8] =	wrdreg s0;
	(pc) =	sbr.rel @!p2 .LBB2_1-.Ltmp0, $4  }
0x33: {  	s3 =	sor.u32 @!p0 $0x1C09, s3;
	s6 =	simm.s32 $0x12C0;
	[dreg:$0x9] =	wrdreg s7  }
0x34: {  	s15 =	sshrl.u32 @!p0 s15, $0x3;
	s4 =	sadd.s32 $0x1E00, s4;
	[dreg:$0x1c] =	wrdreg s6  }
0x35: {  	s5 =	simm.s32 $0x190;
	s7 =	simm.s32 $0x36B0;
	s0 =	rddreg [dreg:$0x4]  }
0x36: {  	s6 =	simm.s32 $0x4E20;
	[dreg:$0x1d] =	wrdreg s7;
	s7 =	simm.s32 $0x5  }
0x37: {  	s31 =	rddreg [dreg:$0x8]  }
0x38: {  	[spmem:s31], [sflag:s3] =	dma.local @!p0 [hbm:s0], $0x1770  }
0x39: {  	s31 =	simm.s32 @!p0 $0x9  }
0x3a: {  	_ =	swait.ge @!p0 [sflag:s31], $0x1770  }
0x3b: {  	[sflag:s31] =	ssyncset.done @!p0 $0x0  }
0x3c: {  	s19 =	rddreg [dreg:$0x5];
	[sflag:s31] =	ssyncadd.s32 @!p0 $0xFFFFE890  }
0x3d: {  	[tilespmem:s28], [sflag:$0x9] =	stream.linear.gather [hbm4b:s19+s28], $0x2710, $0x38;
	[tilespmem:$0x1EF50] =	vst v63  }
0x3e: {  	_ =	swait.ge [sflag:s30], $0x2710  }
0x3f: {  	[sflag:s30] =	ssyncset.done $0x0  }
0x40: {  	s19 =	rddreg [dreg:$0x6];
	[sflag:s30] =	ssyncadd.s32 $0xFFFFD8F0  }
0x41: {  	[tilespmem:s29], [sflag:$0x9] =	stream.linear.gather [hbm4b:s19+s28], $0x2710, $0x38;
	[tilespmem:$0x1EF50] =	vst v63  }
0x42: {  	_ =	swait.ge [sflag:s30], $0x2710  }
0x43: {  	[sflag:s30] =	ssyncset.done $0x0  }
0x44: {  	[sflag:s30] =	ssyncadd.s32 $0xFFFFD8F0  }
0x45: {  	[bflag:$0x0] =	sbarrier.arrive $0xFFFF  }
0x46: {  	[tilespmem:s6], [sflag:$0x1] =	stream.indirect.gather [hbm4b:s4+s5], $0x30, s28, s5, $0xb8;
	[tilespmem:$0x1EF50] =	vst v63  }
0x47: {  	_ = 	snop  }
0x48: {  	[tilespmem:s11], [sflag:$0x2] =	stream.indirect.gather [hbm4b:s4+s5], $0x30, s5, s5, $0xb8;
	[tilespmem:$0x1EF50] =	vst v63  }
0x49: {  	s19 =	rddreg [dreg:$0x9]  }
0x4a: {  	[tilespmem:s9], [sflag:$0x3] =	stream.indirect.gather [hbm4b:s4+s5], $0x30, s19, s5, $0xb8;
	[tilespmem:$0x1EF50] =	vst v63  }
0x4b: {  	_ =	swait.ge [sflag:s8], $0x4B00  }
0x4c: {  	[sflag:s8] =	ssyncset.done $0x0  }
0x4d: {  	[sflag:s8] =	ssyncadd.s32 $0xFFFFB500  }
0x4e: {  	[spmem:s2] =	stream.indirect.scatter.add.f32 [tilespmem:s6], [sflag:$0x5], $0x30, s29, s5, $0xb8;
	[tilespmem:$0x1EF50] =	vst v63  }
0x4f: {  	s19 =	rddreg [dreg:$0xa]  }
0x50: {  	[tilespmem:s10], [sflag:$0x4] =	stream.indirect.gather [hbm4b:s4+s5], $0x30, s19, s5, $0xb8;
	[tilespmem:$0x1EF50] =	vst v63  }
0x51: {  	_ =	swait.ge [sflag:s17], $0x4B00  }
0x52: {  	[sflag:s17] =	ssyncset.done $0x0  }
0x53: {  	s19 =	rddreg [dreg:$0xb];
	[sflag:s17] =	ssyncadd.s32 $0xFFFFB500  }
0x54: {  	[spmem:s2] =	stream.indirect.scatter.add.f32 [tilespmem:s11], [sflag:$0x6], $0x30, s19, s5, $0xb8;
	[tilespmem:$0x1EF50] =	vst v63  }
0x55: {  	_ =	swait.ge [sflag:s7], $0x4B00  }
0x56: {  	[sflag:s7] =	ssyncset.done $0x0  }
0x57: {  	s19 =	rddreg [dreg:$0xc];
	[sflag:s7] =	ssyncadd.s32 $0xFFFFB500  }
0x58: {  	[tilespmem:s6], [sflag:$0x1] =	stream.indirect.gather [hbm4b:s4+s5], $0x30, s19, s5, $0xb8;
	[tilespmem:$0x1EF50] =	vst v63  }
0x59: {  	_ =	swait.ge [sflag:s16], $0x4B00  }
0x5a: {  	[sflag:s16] =	ssyncset.done $0x0  }
0x5b: {  	s19 =	rddreg [dreg:$0xd];
	[sflag:s16] =	ssyncadd.s32 $0xFFFFB500  }
0x5c: {  	[spmem:s2] =	stream.indirect.scatter.add.f32 [tilespmem:s9], [sflag:$0x7], $0x30, s19, s5, $0xb8;
	[tilespmem:$0x1EF50] =	vst v63  }
0x5d: {  	_ =	swait.ge [sflag:s12], $0x4B00  }
0x5e: {  	[sflag:s12] =	ssyncset.done $0x0  }
0x5f: {  	s19 =	rddreg [dreg:$0xe];
	[sflag:s12] =	ssyncadd.s32 $0xFFFFB500  }
0x60: {  	[tilespmem:s11], [sflag:$0x2] =	stream.indirect.gather [hbm4b:s4+s5], $0x30, s19, s5, $0xb8;
	[tilespmem:$0x1EF50] =	vst v63  }
0x61: {  	_ =	swait.ge [sflag:s18], $0x4B00  }
0x62: {  	[sflag:s18] =	ssyncset.done $0x0  }
0x63: {  	s19 =	rddreg [dreg:$0xf];
	[sflag:s18] =	ssyncadd.s32 $0xFFFFB500  }
0x64: {  	[spmem:s2] =	stream.indirect.scatter.add.f32 [tilespmem:s10], [sflag:$0x8], $0x30, s19, s5, $0xb8;
	[tilespmem:$0x1EF50] =	vst v63  }
0x65: {  	_ =	swait.ge [sflag:s13], $0x4B00  }
0x66: {  	[sflag:s13] =	ssyncset.done $0x0  }
0x67: {  	s19 =	rddreg [dreg:$0x10];
	[sflag:s13] =	ssyncadd.s32 $0xFFFFB500  }
0x68: {  	[tilespmem:s9], [sflag:$0x3] =	stream.indirect.gather [hbm4b:s4+s5], $0x30, s19, s5, $0xb8;
	[tilespmem:$0x1EF50] =	vst v63  }
0x69: {  	_ =	swait.ge [sflag:s8], $0x4B00  }
0x6a: {  	[sflag:s8] =	ssyncset.done $0x0  }
0x6b: {  	s19 =	rddreg [dreg:$0x11];
	[sflag:s8] =	ssyncadd.s32 $0xFFFFB500  }
0x6c: {  	[spmem:s2] =	stream.indirect.scatter.add.f32 [tilespmem:s6], [sflag:$0x5], $0x30, s19, s5, $0xb8;
	[tilespmem:$0x1EF50] =	vst v63  }
0x6d: {  	_ =	swait.ge [sflag:s14], $0x4B00  }
0x6e: {  	[sflag:s14] =	ssyncset.done $0x0  }
0x6f: {  	s19 =	rddreg [dreg:$0x12];
	[sflag:s14] =	ssyncadd.s32 $0xFFFFB500  }
0x70: {  	[tilespmem:s10], [sflag:$0x4] =	stream.indirect.gather [hbm4b:s4+s5], $0x30, s19, s5, $0xb8;
	[tilespmem:$0x1EF50] =	vst v63  }
0x71: {  	_ =	swait.ge [sflag:s17], $0x4B00  }
0x72: {  	[sflag:s17] =	ssyncset.done $0x0  }
0x73: {  	s19 =	rddreg [dreg:$0x13];
	[sflag:s17] =	ssyncadd.s32 $0xFFFFB500  }
0x74: {  	[spmem:s2] =	stream.indirect.scatter.add.f32 [tilespmem:s11], [sflag:$0x6], $0x30, s19, s5, $0xb8;
	[tilespmem:$0x1EF50] =	vst v63  }
0x75: {  	_ =	swait.ge [sflag:s7], $0x4B00  }
0x76: {  	[sflag:s7] =	ssyncset.done $0x0  }
0x77: {  	s19 =	rddreg [dreg:$0x14];
	[sflag:s7] =	ssyncadd.s32 $0xFFFFB500  }
0x78: {  	[tilespmem:s6], [sflag:$0x1] =	stream.indirect.gather [hbm4b:s4+s5], $0x30, s19, s5, $0xb8;
	[tilespmem:$0x1EF50] =	vst v63  }
0x79: {  	_ =	swait.ge [sflag:s16], $0x4B00  }
0x7a: {  	[sflag:s16] =	ssyncset.done $0x0  }
0x7b: {  	s19 =	rddreg [dreg:$0x15];
	[sflag:s16] =	ssyncadd.s32 $0xFFFFB500  }
0x7c: {  	[spmem:s2] =	stream.indirect.scatter.add.f32 [tilespmem:s9], [sflag:$0x7], $0x30, s19, s5, $0xb8;
	[tilespmem:$0x1EF50] =	vst v63  }
0x7d: {  	_ =	swait.ge [sflag:s12], $0x4B00  }
0x7e: {  	[sflag:s12] =	ssyncset.done $0x0  }
0x7f: {  	s19 =	rddreg [dreg:$0x16];
	[sflag:s12] =	ssyncadd.s32 $0xFFFFB500  }
0x80: {  	[tilespmem:s11], [sflag:$0x2] =	stream.indirect.gather [hbm4b:s4+s5], $0x30, s19, s5, $0xb8;
	[tilespmem:$0x1EF50] =	vst v63  }
0x81: {  	_ =	swait.ge [sflag:s18], $0x4B00  }
0x82: {  	[sflag:s18] =	ssyncset.done $0x0  }
0x83: {  	s19 =	rddreg [dreg:$0x17];
	[sflag:s18] =	ssyncadd.s32 $0xFFFFB500  }
0x84: {  	[spmem:s2] =	stream.indirect.scatter.add.f32 [tilespmem:s10], [sflag:$0x8], $0x30, s19, s5, $0xb8;
	[tilespmem:$0x1EF50] =	vst v63  }
0x85: {  	_ =	swait.ge [sflag:s13], $0x4B00  }
0x86: {  	[sflag:s13] =	ssyncset.done $0x0  }
0x87: {  	s19 =	rddreg [dreg:$0x18];
	[sflag:s13] =	ssyncadd.s32 $0xFFFFB500  }
0x88: {  	[tilespmem:s9], [sflag:$0x3] =	stream.indirect.gather [hbm4b:s4+s5], $0x30, s19, s5, $0xb8;
	[tilespmem:$0x1EF50] =	vst v63  }
0x89: {  	_ =	swait.ge [sflag:s8], $0x4B00  }
0x8a: {  	[sflag:s8] =	ssyncset.done $0x0  }
0x8b: {  	s19 =	rddreg [dreg:$0x19];
	[sflag:s8] =	ssyncadd.s32 $0xFFFFB500  }
0x8c: {  	[spmem:s2] =	stream.indirect.scatter.add.f32 [tilespmem:s6], [sflag:$0x5], $0x30, s19, s5, $0xb8;
	[tilespmem:$0x1EF50] =	vst v63  }
0x8d: {  	_ =	swait.ge [sflag:s14], $0x4B00  }
0x8e: {  	[sflag:s14] =	ssyncset.done $0x0  }
0x8f: {  	s19 =	rddreg [dreg:$0x1a];
	[sflag:s14] =	ssyncadd.s32 $0xFFFFB500  }
0x90: {  	[tilespmem:s10], [sflag:$0x4] =	stream.indirect.gather [hbm4b:s4+s5], $0x30, s19, s5, $0xb8;
	[tilespmem:$0x1EF50] =	vst v63  }
0x91: {  	_ =	swait.ge [sflag:s17], $0x4B00  }
0x92: {  	[sflag:s17] =	ssyncset.done $0x0  }
0x93: {  	s19 =	rddreg [dreg:$0x1b];
	[sflag:s17] =	ssyncadd.s32 $0xFFFFB500  }
0x94: {  	[spmem:s2] =	stream.indirect.scatter.add.f32 [tilespmem:s11], [sflag:$0x6], $0x30, s19, s5, $0xb8;
	[tilespmem:$0x1EF50] =	vst v63  }
0x95: {  	_ =	swait.ge [sflag:s7], $0x4B00  }
0x96: {  	[sflag:s7] =	ssyncset.done $0x0  }
0x97: {  	s19 =	rddreg [dreg:$0x1c];
	[sflag:s7] =	ssyncadd.s32 $0xFFFFB500  }
0x98: {  	[tilespmem:s6], [sflag:$0x1] =	stream.indirect.gather [hbm4b:s4+s5], $0x30, s19, s5, $0xb8;
	[tilespmem:$0x1EF50] =	vst v63  }
0x99: {  	_ =	swait.ge [sflag:s16], $0x4B00  }
0x9a: {  	[sflag:s16] =	ssyncset.done $0x0  }
0x9b: {  	s19 =	rddreg [dreg:$0x1d];
	[sflag:s16] =	ssyncadd.s32 $0xFFFFB500  }
0x9c: {  	[spmem:s2] =	stream.indirect.scatter.add.f32 [tilespmem:s9], [sflag:$0x7], $0x30, s19, s5, $0xb8;
	[tilespmem:$0x1EF50] =	vst v63  }
0x9d: {  	_ =	swait.ge [sflag:s12], $0x4B00  }
0x9e: {  	[sflag:s12] =	ssyncset.done $0x0  }
0x9f: {  	s19 =	rddreg [dreg:$0x1e];
	[sflag:s12] =	ssyncadd.s32 $0xFFFFB500  }
0xa0: {  	[tilespmem:s11], [sflag:$0x2] =	stream.indirect.gather [hbm4b:s4+s5], $0x30, s19, s5, $0xb8;
	[tilespmem:$0x1EF50] =	vst v63  }
0xa1: {  	_ =	swait.ge [sflag:s18], $0x4B00  }
0xa2: {  	[sflag:s18] =	ssyncset.done $0x0  }
0xa3: {  	s19 =	rddreg [dreg:$0x1f];
	[sflag:s18] =	ssyncadd.s32 $0xFFFFB500  }
0xa4: {  	[spmem:s2] =	stream.indirect.scatter.add.f32 [tilespmem:s10], [sflag:$0x8], $0x30, s19, s5, $0xb8;
	[tilespmem:$0x1EF50] =	vst v63  }
0xa5: {  	_ =	swait.ge [sflag:s13], $0x4B00  }
0xa6: {  	s19 =	sld [smem:$0x7EE]  }
0xa7: {  	[sflag:s13] =	ssyncset.done $0x0  }
0xa8: {  	[sflag:s13] =	ssyncadd.s32 $0xFFFFB500  }
0xa9: {  	[tilespmem:s9], [sflag:$0x3] =	stream.indirect.gather [hbm4b:s4+s5], $0x30, s19, s5, $0xb8;
	[tilespmem:$0x1EF50] =	vst v63  }
0xaa: {  	_ =	swait.ge [sflag:s8], $0x4B00  }
0xab: {  	s19 =	sld [smem:$0x7EF]  }
0xac: {  	[sflag:s8] =	ssyncset.done $0x0  }
0xad: {  	[sflag:s8] =	ssyncadd.s32 $0xFFFFB500  }
0xae: {  	[spmem:s2] =	stream.indirect.scatter.add.f32 [tilespmem:s6], [sflag:$0x5], $0x30, s19, s5, $0xb8;
	[tilespmem:$0x1EF50] =	vst v63  }
0xaf: {  	_ =	swait.ge [sflag:s14], $0x4B00  }
0xb0: {  	s19 =	sld [smem:$0x7F0]  }
0xb1: {  	[sflag:s14] =	ssyncset.done $0x0  }
0xb2: {  	[sflag:s14] =	ssyncadd.s32 $0xFFFFB500  }
0xb3: {  	[tilespmem:s10], [sflag:$0x4] =	stream.indirect.gather [hbm4b:s4+s5], $0x30, s19, s5, $0xb8;
	[tilespmem:$0x1EF50] =	vst v63  }
0xb4: {  	_ =	swait.ge [sflag:s17], $0x4B00  }
0xb5: {  	s19 =	sld [smem:$0x7F1]  }
0xb6: {  	[sflag:s17] =	ssyncset.done $0x0  }
0xb7: {  	[sflag:s17] =	ssyncadd.s32 $0xFFFFB500  }
0xb8: {  	[spmem:s2] =	stream.indirect.scatter.add.f32 [tilespmem:s11], [sflag:$0x6], $0x30, s19, s5, $0xb8;
	[tilespmem:$0x1EF50] =	vst v63  }
0xb9: {  	_ =	swait.ge [sflag:s7], $0x4B00  }
0xba: {  	s19 =	sld [smem:$0x7F2]  }
0xbb: {  	[sflag:s7] =	ssyncset.done $0x0  }
0xbc: {  	[sflag:s7] =	ssyncadd.s32 $0xFFFFB500  }
0xbd: {  	[tilespmem:s6], [sflag:$0x1] =	stream.indirect.gather [hbm4b:s4+s5], $0x30, s19, s5, $0xb8;
	[tilespmem:$0x1EF50] =	vst v63  }
0xbe: {  	_ =	swait.ge [sflag:s16], $0x4B00  }
0xbf: {  	s19 =	sld [smem:$0x7F3]  }
0xc0: {  	[sflag:s16] =	ssyncset.done $0x0  }
0xc1: {  	[sflag:s16] =	ssyncadd.s32 $0xFFFFB500  }
0xc2: {  	[spmem:s2] =	stream.indirect.scatter.add.f32 [tilespmem:s9], [sflag:$0x7], $0x30, s19, s5, $0xb8;
	[tilespmem:$0x1EF50] =	vst v63  }
0xc3: {  	_ =	swait.ge [sflag:s12], $0x4B00  }
0xc4: {  	s19 =	sld [smem:$0x7F4]  }
0xc5: {  	[sflag:s12] =	ssyncset.done $0x0  }
0xc6: {  	[sflag:s12] =	ssyncadd.s32 $0xFFFFB500  }
0xc7: {  	[tilespmem:s11], [sflag:$0x2] =	stream.indirect.gather [hbm4b:s4+s5], $0x30, s19, s5, $0xb8;
	[tilespmem:$0x1EF50] =	vst v63  }
0xc8: {  	_ =	swait.ge [sflag:s18], $0x4B00  }
0xc9: {  	s19 =	sld [smem:$0x7F5]  }
0xca: {  	[sflag:s18] =	ssyncset.done $0x0  }
0xcb: {  	[sflag:s18] =	ssyncadd.s32 $0xFFFFB500  }
0xcc: {  	[spmem:s2] =	stream.indirect.scatter.add.f32 [tilespmem:s10], [sflag:$0x8], $0x30, s19, s5, $0xb8;
	[tilespmem:$0x1EF50] =	vst v63  }
0xcd: {  	_ =	swait.ge [sflag:s13], $0x4B00  }
0xce: {  	s19 =	sld [smem:$0x7F6]  }
0xcf: {  	[sflag:s13] =	ssyncset.done $0x0  }
0xd0: {  	[sflag:s13] =	ssyncadd.s32 $0xFFFFB500  }
0xd1: {  	[tilespmem:s9], [sflag:$0x3] =	stream.indirect.gather [hbm4b:s4+s5], $0x30, s19, s5, $0xb8;
	[tilespmem:$0x1EF50] =	vst v63  }
0xd2: {  	_ =	swait.ge [sflag:s8], $0x4B00  }
0xd3: {  	s19 =	sld [smem:$0x7F7]  }
0xd4: {  	[sflag:s8] =	ssyncset.done $0x0  }
0xd5: {  	[sflag:s8] =	ssyncadd.s32 $0xFFFFB500  }
0xd6: {  	[spmem:s2] =	stream.indirect.scatter.add.f32 [tilespmem:s6], [sflag:$0x5], $0x30, s19, s5, $0xb8;
	[tilespmem:$0x1EF50] =	vst v63  }
0xd7: {  	_ =	swait.ge [sflag:s14], $0x4B00  }
0xd8: {  	s19 =	sld [smem:$0x7F8]  }
0xd9: {  	[sflag:s14] =	ssyncset.done $0x0  }
0xda: {  	[sflag:s14] =	ssyncadd.s32 $0xFFFFB500  }
0xdb: {  	[tilespmem:s10], [sflag:$0x4] =	stream.indirect.gather [hbm4b:s4+s5], $0x30, s19, s5, $0xb8;
	[tilespmem:$0x1EF50] =	vst v63  }
0xdc: {  	_ =	swait.ge [sflag:s17], $0x4B00  }
0xdd: {  	s19 =	sld [smem:$0x7F9]  }
0xde: {  	[sflag:s17] =	ssyncset.done $0x0  }
0xdf: {  	[sflag:s17] =	ssyncadd.s32 $0xFFFFB500  }
0xe0: {  	[spmem:s2] =	stream.indirect.scatter.add.f32 [tilespmem:s11], [sflag:$0x6], $0x30, s19, s5, $0xb8;
	[tilespmem:$0x1EF50] =	vst v63  }
0xe1: {  	_ =	swait.ge [sflag:s7], $0x4B00  }
0xe2: {  	s19 =	sld [smem:$0x7FA]  }
0xe3: {  	[sflag:s7] =	ssyncset.done $0x0  }
0xe4: {  	[sflag:s7] =	ssyncadd.s32 $0xFFFFB500  }
0xe5: {  	[tilespmem:s6], [sflag:$0x1] =	stream.indirect.gather [hbm4b:s4+s5], $0x30, s19, s5, $0xb8;
	[tilespmem:$0x1EF50] =	vst v63  }
0xe6: {  	_ =	swait.ge [sflag:s16], $0x4B00  }
0xe7: {  	s19 =	sld [smem:$0x7FB]  }
0xe8: {  	[sflag:s16] =	ssyncset.done $0x0  }
0xe9: {  	[sflag:s16] =	ssyncadd.s32 $0xFFFFB500  }
0xea: {  	[spmem:s2] =	stream.indirect.scatter.add.f32 [tilespmem:s9], [sflag:$0x7], $0x30, s19, s5, $0xb8;
	[tilespmem:$0x1EF50] =	vst v63  }
0xeb: {  	_ =	swait.ge [sflag:s12], $0x4B00  }
0xec: {  	s19 =	sld [smem:$0x7FC]  }
0xed: {  	[sflag:s12] =	ssyncset.done $0x0  }
0xee: {  	[sflag:s12] =	ssyncadd.s32 $0xFFFFB500  }
0xef: {  	[tilespmem:s11], [sflag:$0x2] =	stream.indirect.gather [hbm4b:s4+s5], $0x30, s19, s5, $0xb8;
	[tilespmem:$0x1EF50] =	vst v63  }
0xf0: {  	_ =	swait.ge [sflag:s18], $0x4B00  }
0xf1: {  	s19 =	sld [smem:$0x7FD]  }
0xf2: {  	[sflag:s18] =	ssyncset.done $0x0  }
0xf3: {  	[sflag:s18] =	ssyncadd.s32 $0xFFFFB500  }
0xf4: {  	[spmem:s2] =	stream.indirect.scatter.add.f32 [tilespmem:s10], [sflag:$0x8], $0x30, s19, s5, $0xb8;
	[tilespmem:$0x1EF50] =	vst v63  }
0xf5: {  	_ =	swait.ge [sflag:s13], $0x4B00  }
0xf6: {  	[sflag:s13] =	ssyncset.done $0x0  }
0xf7: {  	[sflag:s13] =	ssyncadd.s32 $0xFFFFB500  }
0xf8: {  	[tilespmem:s9], [sflag:$0x3] =	stream.indirect.gather [hbm4b:s4+s5], $0x30, s24, s5, $0xb8;
	[tilespmem:$0x1EF50] =	vst v63  }
0xf9: {  	_ =	swait.ge [sflag:s8], $0x4B00  }
0xfa: {  	[sflag:s8] =	ssyncset.done $0x0  }
0xfb: {  	[sflag:s8] =	ssyncadd.s32 $0xFFFFB500  }
0xfc: {  	[spmem:s2] =	stream.indirect.scatter.add.f32 [tilespmem:s6], [sflag:$0x5], $0x30, s26, s5, $0xb8;
	[tilespmem:$0x1EF50] =	vst v63  }
0xfd: {  	_ =	swait.ge [sflag:s14], $0x4B00  }
0xfe: {  	[sflag:s14] =	ssyncset.done $0x0  }
0xff: {  	s19 =	simm.s32 $0x23F0;
	[sflag:s14] =	ssyncadd.s32 $0xFFFFB500  }
0x100: {  	[tilespmem:s10], [sflag:$0x4] =	stream.indirect.gather [hbm4b:s4+s5], $0x30, s19, s5, $0xb8;
	[tilespmem:$0x1EF50] =	vst v63  }
0x101: {  	_ =	swait.ge [sflag:s17], $0x4B00  }
0x102: {  	[sflag:s17] =	ssyncset.done $0x0  }
0x103: {  	[sflag:s17] =	ssyncadd.s32 $0xFFFFB500  }
0x104: {  	[spmem:s2] =	stream.indirect.scatter.add.f32 [tilespmem:s11], [sflag:$0x6], $0x30, s25, s5, $0xb8;
	[tilespmem:$0x1EF50] =	vst v63  }
0x105: {  	_ =	swait.ge [sflag:s7], $0x4B00  }
0x106: {  	[sflag:s7] =	ssyncset.done $0x0  }
0x107: {  	[sflag:s7] =	ssyncadd.s32 $0xFFFFB500  }
0x108: {  	[tilespmem:s6], [sflag:$0x1] =	stream.indirect.gather [hbm4b:s4+s5], $0x30, s23, s5, $0xb8;
	[tilespmem:$0x1EF50] =	vst v63  }
0x109: {  	_ =	swait.ge [sflag:s16], $0x4B00  }
0x10a: {  	[sflag:s16] =	ssyncset.done $0x0  }
0x10b: {  	[sflag:s16] =	ssyncadd.s32 $0xFFFFB500  }
0x10c: {  	[spmem:s2] =	stream.indirect.scatter.add.f32 [tilespmem:s9], [sflag:$0x7], $0x30, s22, s5, $0xb8;
	[tilespmem:$0x1EF50] =	vst v63  }
0x10d: {  	_ =	swait.ge [sflag:s18], $0x4B00  }
0x10e: {  	[sflag:s18] =	ssyncset.done $0x0  }
0x10f: {  	[sflag:s18] =	ssyncadd.s32 $0xFFFFB500  }
0x110: {  	[spmem:s2] =	stream.indirect.scatter.add.f32 [tilespmem:s10], [sflag:$0x8], $0x30, s21, s5, $0xb8;
	[tilespmem:$0x1EF50] =	vst v63  }
0x111: {  	_ =	swait.ge [sflag:s8], $0x4B00  }
0x112: {  	[sflag:s8] =	ssyncset.done $0x0  }
0x113: {  	[sflag:s8] =	ssyncadd.s32 $0xFFFFB500  }
0x114: {  	[spmem:s2] =	stream.indirect.scatter.add.f32 [tilespmem:s6], [sflag:$0x5], $0x30, s20, s5, $0xb8;
	[tilespmem:$0x1EF50] =	vst v63  }
0x115: {  	_ =	swait.ge [sflag:s12], $0x4B00  }
0x116: {  	[sflag:s12] =	ssyncset.done $0x0  }
0x117: {  	[sflag:s12] =	ssyncadd.s32 $0xFFFFB500  }
0x118: {  	_ =	swait.ge [sflag:s13], $0x4B00  }
0x119: {  	[sflag:s13] =	ssyncset.done $0x0  }
0x11a: {  	[sflag:s13] =	ssyncadd.s32 $0xFFFFB500  }
0x11b: {  	_ =	swait.ge [sflag:s14], $0x4B00  }
0x11c: {  	[sflag:s14] =	ssyncset.done $0x0  }
0x11d: {  	[sflag:s14] =	ssyncadd.s32 $0xFFFFB500  }
0x11e: {  	_ =	swait.ge [sflag:s7], $0x4B00  }
0x11f: {  	s1 =	sadd.s32 $0xFFFFFFFF, s1;
	[sflag:s7] =	ssyncset.done $0x0  }
0x120: {  	p2 =	sne.s32 s1, $0x0;
	[sflag:s7] =	ssyncadd.s32 $0xFFFFB500  }
.Ltmp1:
0x121: {  	[bflag:$0x0] =	sbarrier.arrive $0xFFFF;
	(pc) =	sbr.rel @!p2 .LBB2_3-.Ltmp1, $4  }
0x122: {  	s0 =	rddreg [dreg:$0x7]  }
0x123: {  	[hbm:s0], [sflag:s3] =	dma.local @!p0 [spmem:s15], $0x1770  }
0x124: {  	_ =	swait.ge @!p0 [sflag:s31], $0x1770  }
0x125: {  	p1 =	por $0x1, $0x1;
	s0 =	rddreg [dreg:$0x4];
	[sflag:s31] =	ssyncset.done @!p0 $0x0  }
.LBB2_4:
0x126: {  	s19 =	rddreg [dreg:$0x8];
	[sflag:s31] =	ssyncadd.s32 @!p0 $0xFFFFE890  }
0x127: {  	[spmem:s19], [sflag:s3] =	dma.local @!p0 [hbm:s0], $0x1770  }
0x128: {  	_ =	swait.ge @!p0 [sflag:s31], $0x1770  }
0x129: {  	[sflag:s31] =	ssyncset.done @!p0 $0x0  }
0x12a: {  	s19 =	rddreg [dreg:$0x5];
	[sflag:s31] =	ssyncadd.s32 @!p0 $0xFFFFE890  }
0x12b: {  	[tilespmem:s28], [sflag:$0x9] =	stream.linear.gather [hbm4b:s19+s28], $0x2710, $0x38;
	[tilespmem:$0x1EF50] =	vst v63  }
0x12c: {  	_ =	swait.ge [sflag:s30], $0x2710  }
0x12d: {  	[sflag:s30] =	ssyncset.done $0x0  }
0x12e: {  	s19 =	rddreg [dreg:$0x6];
	[sflag:s30] =	ssyncadd.s32 $0xFFFFD8F0  }
0x12f: {  	[tilespmem:s29], [sflag:$0x9] =	stream.linear.gather [hbm4b:s19+s28], $0x2710, $0x38;
	[tilespmem:$0x1EF50] =	vst v63  }
0x130: {  	_ =	swait.ge [sflag:s30], $0x2710  }
0x131: {  	[sflag:s30] =	ssyncset.done $0x0  }
0x132: {  	[sflag:s30] =	ssyncadd.s32 $0xFFFFD8F0  }
0x133: {  	[bflag:$0x0] =	sbarrier.arrive $0xFFFF  }
0x134: {  	[tilespmem:s6], [sflag:$0x1] =	stream.indirect.gather [hbm4b:s4+s5], $0x30, s28, s5, $0xb8;
	[tilespmem:$0x1EF50] =	vst v63  }
0x135: {  	_ = 	snop  }
0x136: {  	[tilespmem:s11], [sflag:$0x2] =	stream.indirect.gather [hbm4b:s4+s5], $0x30, s5, s5, $0xb8;
	[tilespmem:$0x1EF50] =	vst v63  }
0x137: {  	s19 =	rddreg [dreg:$0x9]  }
0x138: {  	[tilespmem:s9], [sflag:$0x3] =	stream.indirect.gather [hbm4b:s4+s5], $0x30, s19, s5, $0xb8;
	[tilespmem:$0x1EF50] =	vst v63  }
0x139: {  	_ =	swait.ge [sflag:s8], $0x4B00  }
0x13a: {  	[sflag:s8] =	ssyncset.done $0x0  }
0x13b: {  	[sflag:s8] =	ssyncadd.s32 $0xFFFFB500  }
0x13c: {  	[spmem:s2] =	stream.indirect.scatter.add.f32 [tilespmem:s6], [sflag:$0x5], $0x30, s29, s5, $0xb8;
	[tilespmem:$0x1EF50] =	vst v63  }
0x13d: {  	s19 =	rddreg [dreg:$0xa]  }
0x13e: {  	[tilespmem:s10], [sflag:$0x4] =	stream.indirect.gather [hbm4b:s4+s5], $0x30, s19, s5, $0xb8;
	[tilespmem:$0x1EF50] =	vst v63  }
0x13f: {  	_ =	swait.ge [sflag:s17], $0x4B00  }
0x140: {  	[sflag:s17] =	ssyncset.done $0x0  }
0x141: {  	s19 =	rddreg [dreg:$0xb];
	[sflag:s17] =	ssyncadd.s32 $0xFFFFB500  }
0x142: {  	[spmem:s2] =	stream.indirect.scatter.add.f32 [tilespmem:s11], [sflag:$0x6], $0x30, s19, s5, $0xb8;
	[tilespmem:$0x1EF50] =	vst v63  }
0x143: {  	_ =	swait.ge [sflag:s7], $0x4B00  }
0x144: {  	[sflag:s7] =	ssyncset.done $0x0  }
0x145: {  	s19 =	rddreg [dreg:$0xc];
	[sflag:s7] =	ssyncadd.s32 $0xFFFFB500  }
0x146: {  	[tilespmem:s6], [sflag:$0x1] =	stream.indirect.gather [hbm4b:s4+s5], $0x30, s19, s5, $0xb8;
	[tilespmem:$0x1EF50] =	vst v63  }
0x147: {  	_ =	swait.ge [sflag:s16], $0x4B00  }
0x148: {  	[sflag:s16] =	ssyncset.done $0x0  }
0x149: {  	s19 =	rddreg [dreg:$0xd];
	[sflag:s16] =	ssyncadd.s32 $0xFFFFB500  }
0x14a: {  	[spmem:s2] =	stream.indirect.scatter.add.f32 [tilespmem:s9], [sflag:$0x7], $0x30, s19, s5, $0xb8;
	[tilespmem:$0x1EF50] =	vst v63  }
0x14b: {  	_ =	swait.ge [sflag:s12], $0x4B00  }
0x14c: {  	[sflag:s12] =	ssyncset.done $0x0  }
0x14d: {  	s19 =	rddreg [dreg:$0xe];
	[sflag:s12] =	ssyncadd.s32 $0xFFFFB500  }
0x14e: {  	[tilespmem:s11], [sflag:$0x2] =	stream.indirect.gather [hbm4b:s4+s5], $0x30, s19, s5, $0xb8;
	[tilespmem:$0x1EF50] =	vst v63  }
0x14f: {  	_ =	swait.ge [sflag:s18], $0x4B00  }
0x150: {  	[sflag:s18] =	ssyncset.done $0x0  }
0x151: {  	s19 =	rddreg [dreg:$0xf];
	[sflag:s18] =	ssyncadd.s32 $0xFFFFB500  }
0x152: {  	[spmem:s2] =	stream.indirect.scatter.add.f32 [tilespmem:s10], [sflag:$0x8], $0x30, s19, s5, $0xb8;
	[tilespmem:$0x1EF50] =	vst v63  }
0x153: {  	_ =	swait.ge [sflag:s13], $0x4B00  }
0x154: {  	[sflag:s13] =	ssyncset.done $0x0  }
0x155: {  	s19 =	rddreg [dreg:$0x10];
	[sflag:s13] =	ssyncadd.s32 $0xFFFFB500  }
0x156: {  	[tilespmem:s9], [sflag:$0x3] =	stream.indirect.gather [hbm4b:s4+s5], $0x30, s19, s5, $0xb8;
	[tilespmem:$0x1EF50] =	vst v63  }
0x157: {  	_ =	swait.ge [sflag:s8], $0x4B00  }
0x158: {  	[sflag:s8] =	ssyncset.done $0x0  }
0x159: {  	s19 =	rddreg [dreg:$0x11];
	[sflag:s8] =	ssyncadd.s32 $0xFFFFB500  }
0x15a: {  	[spmem:s2] =	stream.indirect.scatter.add.f32 [tilespmem:s6], [sflag:$0x5], $0x30, s19, s5, $0xb8;
	[tilespmem:$0x1EF50] =	vst v63  }
0x15b: {  	_ =	swait.ge [sflag:s14], $0x4B00  }
0x15c: {  	[sflag:s14] =	ssyncset.done $0x0  }
0x15d: {  	s19 =	rddreg [dreg:$0x12];
	[sflag:s14] =	ssyncadd.s32 $0xFFFFB500  }
0x15e: {  	[tilespmem:s10], [sflag:$0x4] =	stream.indirect.gather [hbm4b:s4+s5], $0x30, s19, s5, $0xb8;
	[tilespmem:$0x1EF50] =	vst v63  }
0x15f: {  	_ =	swait.ge [sflag:s17], $0x4B00  }
0x160: {  	[sflag:s17] =	ssyncset.done $0x0  }
0x161: {  	s19 =	rddreg [dreg:$0x13];
	[sflag:s17] =	ssyncadd.s32 $0xFFFFB500  }
0x162: {  	[spmem:s2] =	stream.indirect.scatter.add.f32 [tilespmem:s11], [sflag:$0x6], $0x30, s19, s5, $0xb8;
	[tilespmem:$0x1EF50] =	vst v63  }
0x163: {  	_ =	swait.ge [sflag:s7], $0x4B00  }
0x164: {  	[sflag:s7] =	ssyncset.done $0x0  }
0x165: {  	s19 =	rddreg [dreg:$0x14];
	[sflag:s7] =	ssyncadd.s32 $0xFFFFB500  }
0x166: {  	[tilespmem:s6], [sflag:$0x1] =	stream.indirect.gather [hbm4b:s4+s5], $0x30, s19, s5, $0xb8;
	[tilespmem:$0x1EF50] =	vst v63  }
0x167: {  	_ =	swait.ge [sflag:s16], $0x4B00  }
0x168: {  	[sflag:s16] =	ssyncset.done $0x0  }
0x169: {  	s19 =	rddreg [dreg:$0x15];
	[sflag:s16] =	ssyncadd.s32 $0xFFFFB500  }
0x16a: {  	[spmem:s2] =	stream.indirect.scatter.add.f32 [tilespmem:s9], [sflag:$0x7], $0x30, s19, s5, $0xb8;
	[tilespmem:$0x1EF50] =	vst v63  }
0x16b: {  	_ =	swait.ge [sflag:s12], $0x4B00  }
0x16c: {  	[sflag:s12] =	ssyncset.done $0x0  }
0x16d: {  	s19 =	rddreg [dreg:$0x16];
	[sflag:s12] =	ssyncadd.s32 $0xFFFFB500  }
0x16e: {  	[tilespmem:s11], [sflag:$0x2] =	stream.indirect.gather [hbm4b:s4+s5], $0x30, s19, s5, $0xb8;
	[tilespmem:$0x1EF50] =	vst v63  }
0x16f: {  	_ =	swait.ge [sflag:s18], $0x4B00  }
0x170: {  	[sflag:s18] =	ssyncset.done $0x0  }
0x171: {  	s19 =	rddreg [dreg:$0x17];
	[sflag:s18] =	ssyncadd.s32 $0xFFFFB500  }
0x172: {  	[spmem:s2] =	stream.indirect.scatter.add.f32 [tilespmem:s10], [sflag:$0x8], $0x30, s19, s5, $0xb8;
	[tilespmem:$0x1EF50] =	vst v63  }
0x173: {  	_ =	swait.ge [sflag:s13], $0x4B00  }
0x174: {  	[sflag:s13] =	ssyncset.done $0x0  }
0x175: {  	s19 =	rddreg [dreg:$0x18];
	[sflag:s13] =	ssyncadd.s32 $0xFFFFB500  }
0x176: {  	[tilespmem:s9], [sflag:$0x3] =	stream.indirect.gather [hbm4b:s4+s5], $0x30, s19, s5, $0xb8;
	[tilespmem:$0x1EF50] =	vst v63  }
0x177: {  	_ =	swait.ge [sflag:s8], $0x4B00  }
0x178: {  	[sflag:s8] =	ssyncset.done $0x0  }
0x179: {  	s19 =	rddreg [dreg:$0x19];
	[sflag:s8] =	ssyncadd.s32 $0xFFFFB500  }
0x17a: {  	[spmem:s2] =	stream.indirect.scatter.add.f32 [tilespmem:s6], [sflag:$0x5], $0x30, s19, s5, $0xb8;
	[tilespmem:$0x1EF50] =	vst v63  }
0x17b: {  	_ =	swait.ge [sflag:s14], $0x4B00  }
0x17c: {  	[sflag:s14] =	ssyncset.done $0x0  }
0x17d: {  	s19 =	rddreg [dreg:$0x1a];
	[sflag:s14] =	ssyncadd.s32 $0xFFFFB500  }
0x17e: {  	[tilespmem:s10], [sflag:$0x4] =	stream.indirect.gather [hbm4b:s4+s5], $0x30, s19, s5, $0xb8;
	[tilespmem:$0x1EF50] =	vst v63  }
0x17f: {  	_ =	swait.ge [sflag:s17], $0x4B00  }
0x180: {  	[sflag:s17] =	ssyncset.done $0x0  }
0x181: {  	s19 =	rddreg [dreg:$0x1b];
	[sflag:s17] =	ssyncadd.s32 $0xFFFFB500  }
0x182: {  	[spmem:s2] =	stream.indirect.scatter.add.f32 [tilespmem:s11], [sflag:$0x6], $0x30, s19, s5, $0xb8;
	[tilespmem:$0x1EF50] =	vst v63  }
0x183: {  	_ =	swait.ge [sflag:s7], $0x4B00  }
0x184: {  	[sflag:s7] =	ssyncset.done $0x0  }
0x185: {  	s19 =	rddreg [dreg:$0x1c];
	[sflag:s7] =	ssyncadd.s32 $0xFFFFB500  }
0x186: {  	[tilespmem:s6], [sflag:$0x1] =	stream.indirect.gather [hbm4b:s4+s5], $0x30, s19, s5, $0xb8;
	[tilespmem:$0x1EF50] =	vst v63  }
0x187: {  	_ =	swait.ge [sflag:s16], $0x4B00  }
0x188: {  	[sflag:s16] =	ssyncset.done $0x0  }
0x189: {  	s19 =	rddreg [dreg:$0x1d];
	[sflag:s16] =	ssyncadd.s32 $0xFFFFB500  }
0x18a: {  	[spmem:s2] =	stream.indirect.scatter.add.f32 [tilespmem:s9], [sflag:$0x7], $0x30, s19, s5, $0xb8;
	[tilespmem:$0x1EF50] =	vst v63  }
0x18b: {  	_ =	swait.ge [sflag:s12], $0x4B00  }
0x18c: {  	[sflag:s12] =	ssyncset.done $0x0  }
0x18d: {  	s19 =	rddreg [dreg:$0x1e];
	[sflag:s12] =	ssyncadd.s32 $0xFFFFB500  }
0x18e: {  	[tilespmem:s11], [sflag:$0x2] =	stream.indirect.gather [hbm4b:s4+s5], $0x30, s19, s5, $0xb8;
	[tilespmem:$0x1EF50] =	vst v63  }
0x18f: {  	_ =	swait.ge [sflag:s18], $0x4B00  }
0x190: {  	[sflag:s18] =	ssyncset.done $0x0  }
0x191: {  	s19 =	rddreg [dreg:$0x1f];
	[sflag:s18] =	ssyncadd.s32 $0xFFFFB500  }
0x192: {  	[spmem:s2] =	stream.indirect.scatter.add.f32 [tilespmem:s10], [sflag:$0x8], $0x30, s19, s5, $0xb8;
	[tilespmem:$0x1EF50] =	vst v63  }
0x193: {  	_ =	swait.ge [sflag:s13], $0x4B00  }
0x194: {  	s19 =	sld [smem:$0x7EE]  }
0x195: {  	[sflag:s13] =	ssyncset.done $0x0  }
0x196: {  	[sflag:s13] =	ssyncadd.s32 $0xFFFFB500  }
0x197: {  	[tilespmem:s9], [sflag:$0x3] =	stream.indirect.gather [hbm4b:s4+s5], $0x30, s19, s5, $0xb8;
	[tilespmem:$0x1EF50] =	vst v63  }
0x198: {  	_ =	swait.ge [sflag:s8], $0x4B00  }
0x199: {  	s19 =	sld [smem:$0x7EF]  }
0x19a: {  	[sflag:s8] =	ssyncset.done $0x0  }
0x19b: {  	[sflag:s8] =	ssyncadd.s32 $0xFFFFB500  }
0x19c: {  	[spmem:s2] =	stream.indirect.scatter.add.f32 [tilespmem:s6], [sflag:$0x5], $0x30, s19, s5, $0xb8;
	[tilespmem:$0x1EF50] =	vst v63  }
0x19d: {  	_ =	swait.ge [sflag:s14], $0x4B00  }
0x19e: {  	s19 =	sld [smem:$0x7F0]  }
0x19f: {  	[sflag:s14] =	ssyncset.done $0x0  }
0x1a0: {  	[sflag:s14] =	ssyncadd.s32 $0xFFFFB500  }
0x1a1: {  	[tilespmem:s10], [sflag:$0x4] =	stream.indirect.gather [hbm4b:s4+s5], $0x30, s19, s5, $0xb8;
	[tilespmem:$0x1EF50] =	vst v63  }
0x1a2: {  	_ =	swait.ge [sflag:s17], $0x4B00  }
0x1a3: {  	s19 =	sld [smem:$0x7F1]  }
0x1a4: {  	[sflag:s17] =	ssyncset.done $0x0  }
0x1a5: {  	[sflag:s17] =	ssyncadd.s32 $0xFFFFB500  }
0x1a6: {  	[spmem:s2] =	stream.indirect.scatter.add.f32 [tilespmem:s11], [sflag:$0x6], $0x30, s19, s5, $0xb8;
	[tilespmem:$0x1EF50] =	vst v63  }
0x1a7: {  	_ =	swait.ge [sflag:s7], $0x4B00  }
0x1a8: {  	s19 =	sld [smem:$0x7F2]  }
0x1a9: {  	[sflag:s7] =	ssyncset.done $0x0  }
0x1aa: {  	[sflag:s7] =	ssyncadd.s32 $0xFFFFB500  }
0x1ab: {  	[tilespmem:s6], [sflag:$0x1] =	stream.indirect.gather [hbm4b:s4+s5], $0x30, s19, s5, $0xb8;
	[tilespmem:$0x1EF50] =	vst v63  }
0x1ac: {  	_ =	swait.ge [sflag:s16], $0x4B00  }
0x1ad: {  	s19 =	sld [smem:$0x7F3]  }
0x1ae: {  	[sflag:s16] =	ssyncset.done $0x0  }
0x1af: {  	[sflag:s16] =	ssyncadd.s32 $0xFFFFB500  }
0x1b0: {  	[spmem:s2] =	stream.indirect.scatter.add.f32 [tilespmem:s9], [sflag:$0x7], $0x30, s19, s5, $0xb8;
	[tilespmem:$0x1EF50] =	vst v63  }
0x1b1: {  	_ =	swait.ge [sflag:s12], $0x4B00  }
0x1b2: {  	s19 =	sld [smem:$0x7F4]  }
0x1b3: {  	[sflag:s12] =	ssyncset.done $0x0  }
0x1b4: {  	[sflag:s12] =	ssyncadd.s32 $0xFFFFB500  }
0x1b5: {  	[tilespmem:s11], [sflag:$0x2] =	stream.indirect.gather [hbm4b:s4+s5], $0x30, s19, s5, $0xb8;
	[tilespmem:$0x1EF50] =	vst v63  }
0x1b6: {  	_ =	swait.ge [sflag:s18], $0x4B00  }
0x1b7: {  	s19 =	sld [smem:$0x7F5]  }
0x1b8: {  	[sflag:s18] =	ssyncset.done $0x0  }
0x1b9: {  	[sflag:s18] =	ssyncadd.s32 $0xFFFFB500  }
0x1ba: {  	[spmem:s2] =	stream.indirect.scatter.add.f32 [tilespmem:s10], [sflag:$0x8], $0x30, s19, s5, $0xb8;
	[tilespmem:$0x1EF50] =	vst v63  }
0x1bb: {  	_ =	swait.ge [sflag:s13], $0x4B00  }
0x1bc: {  	s19 =	sld [smem:$0x7F6]  }
0x1bd: {  	[sflag:s13] =	ssyncset.done $0x0  }
0x1be: {  	[sflag:s13] =	ssyncadd.s32 $0xFFFFB500  }
0x1bf: {  	[tilespmem:s9], [sflag:$0x3] =	stream.indirect.gather [hbm4b:s4+s5], $0x30, s19, s5, $0xb8;
	[tilespmem:$0x1EF50] =	vst v63  }
0x1c0: {  	_ =	swait.ge [sflag:s8], $0x4B00  }
0x1c1: {  	s19 =	sld [smem:$0x7F7]  }
0x1c2: {  	[sflag:s8] =	ssyncset.done $0x0  }
0x1c3: {  	[sflag:s8] =	ssyncadd.s32 $0xFFFFB500  }
0x1c4: {  	[spmem:s2] =	stream.indirect.scatter.add.f32 [tilespmem:s6], [sflag:$0x5], $0x30, s19, s5, $0xb8;
	[tilespmem:$0x1EF50] =	vst v63  }
0x1c5: {  	_ =	swait.ge [sflag:s14], $0x4B00  }
0x1c6: {  	s19 =	sld [smem:$0x7F8]  }
0x1c7: {  	[sflag:s14] =	ssyncset.done $0x0  }
0x1c8: {  	[sflag:s14] =	ssyncadd.s32 $0xFFFFB500  }
0x1c9: {  	[tilespmem:s10], [sflag:$0x4] =	stream.indirect.gather [hbm4b:s4+s5], $0x30, s19, s5, $0xb8;
	[tilespmem:$0x1EF50] =	vst v63  }
0x1ca: {  	_ =	swait.ge [sflag:s17], $0x4B00  }
0x1cb: {  	s19 =	sld [smem:$0x7F9]  }
0x1cc: {  	[sflag:s17] =	ssyncset.done $0x0  }
0x1cd: {  	[sflag:s17] =	ssyncadd.s32 $0xFFFFB500  }
0x1ce: {  	[spmem:s2] =	stream.indirect.scatter.add.f32 [tilespmem:s11], [sflag:$0x6], $0x30, s19, s5, $0xb8;
	[tilespmem:$0x1EF50] =	vst v63  }
0x1cf: {  	_ =	swait.ge [sflag:s7], $0x4B00  }
0x1d0: {  	s19 =	sld [smem:$0x7FA]  }
0x1d1: {  	[sflag:s7] =	ssyncset.done $0x0  }
0x1d2: {  	[sflag:s7] =	ssyncadd.s32 $0xFFFFB500  }
0x1d3: {  	[tilespmem:s6], [sflag:$0x1] =	stream.indirect.gather [hbm4b:s4+s5], $0x30, s19, s5, $0xb8;
	[tilespmem:$0x1EF50] =	vst v63  }
0x1d4: {  	_ =	swait.ge [sflag:s16], $0x4B00  }
0x1d5: {  	s19 =	sld [smem:$0x7FB]  }
0x1d6: {  	[sflag:s16] =	ssyncset.done $0x0  }
0x1d7: {  	[sflag:s16] =	ssyncadd.s32 $0xFFFFB500  }
0x1d8: {  	[spmem:s2] =	stream.indirect.scatter.add.f32 [tilespmem:s9], [sflag:$0x7], $0x30, s19, s5, $0xb8;
	[tilespmem:$0x1EF50] =	vst v63  }
0x1d9: {  	_ =	swait.ge [sflag:s12], $0x4B00  }
0x1da: {  	s19 =	sld [smem:$0x7FC]  }
0x1db: {  	[sflag:s12] =	ssyncset.done $0x0  }
0x1dc: {  	[sflag:s12] =	ssyncadd.s32 $0xFFFFB500  }
0x1dd: {  	[tilespmem:s11], [sflag:$0x2] =	stream.indirect.gather [hbm4b:s4+s5], $0x30, s19, s5, $0xb8;
	[tilespmem:$0x1EF50] =	vst v63  }
0x1de: {  	_ =	swait.ge [sflag:s18], $0x4B00  }
0x1df: {  	s19 =	sld [smem:$0x7FD]  }
0x1e0: {  	[sflag:s18] =	ssyncset.done $0x0  }
0x1e1: {  	[sflag:s18] =	ssyncadd.s32 $0xFFFFB500  }
0x1e2: {  	[spmem:s2] =	stream.indirect.scatter.add.f32 [tilespmem:s10], [sflag:$0x8], $0x30, s19, s5, $0xb8;
	[tilespmem:$0x1EF50] =	vst v63  }
0x1e3: {  	_ =	swait.ge [sflag:s13], $0x4B00  }
0x1e4: {  	[sflag:s13] =	ssyncset.done $0x0  }
0x1e5: {  	[sflag:s13] =	ssyncadd.s32 $0xFFFFB500  }
0x1e6: {  	[tilespmem:s9], [sflag:$0x3] =	stream.indirect.gather [hbm4b:s4+s5], $0x30, s24, s5, $0xb8;
	[tilespmem:$0x1EF50] =	vst v63  }
0x1e7: {  	_ =	swait.ge [sflag:s8], $0x4B00  }
0x1e8: {  	[sflag:s8] =	ssyncset.done $0x0  }
0x1e9: {  	[sflag:s8] =	ssyncadd.s32 $0xFFFFB500  }
0x1ea: {  	[spmem:s2] =	stream.indirect.scatter.add.f32 [tilespmem:s6], [sflag:$0x5], $0x30, s26, s5, $0xb8;
	[tilespmem:$0x1EF50] =	vst v63  }
0x1eb: {  	_ =	swait.ge [sflag:s14], $0x4B00  }
0x1ec: {  	[sflag:s14] =	ssyncset.done $0x0  }
0x1ed: {  	s19 =	simm.s32 $0x23F0;
	[sflag:s14] =	ssyncadd.s32 $0xFFFFB500  }
0x1ee: {  	[tilespmem:s10], [sflag:$0x4] =	stream.indirect.gather [hbm4b:s4+s5], $0x30, s19, s5, $0xb8;
	[tilespmem:$0x1EF50] =	vst v63  }
0x1ef: {  	_ =	swait.ge [sflag:s17], $0x4B00  }
0x1f0: {  	[sflag:s17] =	ssyncset.done $0x0  }
0x1f1: {  	[sflag:s17] =	ssyncadd.s32 $0xFFFFB500  }
0x1f2: {  	[spmem:s2] =	stream.indirect.scatter.add.f32 [tilespmem:s11], [sflag:$0x6], $0x30, s25, s5, $0xb8;
	[tilespmem:$0x1EF50] =	vst v63  }
0x1f3: {  	_ =	swait.ge [sflag:s7], $0x4B00  }
0x1f4: {  	[sflag:s7] =	ssyncset.done $0x0  }
0x1f5: {  	[sflag:s7] =	ssyncadd.s32 $0xFFFFB500  }
0x1f6: {  	[tilespmem:s6], [sflag:$0x1] =	stream.indirect.gather [hbm4b:s4+s5], $0x30, s23, s5, $0xb8;
	[tilespmem:$0x1EF50] =	vst v63  }
0x1f7: {  	_ =	swait.ge [sflag:s16], $0x4B00  }
0x1f8: {  	[sflag:s16] =	ssyncset.done $0x0  }
0x1f9: {  	[sflag:s16] =	ssyncadd.s32 $0xFFFFB500  }
0x1fa: {  	[spmem:s2] =	stream.indirect.scatter.add.f32 [tilespmem:s9], [sflag:$0x7], $0x30, s22, s5, $0xb8;
	[tilespmem:$0x1EF50] =	vst v63  }
0x1fb: {  	_ =	swait.ge [sflag:s18], $0x4B00  }
0x1fc: {  	[sflag:s18] =	ssyncset.done $0x0  }
0x1fd: {  	[sflag:s18] =	ssyncadd.s32 $0xFFFFB500  }
0x1fe: {  	[spmem:s2] =	stream.indirect.scatter.add.f32 [tilespmem:s10], [sflag:$0x8], $0x30, s21, s5, $0xb8;
	[tilespmem:$0x1EF50] =	vst v63  }
0x1ff: {  	_ =	swait.ge [sflag:s8], $0x4B00  }
0x200: {  	[sflag:s8] =	ssyncset.done $0x0  }
0x201: {  	[sflag:s8] =	ssyncadd.s32 $0xFFFFB500  }
0x202: {  	[spmem:s2] =	stream.indirect.scatter.add.f32 [tilespmem:s6], [sflag:$0x5], $0x30, s20, s5, $0xb8;
	[tilespmem:$0x1EF50] =	vst v63  }
0x203: {  	_ =	swait.ge [sflag:s12], $0x4B00  }
0x204: {  	[sflag:s12] =	ssyncset.done $0x0  }
0x205: {  	[sflag:s12] =	ssyncadd.s32 $0xFFFFB500  }
0x206: {  	_ =	swait.ge [sflag:s13], $0x4B00  }
0x207: {  	[sflag:s13] =	ssyncset.done $0x0  }
0x208: {  	[sflag:s13] =	ssyncadd.s32 $0xFFFFB500  }
0x209: {  	_ =	swait.ge [sflag:s14], $0x4B00  }
0x20a: {  	[sflag:s14] =	ssyncset.done $0x0  }
0x20b: {  	[sflag:s14] =	ssyncadd.s32 $0xFFFFB500  }
0x20c: {  	_ =	swait.ge [sflag:s7], $0x4B00  }
0x20d: {  	s1 =	sadd.s32 $0xFFFFFFFF, s1;
	[sflag:s7] =	ssyncset.done $0x0  }
0x20e: {  	p2 =	sne.s32 s1, $0x0;
	[sflag:s7] =	ssyncadd.s32 $0xFFFFB500  }
.Ltmp2:
0x20f: {  	[bflag:$0x0] =	sbarrier.arrive $0xFFFF;
	(pc) =	sbr.rel @p2 .LBB2_4-.Ltmp2, $4  }
0x210: {  	s0 =	rddreg [dreg:$0x7]  }
0x211: {  	[hbm:s0], [sflag:s3] =	dma.local @!p0 [spmem:s15], $0x1770  }
0x212: {  	_ =	swait.ge @!p0 [sflag:s31], $0x1770  }
0x213: {  	s0 =	rddreg [dreg:$0x4];
	[sflag:s31] =	ssyncset.done @!p0 $0x0  }
0x214: {  	s20 =	simm.s32 $0x2260;
	s26 =	simm.s32 $0x4650  }
0x215: {  	s25 =	simm.s32 $0x47E0;
	s24 =	simm.s32 $0x23F0;
	s23 =	simm.s32 $0x2580  }
0x216: {  	s22 =	simm.s32 $0x4970;
	s21 =	simm.s32 $0x4B00;
	s19 =	stileid.u32  }
.LBB2_6:
0x217: {  	p1 =	por p0, !p1  }
0x218: {  	s1 =	rddreg [dreg:$0x8];
	[sflag:s31] =	ssyncadd.s32 @!p1 $0xFFFFE890  }
0x219: {  	[spmem:s1], [sflag:s3] =	dma.local @!p0 [hbm:s0], $0x1770  }
0x21a: {  	s1 =	simm.s32 @!p0 $0x9  }
0x21b: {  	_ =	swait.ge @!p0 [sflag:s1], $0x1770  }
0x21c: {  	[sflag:s1] =	ssyncset.done @!p0 $0x0  }
0x21d: {  	s31 =	rddreg [dreg:$0x5];
	[sflag:s1] =	ssyncadd.s32 @!p0 $0xFFFFE890  }
0x21e: {  	[tilespmem:s28], [sflag:$0x9] =	stream.linear.gather [hbm4b:s31+s28], $0x2710, $0x38;
	[tilespmem:$0x1EF50] =	vst v63  }
0x21f: {  	_ =	swait.ge [sflag:s30], $0x2710  }
0x220: {  	[sflag:s30] =	ssyncset.done $0x0  }
0x221: {  	s31 =	rddreg [dreg:$0x6];
	[sflag:s30] =	ssyncadd.s32 $0xFFFFD8F0  }
0x222: {  	[tilespmem:s29], [sflag:$0x9] =	stream.linear.gather [hbm4b:s31+s28], $0x2710, $0x38;
	[tilespmem:$0x1EF50] =	vst v63  }
0x223: {  	_ =	swait.ge [sflag:s30], $0x2710  }
0x224: {  	[sflag:s30] =	ssyncset.done $0x0  }
0x225: {  	[sflag:s30] =	ssyncadd.s32 $0xFFFFD8F0  }
0x226: {  	[bflag:$0x0] =	sbarrier.arrive $0xFFFF  }
0x227: {  	[tilespmem:s6], [sflag:$0x1] =	stream.indirect.gather [hbm4b:s4+s5], $0x30, s28, s5, $0xb8;
	[tilespmem:$0x1EF50] =	vst v63  }
0x228: {  	_ = 	snop  }
0x229: {  	[tilespmem:s11], [sflag:$0x2] =	stream.indirect.gather [hbm4b:s4+s5], $0x30, s5, s5, $0xb8;
	[tilespmem:$0x1EF50] =	vst v63  }
0x22a: {  	s31 =	rddreg [dreg:$0x9]  }
0x22b: {  	[tilespmem:s9], [sflag:$0x3] =	stream.indirect.gather [hbm4b:s4+s5], $0x30, s31, s5, $0xb8;
	[tilespmem:$0x1EF50] =	vst v63  }
0x22c: {  	_ =	swait.ge [sflag:s8], $0x4B00  }
0x22d: {  	[sflag:s8] =	ssyncset.done $0x0  }
0x22e: {  	[sflag:s8] =	ssyncadd.s32 $0xFFFFB500  }
0x22f: {  	[spmem:s2] =	stream.indirect.scatter.add.f32 [tilespmem:s6], [sflag:$0x5], $0x30, s29, s5, $0xb8;
	[tilespmem:$0x1EF50] =	vst v63  }
0x230: {  	s28 =	rddreg [dreg:$0xa]  }
0x231: {  	[tilespmem:s10], [sflag:$0x4] =	stream.indirect.gather [hbm4b:s4+s5], $0x30, s28, s5, $0xb8;
	[tilespmem:$0x1EF50] =	vst v63  }
0x232: {  	_ =	swait.ge [sflag:s17], $0x4B00  }
0x233: {  	[sflag:s17] =	ssyncset.done $0x0  }
0x234: {  	s30 =	rddreg [dreg:$0xb];
	[sflag:s17] =	ssyncadd.s32 $0xFFFFB500  }
0x235: {  	[spmem:s2] =	stream.indirect.scatter.add.f32 [tilespmem:s11], [sflag:$0x6], $0x30, s30, s5, $0xb8;
	[tilespmem:$0x1EF50] =	vst v63  }
0x236: {  	_ =	swait.ge [sflag:s7], $0x4B00  }
0x237: {  	[sflag:s7] =	ssyncset.done $0x0  }
0x238: {  	s31 =	rddreg [dreg:$0xc];
	[sflag:s7] =	ssyncadd.s32 $0xFFFFB500  }
0x239: {  	[tilespmem:s6], [sflag:$0x1] =	stream.indirect.gather [hbm4b:s4+s5], $0x30, s31, s5, $0xb8;
	[tilespmem:$0x1EF50] =	vst v63  }
0x23a: {  	_ =	swait.ge [sflag:s16], $0x4B00  }
0x23b: {  	[sflag:s16] =	ssyncset.done $0x0  }
0x23c: {  	s28 =	rddreg [dreg:$0xd];
	[sflag:s16] =	ssyncadd.s32 $0xFFFFB500  }
0x23d: {  	[spmem:s2] =	stream.indirect.scatter.add.f32 [tilespmem:s9], [sflag:$0x7], $0x30, s28, s5, $0xb8;
	[tilespmem:$0x1EF50] =	vst v63  }
0x23e: {  	_ =	swait.ge [sflag:s12], $0x4B00  }
0x23f: {  	[sflag:s12] =	ssyncset.done $0x0  }
0x240: {  	s29 =	rddreg [dreg:$0xe];
	[sflag:s12] =	ssyncadd.s32 $0xFFFFB500  }
0x241: {  	[tilespmem:s11], [sflag:$0x2] =	stream.indirect.gather [hbm4b:s4+s5], $0x30, s29, s5, $0xb8;
	[tilespmem:$0x1EF50] =	vst v63  }
0x242: {  	_ =	swait.ge [sflag:s18], $0x4B00  }
0x243: {  	[sflag:s18] =	ssyncset.done $0x0  }
0x244: {  	s30 =	rddreg [dreg:$0xf];
	[sflag:s18] =	ssyncadd.s32 $0xFFFFB500  }
0x245: {  	[spmem:s2] =	stream.indirect.scatter.add.f32 [tilespmem:s10], [sflag:$0x8], $0x30, s30, s5, $0xb8;
	[tilespmem:$0x1EF50] =	vst v63  }
0x246: {  	_ =	swait.ge [sflag:s13], $0x4B00  }
0x247: {  	[sflag:s13] =	ssyncset.done $0x0  }
0x248: {  	s31 =	rddreg [dreg:$0x10];
	[sflag:s13] =	ssyncadd.s32 $0xFFFFB500  }
0x249: {  	[tilespmem:s9], [sflag:$0x3] =	stream.indirect.gather [hbm4b:s4+s5], $0x30, s31, s5, $0xb8;
	[tilespmem:$0x1EF50] =	vst v63  }
0x24a: {  	_ =	swait.ge [sflag:s8], $0x4B00  }
0x24b: {  	[sflag:s8] =	ssyncset.done $0x0  }
0x24c: {  	s28 =	rddreg [dreg:$0x11];
	[sflag:s8] =	ssyncadd.s32 $0xFFFFB500  }
0x24d: {  	[spmem:s2] =	stream.indirect.scatter.add.f32 [tilespmem:s6], [sflag:$0x5], $0x30, s28, s5, $0xb8;
	[tilespmem:$0x1EF50] =	vst v63  }
0x24e: {  	_ =	swait.ge [sflag:s14], $0x4B00  }
0x24f: {  	[sflag:s14] =	ssyncset.done $0x0  }
0x250: {  	s29 =	rddreg [dreg:$0x12];
	[sflag:s14] =	ssyncadd.s32 $0xFFFFB500  }
0x251: {  	[tilespmem:s10], [sflag:$0x4] =	stream.indirect.gather [hbm4b:s4+s5], $0x30, s29, s5, $0xb8;
	[tilespmem:$0x1EF50] =	vst v63  }
0x252: {  	_ =	swait.ge [sflag:s17], $0x4B00  }
0x253: {  	[sflag:s17] =	ssyncset.done $0x0  }
0x254: {  	s30 =	rddreg [dreg:$0x13];
	[sflag:s17] =	ssyncadd.s32 $0xFFFFB500  }
0x255: {  	[spmem:s2] =	stream.indirect.scatter.add.f32 [tilespmem:s11], [sflag:$0x6], $0x30, s30, s5, $0xb8;
	[tilespmem:$0x1EF50] =	vst v63  }
0x256: {  	_ =	swait.ge [sflag:s7], $0x4B00  }
0x257: {  	[sflag:s7] =	ssyncset.done $0x0  }
0x258: {  	s31 =	rddreg [dreg:$0x14];
	[sflag:s7] =	ssyncadd.s32 $0xFFFFB500  }
0x259: {  	[tilespmem:s6], [sflag:$0x1] =	stream.indirect.gather [hbm4b:s4+s5], $0x30, s31, s5, $0xb8;
	[tilespmem:$0x1EF50] =	vst v63  }
0x25a: {  	_ =	swait.ge [sflag:s16], $0x4B00  }
0x25b: {  	[sflag:s16] =	ssyncset.done $0x0  }
0x25c: {  	s28 =	rddreg [dreg:$0x15];
	[sflag:s16] =	ssyncadd.s32 $0xFFFFB500  }
0x25d: {  	[spmem:s2] =	stream.indirect.scatter.add.f32 [tilespmem:s9], [sflag:$0x7], $0x30, s28, s5, $0xb8;
	[tilespmem:$0x1EF50] =	vst v63  }
0x25e: {  	_ =	swait.ge [sflag:s12], $0x4B00  }
0x25f: {  	[sflag:s12] =	ssyncset.done $0x0  }
0x260: {  	s29 =	rddreg [dreg:$0x16];
	[sflag:s12] =	ssyncadd.s32 $0xFFFFB500  }
0x261: {  	[tilespmem:s11], [sflag:$0x2] =	stream.indirect.gather [hbm4b:s4+s5], $0x30, s29, s5, $0xb8;
	[tilespmem:$0x1EF50] =	vst v63  }
0x262: {  	_ =	swait.ge [sflag:s18], $0x4B00  }
0x263: {  	[sflag:s18] =	ssyncset.done $0x0  }
0x264: {  	s30 =	rddreg [dreg:$0x17];
	[sflag:s18] =	ssyncadd.s32 $0xFFFFB500  }
0x265: {  	[spmem:s2] =	stream.indirect.scatter.add.f32 [tilespmem:s10], [sflag:$0x8], $0x30, s30, s5, $0xb8;
	[tilespmem:$0x1EF50] =	vst v63  }
0x266: {  	_ =	swait.ge [sflag:s13], $0x4B00  }
0x267: {  	[sflag:s13] =	ssyncset.done $0x0  }
0x268: {  	s31 =	rddreg [dreg:$0x18];
	[sflag:s13] =	ssyncadd.s32 $0xFFFFB500  }
0x269: {  	[tilespmem:s9], [sflag:$0x3] =	stream.indirect.gather [hbm4b:s4+s5], $0x30, s31, s5, $0xb8;
	[tilespmem:$0x1EF50] =	vst v63  }
0x26a: {  	_ =	swait.ge [sflag:s8], $0x4B00  }
0x26b: {  	[sflag:s8] =	ssyncset.done $0x0  }
0x26c: {  	s28 =	rddreg [dreg:$0x19];
	[sflag:s8] =	ssyncadd.s32 $0xFFFFB500  }
0x26d: {  	[spmem:s2] =	stream.indirect.scatter.add.f32 [tilespmem:s6], [sflag:$0x5], $0x30, s28, s5, $0xb8;
	[tilespmem:$0x1EF50] =	vst v63  }
0x26e: {  	_ =	swait.ge [sflag:s14], $0x4B00  }
0x26f: {  	[sflag:s14] =	ssyncset.done $0x0  }
0x270: {  	s29 =	rddreg [dreg:$0x1a];
	[sflag:s14] =	ssyncadd.s32 $0xFFFFB500  }
0x271: {  	[tilespmem:s10], [sflag:$0x4] =	stream.indirect.gather [hbm4b:s4+s5], $0x30, s29, s5, $0xb8;
	[tilespmem:$0x1EF50] =	vst v63  }
0x272: {  	_ =	swait.ge [sflag:s17], $0x4B00  }
0x273: {  	[sflag:s17] =	ssyncset.done $0x0  }
0x274: {  	s30 =	rddreg [dreg:$0x1b];
	[sflag:s17] =	ssyncadd.s32 $0xFFFFB500  }
0x275: {  	[spmem:s2] =	stream.indirect.scatter.add.f32 [tilespmem:s11], [sflag:$0x6], $0x30, s30, s5, $0xb8;
	[tilespmem:$0x1EF50] =	vst v63  }
0x276: {  	_ =	swait.ge [sflag:s7], $0x4B00  }
0x277: {  	[sflag:s7] =	ssyncset.done $0x0  }
0x278: {  	s31 =	rddreg [dreg:$0x1c];
	[sflag:s7] =	ssyncadd.s32 $0xFFFFB500  }
0x279: {  	[tilespmem:s6], [sflag:$0x1] =	stream.indirect.gather [hbm4b:s4+s5], $0x30, s31, s5, $0xb8;
	[tilespmem:$0x1EF50] =	vst v63  }
0x27a: {  	_ =	swait.ge [sflag:s16], $0x4B00  }
0x27b: {  	[sflag:s16] =	ssyncset.done $0x0  }
0x27c: {  	s28 =	rddreg [dreg:$0x1d];
	[sflag:s16] =	ssyncadd.s32 $0xFFFFB500  }
0x27d: {  	[spmem:s2] =	stream.indirect.scatter.add.f32 [tilespmem:s9], [sflag:$0x7], $0x30, s28, s5, $0xb8;
	[tilespmem:$0x1EF50] =	vst v63  }
0x27e: {  	_ =	swait.ge [sflag:s12], $0x4B00  }
0x27f: {  	[sflag:s12] =	ssyncset.done $0x0  }
0x280: {  	s29 =	rddreg [dreg:$0x1e];
	[sflag:s12] =	ssyncadd.s32 $0xFFFFB500  }
0x281: {  	[tilespmem:s11], [sflag:$0x2] =	stream.indirect.gather [hbm4b:s4+s5], $0x30, s29, s5, $0xb8;
	[tilespmem:$0x1EF50] =	vst v63  }
0x282: {  	_ =	swait.ge [sflag:s18], $0x4B00  }
0x283: {  	[sflag:s18] =	ssyncset.done $0x0  }
0x284: {  	s30 =	rddreg [dreg:$0x1f];
	[sflag:s18] =	ssyncadd.s32 $0xFFFFB500  }
0x285: {  	[spmem:s2] =	stream.indirect.scatter.add.f32 [tilespmem:s10], [sflag:$0x8], $0x30, s30, s5, $0xb8;
	[tilespmem:$0x1EF50] =	vst v63  }
0x286: {  	_ =	swait.ge [sflag:s13], $0x4B00  }
0x287: {  	s31 =	sld [smem:$0x7EE]  }
0x288: {  	[sflag:s13] =	ssyncset.done $0x0  }
0x289: {  	[sflag:s13] =	ssyncadd.s32 $0xFFFFB500  }
0x28a: {  	[tilespmem:s9], [sflag:$0x3] =	stream.indirect.gather [hbm4b:s4+s5], $0x30, s31, s5, $0xb8;
	[tilespmem:$0x1EF50] =	vst v63  }
0x28b: {  	_ =	swait.ge [sflag:s8], $0x4B00  }
0x28c: {  	s28 =	sld [smem:$0x7EF]  }
0x28d: {  	[sflag:s8] =	ssyncset.done $0x0  }
0x28e: {  	[sflag:s8] =	ssyncadd.s32 $0xFFFFB500  }
0x28f: {  	[spmem:s2] =	stream.indirect.scatter.add.f32 [tilespmem:s6], [sflag:$0x5], $0x30, s28, s5, $0xb8;
	[tilespmem:$0x1EF50] =	vst v63  }
0x290: {  	_ =	swait.ge [sflag:s14], $0x4B00  }
0x291: {  	s29 =	sld [smem:$0x7F0]  }
0x292: {  	[sflag:s14] =	ssyncset.done $0x0  }
0x293: {  	[sflag:s14] =	ssyncadd.s32 $0xFFFFB500  }
0x294: {  	[tilespmem:s10], [sflag:$0x4] =	stream.indirect.gather [hbm4b:s4+s5], $0x30, s29, s5, $0xb8;
	[tilespmem:$0x1EF50] =	vst v63  }
0x295: {  	_ =	swait.ge [sflag:s17], $0x4B00  }
0x296: {  	s30 =	sld [smem:$0x7F1]  }
0x297: {  	[sflag:s17] =	ssyncset.done $0x0  }
0x298: {  	[sflag:s17] =	ssyncadd.s32 $0xFFFFB500  }
0x299: {  	[spmem:s2] =	stream.indirect.scatter.add.f32 [tilespmem:s11], [sflag:$0x6], $0x30, s30, s5, $0xb8;
	[tilespmem:$0x1EF50] =	vst v63  }
0x29a: {  	_ =	swait.ge [sflag:s7], $0x4B00  }
0x29b: {  	s31 =	sld [smem:$0x7F2]  }
0x29c: {  	[sflag:s7] =	ssyncset.done $0x0  }
0x29d: {  	[sflag:s7] =	ssyncadd.s32 $0xFFFFB500  }
0x29e: {  	[tilespmem:s6], [sflag:$0x1] =	stream.indirect.gather [hbm4b:s4+s5], $0x30, s31, s5, $0xb8;
	[tilespmem:$0x1EF50] =	vst v63  }
0x29f: {  	_ =	swait.ge [sflag:s16], $0x4B00  }
0x2a0: {  	s28 =	sld [smem:$0x7F3]  }
0x2a1: {  	[sflag:s16] =	ssyncset.done $0x0  }
0x2a2: {  	[sflag:s16] =	ssyncadd.s32 $0xFFFFB500  }
0x2a3: {  	[spmem:s2] =	stream.indirect.scatter.add.f32 [tilespmem:s9], [sflag:$0x7], $0x30, s28, s5, $0xb8;
	[tilespmem:$0x1EF50] =	vst v63  }
0x2a4: {  	_ =	swait.ge [sflag:s12], $0x4B00  }
0x2a5: {  	s29 =	sld [smem:$0x7F4]  }
0x2a6: {  	[sflag:s12] =	ssyncset.done $0x0  }
0x2a7: {  	[sflag:s12] =	ssyncadd.s32 $0xFFFFB500  }
0x2a8: {  	[tilespmem:s11], [sflag:$0x2] =	stream.indirect.gather [hbm4b:s4+s5], $0x30, s29, s5, $0xb8;
	[tilespmem:$0x1EF50] =	vst v63  }
0x2a9: {  	_ =	swait.ge [sflag:s18], $0x4B00  }
0x2aa: {  	s30 =	sld [smem:$0x7F5]  }
0x2ab: {  	[sflag:s18] =	ssyncset.done $0x0  }
0x2ac: {  	[sflag:s18] =	ssyncadd.s32 $0xFFFFB500  }
0x2ad: {  	[spmem:s2] =	stream.indirect.scatter.add.f32 [tilespmem:s10], [sflag:$0x8], $0x30, s30, s5, $0xb8;
	[tilespmem:$0x1EF50] =	vst v63  }
0x2ae: {  	_ =	swait.ge [sflag:s13], $0x4B00  }
0x2af: {  	s31 =	sld [smem:$0x7F6]  }
0x2b0: {  	[sflag:s13] =	ssyncset.done $0x0  }
0x2b1: {  	[sflag:s13] =	ssyncadd.s32 $0xFFFFB500  }
0x2b2: {  	[tilespmem:s9], [sflag:$0x3] =	stream.indirect.gather [hbm4b:s4+s5], $0x30, s31, s5, $0xb8;
	[tilespmem:$0x1EF50] =	vst v63  }
0x2b3: {  	_ =	swait.ge [sflag:s8], $0x4B00  }
0x2b4: {  	s28 =	sld [smem:$0x7F7]  }
0x2b5: {  	[sflag:s8] =	ssyncset.done $0x0  }
0x2b6: {  	[sflag:s8] =	ssyncadd.s32 $0xFFFFB500  }
0x2b7: {  	[spmem:s2] =	stream.indirect.scatter.add.f32 [tilespmem:s6], [sflag:$0x5], $0x30, s28, s5, $0xb8;
	[tilespmem:$0x1EF50] =	vst v63  }
0x2b8: {  	_ =	swait.ge [sflag:s14], $0x4B00  }
0x2b9: {  	s29 =	sld [smem:$0x7F8]  }
0x2ba: {  	[sflag:s14] =	ssyncset.done $0x0  }
0x2bb: {  	[sflag:s14] =	ssyncadd.s32 $0xFFFFB500  }
0x2bc: {  	[tilespmem:s10], [sflag:$0x4] =	stream.indirect.gather [hbm4b:s4+s5], $0x30, s29, s5, $0xb8;
	[tilespmem:$0x1EF50] =	vst v63  }
0x2bd: {  	_ =	swait.ge [sflag:s17], $0x4B00  }
0x2be: {  	s30 =	sld [smem:$0x7F9]  }
0x2bf: {  	[sflag:s17] =	ssyncset.done $0x0  }
0x2c0: {  	[sflag:s17] =	ssyncadd.s32 $0xFFFFB500  }
0x2c1: {  	[spmem:s2] =	stream.indirect.scatter.add.f32 [tilespmem:s11], [sflag:$0x6], $0x30, s30, s5, $0xb8;
	[tilespmem:$0x1EF50] =	vst v63  }
0x2c2: {  	_ =	swait.ge [sflag:s7], $0x4B00  }
0x2c3: {  	s31 =	sld [smem:$0x7FA]  }
0x2c4: {  	[sflag:s7] =	ssyncset.done $0x0  }
0x2c5: {  	[sflag:s7] =	ssyncadd.s32 $0xFFFFB500  }
0x2c6: {  	[tilespmem:s6], [sflag:$0x1] =	stream.indirect.gather [hbm4b:s4+s5], $0x30, s31, s5, $0xb8;
	[tilespmem:$0x1EF50] =	vst v63  }
0x2c7: {  	_ =	swait.ge [sflag:s16], $0x4B00  }
0x2c8: {  	s28 =	sld [smem:$0x7FB]  }
0x2c9: {  	[sflag:s16] =	ssyncset.done $0x0  }
0x2ca: {  	[sflag:s16] =	ssyncadd.s32 $0xFFFFB500  }
0x2cb: {  	[spmem:s2] =	stream.indirect.scatter.add.f32 [tilespmem:s9], [sflag:$0x7], $0x30, s28, s5, $0xb8;
	[tilespmem:$0x1EF50] =	vst v63  }
0x2cc: {  	_ =	swait.ge [sflag:s12], $0x4B00  }
0x2cd: {  	s29 =	sld [smem:$0x7FC]  }
0x2ce: {  	[sflag:s12] =	ssyncset.done $0x0  }
0x2cf: {  	[sflag:s12] =	ssyncadd.s32 $0xFFFFB500  }
0x2d0: {  	[tilespmem:s11], [sflag:$0x2] =	stream.indirect.gather [hbm4b:s4+s5], $0x30, s29, s5, $0xb8;
	[tilespmem:$0x1EF50] =	vst v63  }
0x2d1: {  	_ =	swait.ge [sflag:s18], $0x4B00  }
0x2d2: {  	s30 =	sld [smem:$0x7FD]  }
0x2d3: {  	[sflag:s18] =	ssyncset.done $0x0  }
0x2d4: {  	[sflag:s18] =	ssyncadd.s32 $0xFFFFB500  }
0x2d5: {  	[spmem:s2] =	stream.indirect.scatter.add.f32 [tilespmem:s10], [sflag:$0x8], $0x30, s30, s5, $0xb8;
	[tilespmem:$0x1EF50] =	vst v63  }
0x2d6: {  	_ =	swait.ge [sflag:s13], $0x4B00  }
0x2d7: {  	[sflag:s13] =	ssyncset.done $0x0  }
0x2d8: {  	[sflag:s13] =	ssyncadd.s32 $0xFFFFB500  }
0x2d9: {  	[tilespmem:s9], [sflag:$0x3] =	stream.indirect.gather [hbm4b:s4+s5], $0x30, s20, s5, $0xb8;
	[tilespmem:$0x1EF50] =	vst v63  }
0x2da: {  	_ =	swait.ge [sflag:s8], $0x4B00  }
0x2db: {  	[sflag:s8] =	ssyncset.done $0x0  }
0x2dc: {  	[sflag:s8] =	ssyncadd.s32 $0xFFFFB500  }
0x2dd: {  	[spmem:s2] =	stream.indirect.scatter.add.f32 [tilespmem:s6], [sflag:$0x5], $0x30, s26, s5, $0xb8;
	[tilespmem:$0x1EF50] =	vst v63  }
0x2de: {  	_ =	swait.ge [sflag:s14], $0x4B00  }
0x2df: {  	[sflag:s14] =	ssyncset.done $0x0  }
0x2e0: {  	[sflag:s14] =	ssyncadd.s32 $0xFFFFB500  }
0x2e1: {  	[tilespmem:s10], [sflag:$0x4] =	stream.indirect.gather [hbm4b:s4+s5], $0x30, s24, s5, $0xb8;
	[tilespmem:$0x1EF50] =	vst v63  }
0x2e2: {  	_ =	swait.ge [sflag:s17], $0x4B00  }
0x2e3: {  	[sflag:s17] =	ssyncset.done $0x0  }
0x2e4: {  	[sflag:s17] =	ssyncadd.s32 $0xFFFFB500  }
0x2e5: {  	[spmem:s2] =	stream.indirect.scatter.add.f32 [tilespmem:s11], [sflag:$0x6], $0x30, s25, s5, $0xb8;
	[tilespmem:$0x1EF50] =	vst v63  }
0x2e6: {  	_ =	swait.ge [sflag:s7], $0x4B00  }
0x2e7: {  	[sflag:s7] =	ssyncset.done $0x0  }
0x2e8: {  	[sflag:s7] =	ssyncadd.s32 $0xFFFFB500  }
0x2e9: {  	[tilespmem:s6], [sflag:$0x1] =	stream.indirect.gather [hbm4b:s4+s5], $0x30, s23, s5, $0xb8;
	[tilespmem:$0x1EF50] =	vst v63  }
0x2ea: {  	_ =	swait.ge [sflag:s16], $0x4B00  }
0x2eb: {  	[sflag:s16] =	ssyncset.done $0x0  }
0x2ec: {  	[sflag:s16] =	ssyncadd.s32 $0xFFFFB500  }
0x2ed: {  	[spmem:s2] =	stream.indirect.scatter.add.f32 [tilespmem:s9], [sflag:$0x7], $0x30, s22, s5, $0xb8;
	[tilespmem:$0x1EF50] =	vst v63  }
0x2ee: {  	_ =	swait.ge [sflag:s18], $0x4B00  }
0x2ef: {  	[sflag:s18] =	ssyncset.done $0x0  }
0x2f0: {  	[sflag:s18] =	ssyncadd.s32 $0xFFFFB500  }
0x2f1: {  	[spmem:s2] =	stream.indirect.scatter.add.f32 [tilespmem:s10], [sflag:$0x8], $0x30, s21, s5, $0xb8;
	[tilespmem:$0x1EF50] =	vst v63  }
0x2f2: {  	_ =	swait.ge [sflag:s8], $0x4B00  }
0x2f3: {  	[sflag:s8] =	ssyncset.done $0x0  }
0x2f4: {  	s31 =	simm.s32 $0x4C90;
	[sflag:s8] =	ssyncadd.s32 $0xFFFFB500  }
0x2f5: {  	[spmem:s2] =	stream.indirect.scatter.add.f32 [tilespmem:s6], [sflag:$0x5], $0x30, s31, s5, $0xb8;
	[tilespmem:$0x1EF50] =	vst v63  }
0x2f6: {  	_ =	swait.ge [sflag:s12], $0x4B00  }
0x2f7: {  	[sflag:s12] =	ssyncset.done $0x0  }
0x2f8: {  	[sflag:s12] =	ssyncadd.s32 $0xFFFFB500  }
0x2f9: {  	_ =	swait.ge [sflag:s13], $0x4B00  }
0x2fa: {  	[sflag:s13] =	ssyncset.done $0x0  }
0x2fb: {  	[sflag:s13] =	ssyncadd.s32 $0xFFFFB500  }
0x2fc: {  	_ =	swait.ge [sflag:s14], $0x4B00  }
0x2fd: {  	[sflag:s14] =	ssyncset.done $0x0  }
0x2fe: {  	[sflag:s14] =	ssyncadd.s32 $0xFFFFB500  }
0x2ff: {  	_ =	swait.ge [sflag:s7], $0x4B00  }
0x300: {  	[sflag:s7] =	ssyncset.done $0x0  }
0x301: {  	[sflag:s7] =	ssyncadd.s32 $0xFFFFB500  }
0x302: {  	[bflag:$0x0] =	sbarrier.arrive $0xFFFF  }
0x303: {  	s0 =	rddreg [dreg:$0x7]  }
0x304: {  	[hbm:s0], [sflag:s3] =	dma.local @!p0 [spmem:s15], $0x1770  }
0x305: {  	_ =	swait.ge @!p0 [sflag:s1], $0x1770  }
0x306: {  	[sflag:s1] =	ssyncset.done @!p0 $0x0  }
0x307: {  	[sflag:s1] =	ssyncadd.s32 @!p0 $0xFFFFE890  }
0x308: {  	_ =	sfence.sel $0x180000  }
0x309: {  	[bflag:$0x0] =	sbarrier.arrive $0xFFFF  }
0x30a: {  	_ =	strace $0x90000047  }
0x30b: {  	[bflag:$0x2] =	sbarrier.arrive $0xFFFF  }
0x30c: {  	p0 =	sne.s32 s19, $0x0;
	s0 =	rddreg [dreg:$0x3]  }
0x30d: {  	s0 =	sadd.s32 @!p0 $0x100000, s0  }
0x30e: {  	[sflag:s0] =	ssyncadd.tile.s32 @!p0 $0x1;
	_ =	shalt  }
.LBB2_1:
.Ltmp3:
0x30f: {  	(pc) =	sbr.rel .LBB2_6-.Ltmp3, $4  }
0x310: {  	_ = 	snop  }
0x311: {  	s20 =	simm.s32 $0x2260  }
0x312: {  	s26 =	simm.s32 $0x4650;
	s25 =	simm.s32 $0x47E0;
	s24 =	simm.s32 $0x23F0  }
0x313: {  	s23 =	simm.s32 $0x2580;
	s22 =	simm.s32 $0x4970;
	s21 =	simm.s32 $0x4B00  }
.LBB2_3:
.Ltmp4:
0x314: {  	(pc) =	sbr.rel .LBB2_6-.Ltmp4, $4  }
0x315: {  	_ = 	snop  }
0x316: {  	s20 =	simm.s32 $0x2260;
	s26 =	simm.s32 $0x4650  }
0x317: {  	s25 =	simm.s32 $0x47E0;
	s24 =	simm.s32 $0x23F0;
	s23 =	simm.s32 $0x2580  }
0x318: {  	s22 =	simm.s32 $0x4970;
	s21 =	simm.s32 $0x4B00;
	s19 =	stileid.u32  }
.Lfunc_end2:
_tile_overlayer_lowered:
.L_overlay_start_2:
0x319: {  	(tag) =	ssettag $0x2  }
0x31a: {  	s0 =	rddreg [dreg:$0x0];
	s2 =	stileid.u32  }
0x31b: {  	s1 =	rddreg [dreg:$0x1];
	p0 =	sne.s32 s2, $0x0  }
0x31c: {  	s3 =	rddreg [dreg:$0x2];
	[bflag:$0x3] =	sbarrier.arrive $0xFFFF;
	s2 =	simm.s32 @!p0 $0x1C09  }
0x31d: {  	[timem:s3], [sflag:s2] =	dma.local @!p0 [hbm:s0], s1  }
0x31e: {  	s0 =	simm.s32 @!p0 $0x9  }
0x31f: {  	_ =	swait.ge @!p0 [sflag:s0], s1  }
0x320: {  	s1 =	ssub.s32 @!p0 $0x0, s1;
	[sflag:s0] =	ssyncset.done @!p0 $0x0  }
0x321: {  	[sflag:s0] =	ssyncadd.s32 @!p0 s1  }
0x322: {  	[bflag:$0x3] =	sbarrier.arrive $0xFFFF  }
0x323: {  	_ =	shalt  }

</sc_bundles>
